<compile_context>
chip_gen: v7x
topology: tpu7x:2x2x1
jax: 0.10.2.dev20260603
libtpu: 0.0.44.dev20260713+nightly
codegen_flags: <defaults>
</compile_context>

<pallas_src>
import functools

import jax
import jax.numpy as jnp
from jax import lax
from jax.experimental import pallas as pl
from jax.experimental.pallas import tpu as pltpu
from jax.experimental.pallas import tpu_sc as plsc

E = 8
NG = 2
BLK = 256
NW = 32
LANES = 16



def _pack_bf16(lo_f32, hi_f32):
    lo = lax.bitcast_convert_type(
        lo_f32.astype(jnp.bfloat16).astype(jnp.float32), jnp.int32)
    hi = lax.bitcast_convert_type(
        hi_f32.astype(jnp.bfloat16).astype(jnp.float32), jnp.int32)
    return lax.shift_right_logical(lo, 16) | (hi & jnp.int32(-65536))


def _unpack_bf16(p):
    lo = lax.bitcast_convert_type(lax.shift_left(p, 16), jnp.float32)
    hi = lax.bitcast_convert_type(p & jnp.int32(-65536), jnp.float32)
    return lo, hi


def _gate_route_body(T, NB, x_ref, gw_ref, xp_ref, d0_ref, d1_ref, w0_ref,
                     w1_ref, bexp_ref):
    x = x_ref[...]
    H2 = x.shape[1] // 2
    xp_ref[...] = _pack_bf16(x[:, :H2], x[:, H2:])
    lT = lax.dot_general(gw_ref[...], x, (((1,), (1,)), ((), ())),
                         preferred_element_type=jnp.float32)
    eidx = lax.broadcasted_iota(jnp.int32, (E, T), 0)
    gsz = E // NG
    g0 = jnp.max(lT[:gsz], axis=0, keepdims=True)
    g1 = jnp.max(lT[gsz:], axis=0, keepdims=True)
    hi = jnp.where(eidx >= gsz, 1.0, 0.0)
    use1 = jnp.where(g1 > g0, 1.0, 0.0)
    in_grp = use1 * hi + (1.0 - use1) * (1.0 - hi)
    ml = lT - (1.0 - in_grp) * jnp.float32(1e30)
    m1 = jnp.max(ml, axis=0, keepdims=True)
    i1 = jnp.min(jnp.where(ml == m1, eidx, E + 1), axis=0, keepdims=True)
    ml2 = jnp.where(eidx == i1, jnp.float32(-1e30), ml)
    m2 = jnp.max(ml2, axis=0, keepdims=True)
    i2 = jnp.min(jnp.where(ml2 == m2, eidx, E + 1), axis=0, keepdims=True)
    wa = jax.nn.sigmoid(m1 - m2)
    w0_ref[...] = jnp.transpose(jnp.broadcast_to(wa, (LANES, T)), (1, 0))
    w1_ref[...] = jnp.transpose(
        jnp.broadcast_to(1.0 - wa, (LANES, T)), (1, 0))
    oh1 = eidx == i1
    oh2 = eidx == i2
    sel = jnp.where(oh1 | oh2, 1.0, 0.0)
    incl = sel
    off = 1
    while off < T:
        sh = jnp.concatenate(
            [jnp.zeros((E, off), jnp.float32), incl[:, :T - off]], axis=1)
        incl = incl + sh
        off *= 2
    ranks = incl - sel
    counts = incl[:, T - 1:T]
    nblk = jnp.floor((counts + (BLK - 1)) * (1.0 / BLK))
    acc = nblk
    off = 1
    while off < E:
        sh = jnp.concatenate(
            [jnp.zeros((off, 1), jnp.float32), acc[:E - off]], axis=0)
        acc = acc + sh
        off *= 2
    off_blk = acc - nblk
    destf = ranks + off_blk * BLK
    d0_ref[...] = jnp.sum(jnp.where(oh1, destf, 0.0), axis=0).astype(jnp.int32)
    d1_ref[...] = jnp.sum(jnp.where(oh2, destf, 0.0), axis=0).astype(jnp.int32)
    totalf = jnp.sum(nblk, axis=0, keepdims=True)
    bidx = lax.broadcasted_iota(jnp.int32, (E, NB), 1).astype(jnp.float32)
    bidx = jnp.minimum(bidx, totalf - 1.0)
    bexp = jnp.sum(jnp.where(bidx >= off_blk, 1, 0), axis=0) - 1
    total = jnp.sum(nblk, axis=0).astype(jnp.int32)
    bexp_ref[...] = jnp.concatenate([bexp, total], axis=0)


def _gate_route(x, gw, NB):
    T, H = x.shape
    return pl.pallas_call(
        functools.partial(_gate_route_body, T, NB),
        out_shape=(
            jax.ShapeDtypeStruct((T, H // 2), jnp.int32),
            jax.ShapeDtypeStruct((T,), jnp.int32),
            jax.ShapeDtypeStruct((T,), jnp.int32),
            jax.ShapeDtypeStruct((T, LANES), jnp.float32),
            jax.ShapeDtypeStruct((T, LANES), jnp.float32),
            jax.ShapeDtypeStruct((NB + 1,), jnp.int32),
        ),
    )(x, gw)



def _scatter_body(TPW, x_hbm, d0_hbm, d1_hbm, xs_hbm, idx0_v, idx1_v, rows_v,
                  sem):
    wid = lax.axis_index("s") * 2 + lax.axis_index("c")
    base = wid * TPW
    pltpu.sync_copy(d0_hbm.at[pl.ds(base, TPW)], idx0_v)
    pltpu.sync_copy(d1_hbm.at[pl.ds(base, TPW)], idx1_v)
    pltpu.sync_copy(x_hbm.at[pl.ds(base, TPW)], rows_v)
    c0 = pltpu.async_copy(rows_v, xs_hbm.at[idx0_v], sem)
    c1 = pltpu.async_copy(rows_v, xs_hbm.at[idx1_v], sem)
    c0.wait()
    c1.wait()


def _dispatch(xp, d0, d1, NR):
    T, HP = xp.shape
    TPW = T // NW
    mesh = plsc.VectorSubcoreMesh(core_axis_name="c", subcore_axis_name="s")
    return pl.kernel(
        functools.partial(_scatter_body, TPW),
        mesh=mesh,
        out_type=jax.ShapeDtypeStruct((NR, HP), jnp.int32),
        scratch_types=[
            pltpu.VMEM((TPW,), jnp.int32),
            pltpu.VMEM((TPW,), jnp.int32),
            pltpu.VMEM((TPW, HP), jnp.int32),
            pltpu.SemaphoreType.DMA,
        ],
    )(xp, d0, d1)



def _gemm_body(I, NB, be_ref, xs_ref, w13_ref, w2_ref, ys_ref):
    @pl.when(pl.program_id(0) < be_ref[NB])
    def _():
        xlo, xhi = _unpack_bf16(xs_ref[...])
        xb = jnp.concatenate([xlo, xhi], axis=1).astype(jnp.bfloat16)
        g = lax.dot_general(xb, w13_ref[0].astype(jnp.bfloat16),
                            (((1,), (1,)), ((), ())),
                            preferred_element_type=jnp.float32)
        gate = g[:, :I]
        up = g[:, I:]
        h = (gate * jax.nn.sigmoid(gate) * up).astype(jnp.bfloat16)
        ys_ref[...] = lax.dot_general(h, w2_ref[0].astype(jnp.bfloat16),
                                      (((1,), (1,)), ((), ())),
                                      preferred_element_type=jnp.float32)


def _expert_gemm(bexp, xs, w13, w2, NB):
    NR, HP = xs.shape
    I2 = w13.shape[1]
    H = w2.shape[1]
    I = w2.shape[2]
    grid_spec = pltpu.PrefetchScalarGridSpec(
        num_scalar_prefetch=1,
        grid=(NB,),
        in_specs=[
            pl.BlockSpec((BLK, HP), lambda i, be: (jnp.minimum(i, be[NB] - 1), 0)),
            pl.BlockSpec((1, I2, H), lambda i, be: (be[i], 0, 0)),
            pl.BlockSpec((1, H, I), lambda i, be: (be[i], 0, 0)),
        ],
        out_specs=pl.BlockSpec((BLK, H), lambda i, be: (i, 0)),
    )
    return pl.pallas_call(
        functools.partial(_gemm_body, I, NB),
        grid_spec=grid_spec,
        out_shape=jax.ShapeDtypeStruct((NR, H), jnp.float32),
    )(bexp, xs, w13, w2)



def _combine_body(TPW, H, ys_hbm, d0_hbm, d1_hbm, w0_hbm, w1_hbm, out_hbm,
                  idx0_v, idx1_v, r0_v, r1_v, w0_v, w1_v, sem):
    wid = lax.axis_index("s") * 2 + lax.axis_index("c")
    base = wid * TPW
    pltpu.sync_copy(d0_hbm.at[pl.ds(base, TPW)], idx0_v)
    c0 = pltpu.async_copy(ys_hbm.at[idx0_v], r0_v, sem)
    pltpu.sync_copy(d1_hbm.at[pl.ds(base, TPW)], idx1_v)
    c1 = pltpu.async_copy(ys_hbm.at[idx1_v], r1_v, sem)
    pltpu.sync_copy(w0_hbm.at[pl.ds(base, TPW)], w0_v)
    pltpu.sync_copy(w1_hbm.at[pl.ds(base, TPW)], w1_v)
    c0.wait()
    c1.wait()
    nch = H // LANES

    def tok(i, carry):
        wa = w0_v[i, :]
        wb = w1_v[i, :]
        for j in range(nch):
            sl = pl.ds(j * LANES, LANES)
            r0_v[i, sl] = r0_v[i, sl] * wa + r1_v[i, sl] * wb
        return carry

    lax.fori_loop(0, TPW, tok, 0)
    pltpu.sync_copy(r0_v, out_hbm.at[pl.ds(base, TPW)])


def _combine(ys, d0, d1, w0, w1, T):
    NR, H = ys.shape
    TPW = T // NW
    mesh = plsc.VectorSubcoreMesh(core_axis_name="c", subcore_axis_name="s")
    return pl.kernel(
        functools.partial(_combine_body, TPW, H),
        mesh=mesh,
        out_type=jax.ShapeDtypeStruct((T, H), jnp.float32),
        scratch_types=[
            pltpu.VMEM((TPW,), jnp.int32),
            pltpu.VMEM((TPW,), jnp.int32),
            pltpu.VMEM((TPW, H), jnp.float32),
            pltpu.VMEM((TPW, H), jnp.float32),
            pltpu.VMEM((TPW, LANES), jnp.float32),
            pltpu.VMEM((TPW, LANES), jnp.float32),
            pltpu.SemaphoreType.DMA,
        ],
    )(ys, d0, d1, w0, w1)



def kernel(hidden_states, gate_weight, w13_weight, w2_weight):
    b, s, h = hidden_states.shape
    x = hidden_states.reshape(-1, h)
    T = x.shape[0]
    NB = (T * 2) // BLK + (E - 1)
    NR = NB * BLK
    xp, d0, d1, w0, w1, bexp = _gate_route(x, gate_weight, NB)
    xs = _dispatch(xp, d0, d1, NR)
    ys = _expert_gemm(bexp, xs, w13_weight, w2_weight, NB)
    out = _combine(ys, d0, d1, w0, w1, T)
    return out.reshape(b, s, h)

# --- scband reference (transcript-rebuilt; emitter-appended) ---
"""Pipeline reference for scband-epmo-e-20444044329134 (READ-ONLY COPY).

The authoritative reference and input builder live on the scoring server;
editing this copy changes nothing except your own understanding.
"""

import jax, jax.numpy as jnp
import numpy as np

E = 8          # n_routed_experts
TOPK = 2       # num_experts_per_tok
H = 768        # hidden_size
I = 384        # moe_intermediate_size
NG = 2         # n_group
TG = 1         # topk_group
B = 1
S = 2048


def setup_inputs(seed: int = 0) -> dict:
    key = jax.random.key(seed)
    k1, k2, k3, k4 = jax.random.split(key, 4)
    hidden_states = jax.random.normal(k1, (B, S, H), dtype=jnp.float32)
    gate_weight = jax.random.normal(k2, (E, H), dtype=jnp.float32) * 0.02
    w13_weight = jax.random.normal(k3, (E, 2 * I, H), dtype=jnp.float32) * 0.02
    w2_weight = jax.random.normal(k4, (E, H, I), dtype=jnp.float32) * 0.02
    return {
        "hidden_states": hidden_states,
        "gate_weight": gate_weight,
        "w13_weight": w13_weight,
        "w2_weight": w2_weight,
    }


def _grouped_topk(scores):
    # DeepSeek-style grouped top-k gate (use_grouped_topk=True, renormalize=True)
    T = scores.shape[0]
    group_scores = scores.reshape(T, NG, E // NG).max(axis=-1)           # [T, NG]
    _, group_idx = jax.lax.top_k(group_scores, TG)                        # [T, TG]
    group_mask = jnp.sum(jax.nn.one_hot(group_idx, NG, dtype=scores.dtype), axis=1)  # [T, NG]
    score_mask = jnp.repeat(group_mask, E // NG, axis=1)                  # [T, E]
    masked = jnp.where(score_mask > 0, scores, 0.0)
    topk_weights, topk_ids = jax.lax.top_k(masked, TOPK)                  # [T, K]
    topk_weights = topk_weights / jnp.sum(topk_weights, axis=-1, keepdims=True)
    return topk_ids, topk_weights


def reference(hidden_states, gate_weight, w13_weight, w2_weight):
    b, s, h = hidden_states.shape
    x = hidden_states.reshape(-1, h)                      # [T, H]
    # MoEGate
    logits = x @ gate_weight.T                             # [T, E]
    scores = jax.nn.softmax(logits, axis=-1)
    topk_ids, topk_weights = _grouped_topk(scores)
    # Expert computation. Mathematically identical to the grouped-gemm dispatch:
    # every (token, k) pair goes through gateup GEMM -> silu_and_mul -> down GEMM
    # of its routed expert; here each expert is applied to all tokens and the
    # routed results are gathered (equals pre_reorder/grouped_gemm/post_reorder).
    g = jnp.einsum('th,efh->etf', x, w13_weight)           # [E, T, 2I] gateup
    gate_part = g[:, :, :I]
    up_part = g[:, :, I:]
    hmid = jax.nn.silu(gate_part) * up_part                # silu_and_mul
    y = jnp.einsum('eti,ehi->eth', hmid, w2_weight)        # [E, T, H] down
    y_t = jnp.transpose(y, (1, 0, 2))                      # [T, E, H]
    sel = jnp.take_along_axis(y_t, topk_ids[:, :, None], axis=1)  # [T, K, H]
    out = jnp.sum(sel * topk_weights[:, :, None].astype(sel.dtype), axis=1)  # post_reorder weighted sum
    return out.reshape(b, s, h)

if __name__ == "__main__":
    import jax
    _d = setup_inputs()
    print(jax.jit(kernel)(*tuple(_d.values())))

</pallas_src>

<mosaic_0001>
#map = affine_map<(d0, d1) -> (0, 0)>
#map1 = affine_map<(d0, d1) -> (0)>
module attributes {stable_mosaic.version = 14 : i64} {
  func.func @_combine_body(%arg0: i32, %arg1: i32, %arg2: memref<5888x768xf32, #tpu.memory_space<hbm>>, %arg3: memref<2048xi32, #tpu.memory_space<hbm>>, %arg4: memref<2048xi32, #tpu.memory_space<hbm>>, %arg5: memref<2048x16xf32, #tpu.memory_space<hbm>>, %arg6: memref<2048x16xf32, #tpu.memory_space<hbm>>, %arg7: memref<2048x768xf32, #tpu.memory_space<hbm>>, %arg8: memref<64xi32, #tpu.memory_space<vmem>>, %arg9: memref<64xi32, #tpu.memory_space<vmem>>, %arg10: memref<64x768xf32, #tpu.memory_space<vmem>>, %arg11: memref<64x768xf32, #tpu.memory_space<vmem>>, %arg12: memref<64x16xf32, #tpu.memory_space<vmem>>, %arg13: memref<64x16xf32, #tpu.memory_space<vmem>>, %arg14: memref<!tpu.dma_semaphore, #tpu.memory_space<semaphore_mem>>) attributes {dimension_semantics = [#tpu.dimension_semantics<core_parallel>, #tpu.dimension_semantics<subcore_parallel>], iteration_bounds = array<i64: 2, 16>, scalar_prefetch = 0 : i64, scratch_operands = 7 : i64, tpu.core_type = #tpu.core_type<sc_vector_subcore>, window_params = [{transform_indices = #map}, {transform_indices = #map1}, {transform_indices = #map1}, {transform_indices = #map}, {transform_indices = #map}, {transform_indices = #map}]} {
    %mul3A = arith.constant 2 : i32
    %mul3A_0 = arith.muli %arg1, %mul3A : i32
    %add3A = arith.addi %mul3A_0, %arg0 : i32
    %mul3A_1 = arith.constant 64 : i32
    %mul3A_2 = arith.muli %add3A, %mul3A_1 : i32
    "tpu.region"() ({
      %run_scoped3A = tpu.sem_alloc : memref<!tpu.dma_semaphore, #tpu.memory_space<semaphore_mem>>
      %dma_start3A_18 = tpu.memref_slice %arg3[%mul3A_2] : memref<2048xi32, #tpu.memory_space<hbm>> -> memref<64xi32, #tpu.memory_space<hbm>>
      %dma_start3A_19 = tpu.memref_slice %arg3[%mul3A_2] : memref<2048xi32, #tpu.memory_space<hbm>> -> memref<64xi32, #tpu.memory_space<hbm>>
      tpu.enqueue_dma source(%dma_start3A_19 : memref<64xi32, #tpu.memory_space<hbm>>) target(%arg8 : memref<64xi32, #tpu.memory_space<vmem>>) target_semaphore(%run_scoped3A : memref<!tpu.dma_semaphore, #tpu.memory_space<semaphore_mem>>)
      %dma_wait3A_20 = tpu.memref_slice %arg3[%mul3A_2] : memref<2048xi32, #tpu.memory_space<hbm>> -> memref<64xi32, #tpu.memory_space<hbm>>
      %dma_wait3A_21 = tpu.memref_slice %arg3[%mul3A_2] : memref<2048xi32, #tpu.memory_space<hbm>> -> memref<64xi32, #tpu.memory_space<hbm>>
      tpu.wait_dma2 semaphore(%run_scoped3A : memref<!tpu.dma_semaphore, #tpu.memory_space<semaphore_mem>>) src(%dma_wait3A_21 : memref<64xi32, #tpu.memory_space<hbm>>) dst(%arg8 : memref<64xi32, #tpu.memory_space<vmem>>)
      tpu.yield
    }) : () -> ()
    %dma_start3A = arith.constant 0 : i32
    %dma_start3A_3 = arith.constant 0 : i32
    %dma_start3A_4 = tpu.memref_slice %arg2[%dma_start3A, %dma_start3A_3] : memref<5888x768xf32, #tpu.memory_space<hbm>> -> memref<5888x768xf32, #tpu.memory_space<hbm>>
    tpu.enqueue_indirect_dma source(%dma_start3A_4 : memref<5888x768xf32, #tpu.memory_space<hbm>>) target(%arg10 : memref<64x768xf32, #tpu.memory_space<vmem>>) offsets(%arg8 : memref<64xi32, #tpu.memory_space<vmem>>) semaphore(%arg14 : memref<!tpu.dma_semaphore, #tpu.memory_space<semaphore_mem>>)
    "tpu.region"() ({
      %run_scoped3A = tpu.sem_alloc : memref<!tpu.dma_semaphore, #tpu.memory_space<semaphore_mem>>
      %dma_start3A_18 = tpu.memref_slice %arg4[%mul3A_2] : memref<2048xi32, #tpu.memory_space<hbm>> -> memref<64xi32, #tpu.memory_space<hbm>>
      %dma_start3A_19 = tpu.memref_slice %arg4[%mul3A_2] : memref<2048xi32, #tpu.memory_space<hbm>> -> memref<64xi32, #tpu.memory_space<hbm>>
      tpu.enqueue_dma source(%dma_start3A_19 : memref<64xi32, #tpu.memory_space<hbm>>) target(%arg9 : memref<64xi32, #tpu.memory_space<vmem>>) target_semaphore(%run_scoped3A : memref<!tpu.dma_semaphore, #tpu.memory_space<semaphore_mem>>)
      %dma_wait3A_20 = tpu.memref_slice %arg4[%mul3A_2] : memref<2048xi32, #tpu.memory_space<hbm>> -> memref<64xi32, #tpu.memory_space<hbm>>
      %dma_wait3A_21 = tpu.memref_slice %arg4[%mul3A_2] : memref<2048xi32, #tpu.memory_space<hbm>> -> memref<64xi32, #tpu.memory_space<hbm>>
      tpu.wait_dma2 semaphore(%run_scoped3A : memref<!tpu.dma_semaphore, #tpu.memory_space<semaphore_mem>>) src(%dma_wait3A_21 : memref<64xi32, #tpu.memory_space<hbm>>) dst(%arg9 : memref<64xi32, #tpu.memory_space<vmem>>)
      tpu.yield
    }) : () -> ()
    %dma_start3A_5 = arith.constant 0 : i32
    %dma_start3A_6 = arith.constant 0 : i32
    %dma_start3A_7 = tpu.memref_slice %arg2[%dma_start3A_5, %dma_start3A_6] : memref<5888x768xf32, #tpu.memory_space<hbm>> -> memref<5888x768xf32, #tpu.memory_space<hbm>>
    tpu.enqueue_indirect_dma source(%dma_start3A_7 : memref<5888x768xf32, #tpu.memory_space<hbm>>) target(%arg11 : memref<64x768xf32, #tpu.memory_space<vmem>>) offsets(%arg9 : memref<64xi32, #tpu.memory_space<vmem>>) semaphore(%arg14 : memref<!tpu.dma_semaphore, #tpu.memory_space<semaphore_mem>>)
    "tpu.region"() ({
      %run_scoped3A = tpu.sem_alloc : memref<!tpu.dma_semaphore, #tpu.memory_space<semaphore_mem>>
      %dma_start3A_18 = arith.constant 0 : i32
      %dma_start3A_19 = tpu.memref_slice %arg5[%mul3A_2, %dma_start3A_18] : memref<2048x16xf32, #tpu.memory_space<hbm>> -> memref<64x16xf32, #tpu.memory_space<hbm>>
      %dma_start3A_20 = arith.constant 0 : i32
      %dma_start3A_21 = tpu.memref_slice %arg5[%mul3A_2, %dma_start3A_20] : memref<2048x16xf32, #tpu.memory_space<hbm>> -> memref<64x16xf32, #tpu.memory_space<hbm>>
      tpu.enqueue_dma source(%dma_start3A_21 : memref<64x16xf32, #tpu.memory_space<hbm>>) target(%arg12 : memref<64x16xf32, #tpu.memory_space<vmem>>) target_semaphore(%run_scoped3A : memref<!tpu.dma_semaphore, #tpu.memory_space<semaphore_mem>>)
      %dma_wait3A_22 = arith.constant 0 : i32
      %dma_wait3A_23 = tpu.memref_slice %arg5[%mul3A_2, %dma_wait3A_22] : memref<2048x16xf32, #tpu.memory_space<hbm>> -> memref<64x16xf32, #tpu.memory_space<hbm>>
      %dma_wait3A_24 = arith.constant 0 : i32
      %dma_wait3A_25 = tpu.memref_slice %arg5[%mul3A_2, %dma_wait3A_24] : memref<2048x16xf32, #tpu.memory_space<hbm>> -> memref<64x16xf32, #tpu.memory_space<hbm>>
      tpu.wait_dma2 semaphore(%run_scoped3A : memref<!tpu.dma_semaphore, #tpu.memory_space<semaphore_mem>>) src(%dma_wait3A_25 : memref<64x16xf32, #tpu.memory_space<hbm>>) dst(%arg12 : memref<64x16xf32, #tpu.memory_space<vmem>>)
      tpu.yield
    }) : () -> ()
    "tpu.region"() ({
      %run_scoped3A = tpu.sem_alloc : memref<!tpu.dma_semaphore, #tpu.memory_space<semaphore_mem>>
      %dma_start3A_18 = arith.constant 0 : i32
      %dma_start3A_19 = tpu.memref_slice %arg6[%mul3A_2, %dma_start3A_18] : memref<2048x16xf32, #tpu.memory_space<hbm>> -> memref<64x16xf32, #tpu.memory_space<hbm>>
      %dma_start3A_20 = arith.constant 0 : i32
      %dma_start3A_21 = tpu.memref_slice %arg6[%mul3A_2, %dma_start3A_20] : memref<2048x16xf32, #tpu.memory_space<hbm>> -> memref<64x16xf32, #tpu.memory_space<hbm>>
      tpu.enqueue_dma source(%dma_start3A_21 : memref<64x16xf32, #tpu.memory_space<hbm>>) target(%arg13 : memref<64x16xf32, #tpu.memory_space<vmem>>) target_semaphore(%run_scoped3A : memref<!tpu.dma_semaphore, #tpu.memory_space<semaphore_mem>>)
      %dma_wait3A_22 = arith.constant 0 : i32
      %dma_wait3A_23 = tpu.memref_slice %arg6[%mul3A_2, %dma_wait3A_22] : memref<2048x16xf32, #tpu.memory_space<hbm>> -> memref<64x16xf32, #tpu.memory_space<hbm>>
      %dma_wait3A_24 = arith.constant 0 : i32
      %dma_wait3A_25 = tpu.memref_slice %arg6[%mul3A_2, %dma_wait3A_24] : memref<2048x16xf32, #tpu.memory_space<hbm>> -> memref<64x16xf32, #tpu.memory_space<hbm>>
      tpu.wait_dma2 semaphore(%run_scoped3A : memref<!tpu.dma_semaphore, #tpu.memory_space<semaphore_mem>>) src(%dma_wait3A_25 : memref<64x16xf32, #tpu.memory_space<hbm>>) dst(%arg13 : memref<64x16xf32, #tpu.memory_space<vmem>>)
      tpu.yield
    }) : () -> ()
    %dma_wait3A = arith.constant 0 : i32
    %dma_wait3A_8 = arith.constant 0 : i32
    %dma_wait3A_9 = tpu.memref_slice %arg2[%dma_wait3A, %dma_wait3A_8] : memref<5888x768xf32, #tpu.memory_space<hbm>> -> memref<5888x768xf32, #tpu.memory_space<hbm>>
    tpu.wait_indirect_dma semaphore(%arg14 : memref<!tpu.dma_semaphore, #tpu.memory_space<semaphore_mem>>) src(%dma_wait3A_9 : memref<5888x768xf32, #tpu.memory_space<hbm>>) dst(%arg10 : memref<64x768xf32, #tpu.memory_space<vmem>>)
    %dma_wait3A_10 = arith.constant 0 : i32
    %dma_wait3A_11 = arith.constant 0 : i32
    %dma_wait3A_12 = tpu.memref_slice %arg2[%dma_wait3A_10, %dma_wait3A_11] : memref<5888x768xf32, #tpu.memory_space<hbm>> -> memref<5888x768xf32, #tpu.memory_space<hbm>>
    tpu.wait_indirect_dma semaphore(%arg14 : memref<!tpu.dma_semaphore, #tpu.memory_space<semaphore_mem>>) src(%dma_wait3A_12 : memref<5888x768xf32, #tpu.memory_space<hbm>>) dst(%arg11 : memref<64x768xf32, #tpu.memory_space<vmem>>)
    %scan3A = arith.constant 0 : i32
    %scan3A_13 = arith.constant 0 : i32
    %scan3A_14 = arith.constant 64 : i32
    %scan3A_15 = arith.addi %scan3A_13, %scan3A_14 : i32
    %scan3A_16 = arith.constant 1 : i32
    scf.for %scan3A_18 = %scan3A_13 to %scan3A_15 step %scan3A_16  : i32 {
      %get3A = arith.index_cast %scan3A_18 : i32 to index
      %get3A_19 = arith.constant 0 : index
      %get3A_20 = tpu.vector_load %arg12[%get3A, %get3A_19] {strides = array<i32>} : memref<64x16xf32, #tpu.memory_space<vmem>>, vector<1x16xf32>,
      %get3A_21 = vector.shape_cast %get3A_20 : vector<1x16xf32> to vector<16xf32>
      %get3A_22 = arith.index_cast %scan3A_18 : i32 to index
      %get3A_23 = arith.constant 0 : index
      %get3A_24 = tpu.vector_load %arg13[%get3A_22, %get3A_23] {strides = array<i32>} : memref<64x16xf32, #tpu.memory_space<vmem>>, vector<1x16xf32>,
      %get3A_25 = vector.shape_cast %get3A_24 : vector<1x16xf32> to vector<16xf32>
      %get3A_26 = arith.index_cast %scan3A_18 : i32 to index
      %get3A_27 = arith.constant 0 : index
      %get3A_28 = tpu.vector_load %arg10[%get3A_26, %get3A_27] {strides = array<i32>} : memref<64x768xf32, #tpu.memory_space<vmem>>, vector<1x16xf32>,
      %get3A_29 = vector.shape_cast %get3A_28 : vector<1x16xf32> to vector<16xf32>
      %mul3A_30 = arith.mulf %get3A_29, %get3A_21 : vector<16xf32>
      %get3A_31 = arith.index_cast %scan3A_18 : i32 to index
      %get3A_32 = arith.constant 0 : index
      %get3A_33 = tpu.vector_load %arg11[%get3A_31, %get3A_32] {strides = array<i32>} : memref<64x768xf32, #tpu.memory_space<vmem>>, vector<1x16xf32>,
      %get3A_34 = vector.shape_cast %get3A_33 : vector<1x16xf32> to vector<16xf32>
      %mul3A_35 = arith.mulf %get3A_34, %get3A_25 : vector<16xf32>
      %add3A_36 = arith.addf %mul3A_30, %mul3A_35 : vector<16xf32>
      %swap3A = arith.index_cast %scan3A_18 : i32 to index
      %swap3A_37 = arith.constant 0 : index
      %swap3A_38 = tpu.vector_load %arg10[%swap3A, %swap3A_37] {strides = array<i32>} : memref<64x768xf32, #tpu.memory_space<vmem>>, vector<1x16xf32>,
      %swap3A_39 = vector.shape_cast %swap3A_38 : vector<1x16xf32> to vector<16xf32>
      %swap3A_40 = vector.shape_cast %add3A_36 : vector<16xf32> to vector<1x16xf32>
      tpu.vector_store %arg10[%swap3A, %swap3A_37], %swap3A_40 {strides = array<i32>} : memref<64x768xf32, #tpu.memory_space<vmem>>, vector<1x16xf32>,
      %get3A_41 = arith.index_cast %scan3A_18 : i32 to index
      %get3A_42 = arith.constant 16 : index
      %get3A_43 = tpu.vector_load %arg10[%get3A_41, %get3A_42] {strides = array<i32>} : memref<64x768xf32, #tpu.memory_space<vmem>>, vector<1x16xf32>,
      %get3A_44 = vector.shape_cast %get3A_43 : vector<1x16xf32> to vector<16xf32>
      %mul3A_45 = arith.mulf %get3A_44, %get3A_21 : vector<16xf32>
      %get3A_46 = arith.index_cast %scan3A_18 : i32 to index
      %get3A_47 = arith.constant 16 : index
      %get3A_48 = tpu.vector_load %arg11[%get3A_46, %get3A_47] {strides = array<i32>} : memref<64x768xf32, #tpu.memory_space<vmem>>, vector<1x16xf32>,
      %get3A_49 = vector.shape_cast %get3A_48 : vector<1x16xf32> to vector<16xf32>
      %mul3A_50 = arith.mulf %get3A_49, %get3A_25 : vector<16xf32>
      %add3A_51 = arith.addf %mul3A_45, %mul3A_50 : vector<16xf32>
      %swap3A_52 = arith.index_cast %scan3A_18 : i32 to index
      %swap3A_53 = arith.constant 16 : index
      %swap3A_54 = tpu.vector_load %arg10[%swap3A_52, %swap3A_53] {strides = array<i32>} : memref<64x768xf32, #tpu.memory_space<vmem>>, vector<1x16xf32>,
      %swap3A_55 = vector.shape_cast %swap3A_54 : vector<1x16xf32> to vector<16xf32>
      %swap3A_56 = vector.shape_cast %add3A_51 : vector<16xf32> to vector<1x16xf32>
      tpu.vector_store %arg10[%swap3A_52, %swap3A_53], %swap3A_56 {strides = array<i32>} : memref<64x768xf32, #tpu.memory_space<vmem>>, vector<1x16xf32>,
      %get3A_57 = arith.index_cast %scan3A_18 : i32 to index
      %get3A_58 = arith.constant 32 : index
      %get3A_59 = tpu.vector_load %arg10[%get3A_57, %get3A_58] {strides = array<i32>} : memref<64x768xf32, #tpu.memory_space<vmem>>, vector<1x16xf32>,
      %get3A_60 = vector.shape_cast %get3A_59 : vector<1x16xf32> to vector<16xf32>
      %mul3A_61 = arith.mulf %get3A_60, %get3A_21 : vector<16xf32>
      %get3A_62 = arith.index_cast %scan3A_18 : i32 to index
      %get3A_63 = arith.constant 32 : index
      %get3A_64 = tpu.vector_load %arg11[%get3A_62, %get3A_63] {strides = array<i32>} : memref<64x768xf32, #tpu.memory_space<vmem>>, vector<1x16xf32>,
      %get3A_65 = vector.shape_cast %get3A_64 : vector<1x16xf32> to vector<16xf32>
      %mul3A_66 = arith.mulf %get3A_65, %get3A_25 : vector<16xf32>
      %add3A_67 = arith.addf %mul3A_61, %mul3A_66 : vector<16xf32>
      %swap3A_68 = arith.index_cast %scan3A_18 : i32 to index
      %swap3A_69 = arith.constant 32 : index
      %swap3A_70 = tpu.vector_load %arg10[%swap3A_68, %swap3A_69] {strides = array<i32>} : memref<64x768xf32, #tpu.memory_space<vmem>>, vector<1x16xf32>,
      %swap3A_71 = vector.shape_cast %swap3A_70 : vector<1x16xf32> to vector<16xf32>
      %swap3A_72 = vector.shape_cast %add3A_67 : vector<16xf32> to vector<1x16xf32>
      tpu.vector_store %arg10[%swap3A_68, %swap3A_69], %swap3A_72 {strides = array<i32>} : memref<64x768xf32, #tpu.memory_space<vmem>>, vector<1x16xf32>,
      %get3A_73 = arith.index_cast %scan3A_18 : i32 to index
      %get3A_74 = arith.constant 48 : index
      %get3A_75 = tpu.vector_load %arg10[%get3A_73, %get3A_74] {strides = array<i32>} : memref<64x768xf32, #tpu.memory_space<vmem>>, vector<1x16xf32>,
      %get3A_76 = vector.shape_cast %get3A_75 : vector<1x16xf32> to vector<16xf32>
      %mul3A_77 = arith.mulf %get3A_76, %get3A_21 : vector<16xf32>
      %get3A_78 = arith.index_cast %scan3A_18 : i32 to index
      %get3A_79 = arith.constant 48 : index
      %get3A_80 = tpu.vector_load %arg11[%get3A_78, %get3A_79] {strides = array<i32>} : memref<64x768xf32, #tpu.memory_space<vmem>>, vector<1x16xf32>,
      %get3A_81 = vector.shape_cast %get3A_80 : vector<1x16xf32> to vector<16xf32>
      %mul3A_82 = arith.mulf %get3A_81, %get3A_25 : vector<16xf32>
      %add3A_83 = arith.addf %mul3A_77, %mul3A_82 : vector<16xf32>
      %swap3A_84 = arith.index_cast %scan3A_18 : i32 to index
      %swap3A_85 = arith.constant 48 : index
      %swap3A_86 = tpu.vector_load %arg10[%swap3A_84, %swap3A_85] {strides = array<i32>} : memref<64x768xf32, #tpu.memory_space<vmem>>, vector<1x16xf32>,
      %swap3A_87 = vector.shape_cast %swap3A_86 : vector<1x16xf32> to vector<16xf32>
      %swap3A_88 = vector.shape_cast %add3A_83 : vector<16xf32> to vector<1x16xf32>
      tpu.vector_store %arg10[%swap3A_84, %swap3A_85], %swap3A_88 {strides = array<i32>} : memref<64x768xf32, #tpu.memory_space<vmem>>, vector<1x16xf32>,
      %get3A_89 = arith.index_cast %scan3A_18 : i32 to index
      %get3A_90 = arith.constant 64 : index
      %get3A_91 = tpu.vector_load %arg10[%get3A_89, %get3A_90] {strides = array<i32>} : memref<64x768xf32, #tpu.memory_space<vmem>>, vector<1x16xf32>,
      %get3A_92 = vector.shape_cast %get3A_91 : vector<1x16xf32> to vector<16xf32>
      %mul3A_93 = arith.mulf %get3A_92, %get3A_21 : vector<16xf32>
      %get3A_94 = arith.index_cast %scan3A_18 : i32 to index
      %get3A_95 = arith.constant 64 : index
      %get3A_96 = tpu.vector_load %arg11[%get3A_94, %get3A_95] {strides = array<i32>} : memref<64x768xf32, #tpu.memory_space<vmem>>, vector<1x16xf32>,
      %get3A_97 = vector.shape_cast %get3A_96 : vector<1x16xf32> to vector<16xf32>
      %mul3A_98 = arith.mulf %get3A_97, %get3A_25 : vector<16xf32>
      %add3A_99 = arith.addf %mul3A_93, %mul3A_98 : vector<16xf32>
      %swap3A_100 = arith.index_cast %scan3A_18 : i32 to index
      %swap3A_101 = arith.constant 64 : index
      %swap3A_102 = tpu.vector_load %arg10[%swap3A_100, %swap3A_101] {strides = array<i32>} : memref<64x768xf32, #tpu.memory_space<vmem>>, vector<1x16xf32>,
      %swap3A_103 = vector.shape_cast %swap3A_102 : vector<1x16xf32> to vector<16xf32>
      %swap3A_104 = vector.shape_cast %add3A_99 : vector<16xf32> to vector<1x16xf32>
      tpu.vector_store %arg10[%swap3A_100, %swap3A_101], %swap3A_104 {strides = array<i32>} : memref<64x768xf32, #tpu.memory_space<vmem>>, vector<1x16xf32>,
      %get3A_105 = arith.index_cast %scan3A_18 : i32 to index
      %get3A_106 = arith.constant 80 : index
      %get3A_107 = tpu.vector_load %arg10[%get3A_105, %get3A_106] {strides = array<i32>} : memref<64x768xf32, #tpu.memory_space<vmem>>, vector<1x16xf32>,
      %get3A_108 = vector.shape_cast %get3A_107 : vector<1x16xf32> to vector<16xf32>
      %mul3A_109 = arith.mulf %get3A_108, %get3A_21 : vector<16xf32>
      %get3A_110 = arith.index_cast %scan3A_18 : i32 to index
      %get3A_111 = arith.constant 80 : index
      %get3A_112 = tpu.vector_load %arg11[%get3A_110, %get3A_111] {strides = array<i32>} : memref<64x768xf32, #tpu.memory_space<vmem>>, vector<1x16xf32>,
      %get3A_113 = vector.shape_cast %get3A_112 : vector<1x16xf32> to vector<16xf32>
      %mul3A_114 = arith.mulf %get3A_113, %get3A_25 : vector<16xf32>
      %add3A_115 = arith.addf %mul3A_109, %mul3A_114 : vector<16xf32>
      %swap3A_116 = arith.index_cast %scan3A_18 : i32 to index
      %swap3A_117 = arith.constant 80 : index
      %swap3A_118 = tpu.vector_load %arg10[%swap3A_116, %swap3A_117] {strides = array<i32>} : memref<64x768xf32, #tpu.memory_space<vmem>>, vector<1x16xf32>,
      %swap3A_119 = vector.shape_cast %swap3A_118 : vector<1x16xf32> to vector<16xf32>
      %swap3A_120 = vector.shape_cast %add3A_115 : vector<16xf32> to vector<1x16xf32>
      tpu.vector_store %arg10[%swap3A_116, %swap3A_117], %swap3A_120 {strides = array<i32>} : memref<64x768xf32, #tpu.memory_space<vmem>>, vector<1x16xf32>,
      %get3A_121 = arith.index_cast %scan3A_18 : i32 to index
      %get3A_122 = arith.constant 96 : index
      %get3A_123 = tpu.vector_load %arg10[%get3A_121, %get3A_122] {strides = array<i32>} : memref<64x768xf32, #tpu.memory_space<vmem>>, vector<1x16xf32>,
      %get3A_124 = vector.shape_cast %get3A_123 : vector<1x16xf32> to vector<16xf32>
      %mul3A_125 = arith.mulf %get3A_124, %get3A_21 : vector<16xf32>
      %get3A_126 = arith.index_cast %scan3A_18 : i32 to index
      %get3A_127 = arith.constant 96 : index
      %get3A_128 = tpu.vector_load %arg11[%get3A_126, %get3A_127] {strides = array<i32>} : memref<64x768xf32, #tpu.memory_space<vmem>>, vector<1x16xf32>,
      %get3A_129 = vector.shape_cast %get3A_128 : vector<1x16xf32> to vector<16xf32>
      %mul3A_130 = arith.mulf %get3A_129, %get3A_25 : vector<16xf32>
      %add3A_131 = arith.addf %mul3A_125, %mul3A_130 : vector<16xf32>
      %swap3A_132 = arith.index_cast %scan3A_18 : i32 to index
      %swap3A_133 = arith.constant 96 : index
      %swap3A_134 = tpu.vector_load %arg10[%swap3A_132, %swap3A_133] {strides = array<i32>} : memref<64x768xf32, #tpu.memory_space<vmem>>, vector<1x16xf32>,
      %swap3A_135 = vector.shape_cast %swap3A_134 : vector<1x16xf32> to vector<16xf32>
      %swap3A_136 = vector.shape_cast %add3A_131 : vector<16xf32> to vector<1x16xf32>
      tpu.vector_store %arg10[%swap3A_132, %swap3A_133], %swap3A_136 {strides = array<i32>} : memref<64x768xf32, #tpu.memory_space<vmem>>, vector<1x16xf32>,
      %get3A_137 = arith.index_cast %scan3A_18 : i32 to index
      %get3A_138 = arith.constant 112 : index
      %get3A_139 = tpu.vector_load %arg10[%get3A_137, %get3A_138] {strides = array<i32>} : memref<64x768xf32, #tpu.memory_space<vmem>>, vector<1x16xf32>,
      %get3A_140 = vector.shape_cast %get3A_139 : vector<1x16xf32> to vector<16xf32>
      %mul3A_141 = arith.mulf %get3A_140, %get3A_21 : vector<16xf32>
      %get3A_142 = arith.index_cast %scan3A_18 : i32 to index
      %get3A_143 = arith.constant 112 : index
      %get3A_144 = tpu.vector_load %arg11[%get3A_142, %get3A_143] {strides = array<i32>} : memref<64x768xf32, #tpu.memory_space<vmem>>, vector<1x16xf32>,
      %get3A_145 = vector.shape_cast %get3A_144 : vector<1x16xf32> to vector<16xf32>
      %mul3A_146 = arith.mulf %get3A_145, %get3A_25 : vector<16xf32>
      %add3A_147 = arith.addf %mul3A_141, %mul3A_146 : vector<16xf32>
      %swap3A_148 = arith.index_cast %scan3A_18 : i32 to index
      %swap3A_149 = arith.constant 112 : index
      %swap3A_150 = tpu.vector_load %arg10[%swap3A_148, %swap3A_149] {strides = array<i32>} : memref<64x768xf32, #tpu.memory_space<vmem>>, vector<1x16xf32>,
      %swap3A_151 = vector.shape_cast %swap3A_150 : vector<1x16xf32> to vector<16xf32>
      %swap3A_152 = vector.shape_cast %add3A_147 : vector<16xf32> to vector<1x16xf32>
      tpu.vector_store %arg10[%swap3A_148, %swap3A_149], %swap3A_152 {strides = array<i32>} : memref<64x768xf32, #tpu.memory_space<vmem>>, vector<1x16xf32>,
      %get3A_153 = arith.index_cast %scan3A_18 : i32 to index
      %get3A_154 = arith.constant 128 : index
      %get3A_155 = tpu.vector_load %arg10[%get3A_153, %get3A_154] {strides = array<i32>} : memref<64x768xf32, #tpu.memory_space<vmem>>, vector<1x16xf32>,
      %get3A_156 = vector.shape_cast %get3A_155 : vector<1x16xf32> to vector<16xf32>
      %mul3A_157 = arith.mulf %get3A_156, %get3A_21 : vector<16xf32>
      %get3A_158 = arith.index_cast %scan3A_18 : i32 to index
      %get3A_159 = arith.constant 128 : index
      %get3A_160 = tpu.vector_load %arg11[%get3A_158, %get3A_159] {strides = array<i32>} : memref<64x768xf32, #tpu.memory_space<vmem>>, vector<1x16xf32>,
      %get3A_161 = vector.shape_cast %get3A_160 : vector<1x16xf32> to vector<16xf32>
      %mul3A_162 = arith.mulf %get3A_161, %get3A_25 : vector<16xf32>
      %add3A_163 = arith.addf %mul3A_157, %mul3A_162 : vector<16xf32>
      %swap3A_164 = arith.index_cast %scan3A_18 : i32 to index
      %swap3A_165 = arith.constant 128 : index
      %swap3A_166 = tpu.vector_load %arg10[%swap3A_164, %swap3A_165] {strides = array<i32>} : memref<64x768xf32, #tpu.memory_space<vmem>>, vector<1x16xf32>,
      %swap3A_167 = vector.shape_cast %swap3A_166 : vector<1x16xf32> to vector<16xf32>
      %swap3A_168 = vector.shape_cast %add3A_163 : vector<16xf32> to vector<1x16xf32>
      tpu.vector_store %arg10[%swap3A_164, %swap3A_165], %swap3A_168 {strides = array<i32>} : memref<64x768xf32, #tpu.memory_space<vmem>>, vector<1x16xf32>,
      %get3A_169 = arith.index_cast %scan3A_18 : i32 to index
      %get3A_170 = arith.constant 144 : index
      %get3A_171 = tpu.vector_load %arg10[%get3A_169, %get3A_170] {strides = array<i32>} : memref<64x768xf32, #tpu.memory_space<vmem>>, vector<1x16xf32>,
      %get3A_172 = vector.shape_cast %get3A_171 : vector<1x16xf32> to vector<16xf32>
      %mul3A_173 = arith.mulf %get3A_172, %get3A_21 : vector<16xf32>
      %get3A_174 = arith.index_cast %scan3A_18 : i32 to index
      %get3A_175 = arith.constant 144 : index
      %get3A_176 = tpu.vector_load %arg11[%get3A_174, %get3A_175] {strides = array<i32>} : memref<64x768xf32, #tpu.memory_space<vmem>>, vector<1x16xf32>,
      %get3A_177 = vector.shape_cast %get3A_176 : vector<1x16xf32> to vector<16xf32>
      %mul3A_178 = arith.mulf %get3A_177, %get3A_25 : vector<16xf32>
      %add3A_179 = arith.addf %mul3A_173, %mul3A_178 : vector<16xf32>
      %swap3A_180 = arith.index_cast %scan3A_18 : i32 to index
      %swap3A_181 = arith.constant 144 : index
      %swap3A_182 = tpu.vector_load %arg10[%swap3A_180, %swap3A_181] {strides = array<i32>} : memref<64x768xf32, #tpu.memory_space<vmem>>, vector<1x16xf32>,
      %swap3A_183 = vector.shape_cast %swap3A_182 : vector<1x16xf32> to vector<16xf32>
      %swap3A_184 = vector.shape_cast %add3A_179 : vector<16xf32> to vector<1x16xf32>
      tpu.vector_store %arg10[%swap3A_180, %swap3A_181], %swap3A_184 {strides = array<i32>} : memref<64x768xf32, #tpu.memory_space<vmem>>, vector<1x16xf32>,
      %get3A_185 = arith.index_cast %scan3A_18 : i32 to index
      %get3A_186 = arith.constant 160 : index
      %get3A_187 = tpu.vector_load %arg10[%get3A_185, %get3A_186] {strides = array<i32>} : memref<64x768xf32, #tpu.memory_space<vmem>>, vector<1x16xf32>,
      %get3A_188 = vector.shape_cast %get3A_187 : vector<1x16xf32> to vector<16xf32>
      %mul3A_189 = arith.mulf %get3A_188, %get3A_21 : vector<16xf32>
      %get3A_190 = arith.index_cast %scan3A_18 : i32 to index
      %get3A_191 = arith.constant 160 : index
      %get3A_192 = tpu.vector_load %arg11[%get3A_190, %get3A_191] {strides = array<i32>} : memref<64x768xf32, #tpu.memory_space<vmem>>, vector<1x16xf32>,
      %get3A_193 = vector.shape_cast %get3A_192 : vector<1x16xf32> to vector<16xf32>
      %mul3A_194 = arith.mulf %get3A_193, %get3A_25 : vector<16xf32>
      %add3A_195 = arith.addf %mul3A_189, %mul3A_194 : vector<16xf32>
      %swap3A_196 = arith.index_cast %scan3A_18 : i32 to index
      %swap3A_197 = arith.constant 160 : index
      %swap3A_198 = tpu.vector_load %arg10[%swap3A_196, %swap3A_197] {strides = array<i32>} : memref<64x768xf32, #tpu.memory_space<vmem>>, vector<1x16xf32>,
      %swap3A_199 = vector.shape_cast %swap3A_198 : vector<1x16xf32> to vector<16xf32>
      %swap3A_200 = vector.shape_cast %add3A_195 : vector<16xf32> to vector<1x16xf32>
      tpu.vector_store %arg10[%swap3A_196, %swap3A_197], %swap3A_200 {strides = array<i32>} : memref<64x768xf32, #tpu.memory_space<vmem>>, vector<1x16xf32>,
      %get3A_201 = arith.index_cast %scan3A_18 : i32 to index
      %get3A_202 = arith.constant 176 : index
      %get3A_203 = tpu.vector_load %arg10[%get3A_201, %get3A_202] {strides = array<i32>} : memref<64x768xf32, #tpu.memory_space<vmem>>, vector<1x16xf32>,
      %get3A_204 = vector.shape_cast %get3A_203 : vector<1x16xf32> to vector<16xf32>
      %mul3A_205 = arith.mulf %get3A_204, %get3A_21 : vector<16xf32>
      %get3A_206 = arith.index_cast %scan3A_18 : i32 to index
      %get3A_207 = arith.constant 176 : index
      %get3A_208 = tpu.vector_load %arg11[%get3A_206, %get3A_207] {strides = array<i32>} : memref<64x768xf32, #tpu.memory_space<vmem>>, vector<1x16xf32>,
      %get3A_209 = vector.shape_cast %get3A_208 : vector<1x16xf32> to vector<16xf32>
      %mul3A_210 = arith.mulf %get3A_209, %get3A_25 : vector<16xf32>
      %add3A_211 = arith.addf %mul3A_205, %mul3A_210 : vector<16xf32>
      %swap3A_212 = arith.index_cast %scan3A_18 : i32 to index
      %swap3A_213 = arith.constant 176 : index
      %swap3A_214 = tpu.vector_load %arg10[%swap3A_212, %swap3A_213] {strides = array<i32>} : memref<64x768xf32, #tpu.memory_space<vmem>>, vector<1x16xf32>,
      %swap3A_215 = vector.shape_cast %swap3A_214 : vector<1x16xf32> to vector<16xf32>
      %swap3A_216 = vector.shape_cast %add3A_211 : vector<16xf32> to vector<1x16xf32>
      tpu.vector_store %arg10[%swap3A_212, %swap3A_213], %swap3A_216 {strides = array<i32>} : memref<64x768xf32, #tpu.memory_space<vmem>>, vector<1x16xf32>,
      %get3A_217 = arith.index_cast %scan3A_18 : i32 to index
      %get3A_218 = arith.constant 192 : index
      %get3A_219 = tpu.vector_load %arg10[%get3A_217, %get3A_218] {strides = array<i32>} : memref<64x768xf32, #tpu.memory_space<vmem>>, vector<1x16xf32>,
      %get3A_220 = vector.shape_cast %get3A_219 : vector<1x16xf32> to vector<16xf32>
      %mul3A_221 = arith.mulf %get3A_220, %get3A_21 : vector<16xf32>
      %get3A_222 = arith.index_cast %scan3A_18 : i32 to index
      %get3A_223 = arith.constant 192 : index
      %get3A_224 = tpu.vector_load %arg11[%get3A_222, %get3A_223] {strides = array<i32>} : memref<64x768xf32, #tpu.memory_space<vmem>>, vector<1x16xf32>,
      %get3A_225 = vector.shape_cast %get3A_224 : vector<1x16xf32> to vector<16xf32>
      %mul3A_226 = arith.mulf %get3A_225, %get3A_25 : vector<16xf32>
      %add3A_227 = arith.addf %mul3A_221, %mul3A_226 : vector<16xf32>
      %swap3A_228 = arith.index_cast %scan3A_18 : i32 to index
      %swap3A_229 = arith.constant 192 : index
      %swap3A_230 = tpu.vector_load %arg10[%swap3A_228, %swap3A_229] {strides = array<i32>} : memref<64x768xf32, #tpu.memory_space<vmem>>, vector<1x16xf32>,
      %swap3A_231 = vector.shape_cast %swap3A_230 : vector<1x16xf32> to vector<16xf32>
      %swap3A_232 = vector.shape_cast %add3A_227 : vector<16xf32> to vector<1x16xf32>
      tpu.vector_store %arg10[%swap3A_228, %swap3A_229], %swap3A_232 {strides = array<i32>} : memref<64x768xf32, #tpu.memory_space<vmem>>, vector<1x16xf32>,
      %get3A_233 = arith.index_cast %scan3A_18 : i32 to index
      %get3A_234 = arith.constant 208 : index
      %get3A_235 = tpu.vector_load %arg10[%get3A_233, %get3A_234] {strides = array<i32>} : memref<64x768xf32, #tpu.memory_space<vmem>>, vector<1x16xf32>,
      %get3A_236 = vector.shape_cast %get3A_235 : vector<1x16xf32> to vector<16xf32>
      %mul3A_237 = arith.mulf %get3A_236, %get3A_21 : vector<16xf32>
      %get3A_238 = arith.index_cast %scan3A_18 : i32 to index
      %get3A_239 = arith.constant 208 : index
      %get3A_240 = tpu.vector_load %arg11[%get3A_238, %get3A_239] {strides = array<i32>} : memref<64x768xf32, #tpu.memory_space<vmem>>, vector<1x16xf32>,
      %get3A_241 = vector.shape_cast %get3A_240 : vector<1x16xf32> to vector<16xf32>
      %mul3A_242 = arith.mulf %get3A_241, %get3A_25 : vector<16xf32>
      %add3A_243 = arith.addf %mul3A_237, %mul3A_242 : vector<16xf32>
      %swap3A_244 = arith.index_cast %scan3A_18 : i32 to index
      %swap3A_245 = arith.constant 208 : index
      %swap3A_246 = tpu.vector_load %arg10[%swap3A_244, %swap3A_245] {strides = array<i32>} : memref<64x768xf32, #tpu.memory_space<vmem>>, vector<1x16xf32>,
      %swap3A_247 = vector.shape_cast %swap3A_246 : vector<1x16xf32> to vector<16xf32>
      %swap3A_248 = vector.shape_cast %add3A_243 : vector<16xf32> to vector<1x16xf32>
      tpu.vector_store %arg10[%swap3A_244, %swap3A_245], %swap3A_248 {strides = array<i32>} : memref<64x768xf32, #tpu.memory_space<vmem>>, vector<1x16xf32>,
      %get3A_249 = arith.index_cast %scan3A_18 : i32 to index
      %get3A_250 = arith.constant 224 : index
      %get3A_251 = tpu.vector_load %arg10[%get3A_249, %get3A_250] {strides = array<i32>} : memref<64x768xf32, #tpu.memory_space<vmem>>, vector<1x16xf32>,
      %get3A_252 = vector.shape_cast %get3A_251 : vector<1x16xf32> to vector<16xf32>
      %mul3A_253 = arith.mulf %get3A_252, %get3A_21 : vector<16xf32>
      %get3A_254 = arith.index_cast %scan3A_18 : i32 to index
      %get3A_255 = arith.constant 224 : index
      %get3A_256 = tpu.vector_load %arg11[%get3A_254, %get3A_255] {strides = array<i32>} : memref<64x768xf32, #tpu.memory_space<vmem>>, vector<1x16xf32>,
      %get3A_257 = vector.shape_cast %get3A_256 : vector<1x16xf32> to vector<16xf32>
      %mul3A_258 = arith.mulf %get3A_257, %get3A_25 : vector<16xf32>
      %add3A_259 = arith.addf %mul3A_253, %mul3A_258 : vector<16xf32>
      %swap3A_260 = arith.index_cast %scan3A_18 : i32 to index
      %swap3A_261 = arith.constant 224 : index
      %swap3A_262 = tpu.vector_load %arg10[%swap3A_260, %swap3A_261] {strides = array<i32>} : memref<64x768xf32, #tpu.memory_space<vmem>>, vector<1x16xf32>,
      %swap3A_263 = vector.shape_cast %swap3A_262 : vector<1x16xf32> to vector<16xf32>
      %swap3A_264 = vector.shape_cast %add3A_259 : vector<16xf32> to vector<1x16xf32>
      tpu.vector_store %arg10[%swap3A_260, %swap3A_261], %swap3A_264 {strides = array<i32>} : memref<64x768xf32, #tpu.memory_space<vmem>>, vector<1x16xf32>,
      %get3A_265 = arith.index_cast %scan3A_18 : i32 to index
      %get3A_266 = arith.constant 240 : index
      %get3A_267 = tpu.vector_load %arg10[%get3A_265, %get3A_266] {strides = array<i32>} : memref<64x768xf32, #tpu.memory_space<vmem>>, vector<1x16xf32>,
      %get3A_268 = vector.shape_cast %get3A_267 : vector<1x16xf32> to vector<16xf32>
      %mul3A_269 = arith.mulf %get3A_268, %get3A_21 : vector<16xf32>
      %get3A_270 = arith.index_cast %scan3A_18 : i32 to index
      %get3A_271 = arith.constant 240 : index
      %get3A_272 = tpu.vector_load %arg11[%get3A_270, %get3A_271] {strides = array<i32>} : memref<64x768xf32, #tpu.memory_space<vmem>>, vector<1x16xf32>,
      %get3A_273 = vector.shape_cast %get3A_272 : vector<1x16xf32> to vector<16xf32>
      %mul3A_274 = arith.mulf %get3A_273, %get3A_25 : vector<16xf32>
      %add3A_275 = arith.addf %mul3A_269, %mul3A_274 : vector<16xf32>
      %swap3A_276 = arith.index_cast %scan3A_18 : i32 to index
      %swap3A_277 = arith.constant 240 : index
      %swap3A_278 = tpu.vector_load %arg10[%swap3A_276, %swap3A_277] {strides = array<i32>} : memref<64x768xf32, #tpu.memory_space<vmem>>, vector<1x16xf32>,
      %swap3A_279 = vector.shape_cast %swap3A_278 : vector<1x16xf32> to vector<16xf32>
      %swap3A_280 = vector.shape_cast %add3A_275 : vector<16xf32> to vector<1x16xf32>
      tpu.vector_store %arg10[%swap3A_276, %swap3A_277], %swap3A_280 {strides = array<i32>} : memref<64x768xf32, #tpu.memory_space<vmem>>, vector<1x16xf32>,
      %get3A_281 = arith.index_cast %scan3A_18 : i32 to index
      %get3A_282 = arith.constant 256 : index
      %get3A_283 = tpu.vector_load %arg10[%get3A_281, %get3A_282] {strides = array<i32>} : memref<64x768xf32, #tpu.memory_space<vmem>>, vector<1x16xf32>,
      %get3A_284 = vector.shape_cast %get3A_283 : vector<1x16xf32> to vector<16xf32>
      %mul3A_285 = arith.mulf %get3A_284, %get3A_21 : vector<16xf32>
      %get3A_286 = arith.index_cast %scan3A_18 : i32 to index
      %get3A_287 = arith.constant 256 : index
      %get3A_288 = tpu.vector_load %arg11[%get3A_286, %get3A_287] {strides = array<i32>} : memref<64x768xf32, #tpu.memory_space<vmem>>, vector<1x16xf32>,
      %get3A_289 = vector.shape_cast %get3A_288 : vector<1x16xf32> to vector<16xf32>
      %mul3A_290 = arith.mulf %get3A_289, %get3A_25 : vector<16xf32>
      %add3A_291 = arith.addf %mul3A_285, %mul3A_290 : vector<16xf32>
      %swap3A_292 = arith.index_cast %scan3A_18 : i32 to index
      %swap3A_293 = arith.constant 256 : index
      %swap3A_294 = tpu.vector_load %arg10[%swap3A_292, %swap3A_293] {strides = array<i32>} : memref<64x768xf32, #tpu.memory_space<vmem>>, vector<1x16xf32>,
      %swap3A_295 = vector.shape_cast %swap3A_294 : vector<1x16xf32> to vector<16xf32>
      %swap3A_296 = vector.shape_cast %add3A_291 : vector<16xf32> to vector<1x16xf32>
      tpu.vector_store %arg10[%swap3A_292, %swap3A_293], %swap3A_296 {strides = array<i32>} : memref<64x768xf32, #tpu.memory_space<vmem>>, vector<1x16xf32>,
      %get3A_297 = arith.index_cast %scan3A_18 : i32 to index
      %get3A_298 = arith.constant 272 : index
      %get3A_299 = tpu.vector_load %arg10[%get3A_297, %get3A_298] {strides = array<i32>} : memref<64x768xf32, #tpu.memory_space<vmem>>, vector<1x16xf32>,
      %get3A_300 = vector.shape_cast %get3A_299 : vector<1x16xf32> to vector<16xf32>
      %mul3A_301 = arith.mulf %get3A_300, %get3A_21 : vector<16xf32>
      %get3A_302 = arith.index_cast %scan3A_18 : i32 to index
      %get3A_303 = arith.constant 272 : index
      %get3A_304 = tpu.vector_load %arg11[%get3A_302, %get3A_303] {strides = array<i32>} : memref<64x768xf32, #tpu.memory_space<vmem>>, vector<1x16xf32>,
      %get3A_305 = vector.shape_cast %get3A_304 : vector<1x16xf32> to vector<16xf32>
      %mul3A_306 = arith.mulf %get3A_305, %get3A_25 : vector<16xf32>
      %add3A_307 = arith.addf %mul3A_301, %mul3A_306 : vector<16xf32>
      %swap3A_308 = arith.index_cast %scan3A_18 : i32 to index
      %swap3A_309 = arith.constant 272 : index
      %swap3A_310 = tpu.vector_load %arg10[%swap3A_308, %swap3A_309] {strides = array<i32>} : memref<64x768xf32, #tpu.memory_space<vmem>>, vector<1x16xf32>,
      %swap3A_311 = vector.shape_cast %swap3A_310 : vector<1x16xf32> to vector<16xf32>
      %swap3A_312 = vector.shape_cast %add3A_307 : vector<16xf32> to vector<1x16xf32>
      tpu.vector_store %arg10[%swap3A_308, %swap3A_309], %swap3A_312 {strides = array<i32>} : memref<64x768xf32, #tpu.memory_space<vmem>>, vector<1x16xf32>,
      %get3A_313 = arith.index_cast %scan3A_18 : i32 to index
      %get3A_314 = arith.constant 288 : index
      %get3A_315 = tpu.vector_load %arg10[%get3A_313, %get3A_314] {strides = array<i32>} : memref<64x768xf32, #tpu.memory_space<vmem>>, vector<1x16xf32>,
      %get3A_316 = vector.shape_cast %get3A_315 : vector<1x16xf32> to vector<16xf32>
      %mul3A_317 = arith.mulf %get3A_316, %get3A_21 : vector<16xf32>
      %get3A_318 = arith.index_cast %scan3A_18 : i32 to index
      %get3A_319 = arith.constant 288 : index
      %get3A_320 = tpu.vector_load %arg11[%get3A_318, %get3A_319] {strides = array<i32>} : memref<64x768xf32, #tpu.memory_space<vmem>>, vector<1x16xf32>,
      %get3A_321 = vector.shape_cast %get3A_320 : vector<1x16xf32> to vector<16xf32>
      %mul3A_322 = arith.mulf %get3A_321, %get3A_25 : vector<16xf32>
      %add3A_323 = arith.addf %mul3A_317, %mul3A_322 : vector<16xf32>
      %swap3A_324 = arith.index_cast %scan3A_18 : i32 to index
      %swap3A_325 = arith.constant 288 : index
      %swap3A_326 = tpu.vector_load %arg10[%swap3A_324, %swap3A_325] {strides = array<i32>} : memref<64x768xf32, #tpu.memory_space<vmem>>, vector<1x16xf32>,
      %swap3A_327 = vector.shape_cast %swap3A_326 : vector<1x16xf32> to vector<16xf32>
      %swap3A_328 = vector.shape_cast %add3A_323 : vector<16xf32> to vector<1x16xf32>
      tpu.vector_store %arg10[%swap3A_324, %swap3A_325], %swap3A_328 {strides = array<i32>} : memref<64x768xf32, #tpu.memory_space<vmem>>, vector<1x16xf32>,
      %get3A_329 = arith.index_cast %scan3A_18 : i32 to index
      %get3A_330 = arith.constant 304 : index
      %get3A_331 = tpu.vector_load %arg10[%get3A_329, %get3A_330] {strides = array<i32>} : memref<64x768xf32, #tpu.memory_space<vmem>>, vector<1x16xf32>,
      %get3A_332 = vector.shape_cast %get3A_331 : vector<1x16xf32> to vector<16xf32>
      %mul3A_333 = arith.mulf %get3A_332, %get3A_21 : vector<16xf32>
      %get3A_334 = arith.index_cast %scan3A_18 : i32 to index
      %get3A_335 = arith.constant 304 : index
      %get3A_336 = tpu.vector_load %arg11[%get3A_334, %get3A_335] {strides = array<i32>} : memref<64x768xf32, #tpu.memory_space<vmem>>, vector<1x16xf32>,
      %get3A_337 = vector.shape_cast %get3A_336 : vector<1x16xf32> to vector<16xf32>
      %mul3A_338 = arith.mulf %get3A_337, %get3A_25 : vector<16xf32>
      %add3A_339 = arith.addf %mul3A_333, %mul3A_338 : vector<16xf32>
      %swap3A_340 = arith.index_cast %scan3A_18 : i32 to index
      %swap3A_341 = arith.constant 304 : index
      %swap3A_342 = tpu.vector_load %arg10[%swap3A_340, %swap3A_341] {strides = array<i32>} : memref<64x768xf32, #tpu.memory_space<vmem>>, vector<1x16xf32>,
      %swap3A_343 = vector.shape_cast %swap3A_342 : vector<1x16xf32> to vector<16xf32>
      %swap3A_344 = vector.shape_cast %add3A_339 : vector<16xf32> to vector<1x16xf32>
      tpu.vector_store %arg10[%swap3A_340, %swap3A_341], %swap3A_344 {strides = array<i32>} : memref<64x768xf32, #tpu.memory_space<vmem>>, vector<1x16xf32>,
      %get3A_345 = arith.index_cast %scan3A_18 : i32 to index
      %get3A_346 = arith.constant 320 : index
      %get3A_347 = tpu.vector_load %arg10[%get3A_345, %get3A_346] {strides = array<i32>} : memref<64x768xf32, #tpu.memory_space<vmem>>, vector<1x16xf32>,
      %get3A_348 = vector.shape_cast %get3A_347 : vector<1x16xf32> to vector<16xf32>
      %mul3A_349 = arith.mulf %get3A_348, %get3A_21 : vector<16xf32>
      %get3A_350 = arith.index_cast %scan3A_18 : i32 to index
      %get3A_351 = arith.constant 320 : index
      %get3A_352 = tpu.vector_load %arg11[%get3A_350, %get3A_351] {strides = array<i32>} : memref<64x768xf32, #tpu.memory_space<vmem>>, vector<1x16xf32>,
      %get3A_353 = vector.shape_cast %get3A_352 : vector<1x16xf32> to vector<16xf32>
      %mul3A_354 = arith.mulf %get3A_353, %get3A_25 : vector<16xf32>
      %add3A_355 = arith.addf %mul3A_349, %mul3A_354 : vector<16xf32>
      %swap3A_356 = arith.index_cast %scan3A_18 : i32 to index
      %swap3A_357 = arith.constant 320 : index
      %swap3A_358 = tpu.vector_load %arg10[%swap3A_356, %swap3A_357] {strides = array<i32>} : memref<64x768xf32, #tpu.memory_space<vmem>>, vector<1x16xf32>,
      %swap3A_359 = vector.shape_cast %swap3A_358 : vector<1x16xf32> to vector<16xf32>
      %swap3A_360 = vector.shape_cast %add3A_355 : vector<16xf32> to vector<1x16xf32>
      tpu.vector_store %arg10[%swap3A_356, %swap3A_357], %swap3A_360 {strides = array<i32>} : memref<64x768xf32, #tpu.memory_space<vmem>>, vector<1x16xf32>,
      %get3A_361 = arith.index_cast %scan3A_18 : i32 to index
      %get3A_362 = arith.constant 336 : index
      %get3A_363 = tpu.vector_load %arg10[%get3A_361, %get3A_362] {strides = array<i32>} : memref<64x768xf32, #tpu.memory_space<vmem>>, vector<1x16xf32>,
      %get3A_364 = vector.shape_cast %get3A_363 : vector<1x16xf32> to vector<16xf32>
      %mul3A_365 = arith.mulf %get3A_364, %get3A_21 : vector<16xf32>
      %get3A_366 = arith.index_cast %scan3A_18 : i32 to index
      %get3A_367 = arith.constant 336 : index
      %get3A_368 = tpu.vector_load %arg11[%get3A_366, %get3A_367] {strides = array<i32>} : memref<64x768xf32, #tpu.memory_space<vmem>>, vector<1x16xf32>,
      %get3A_369 = vector.shape_cast %get3A_368 : vector<1x16xf32> to vector<16xf32>
      %mul3A_370 = arith.mulf %get3A_369, %get3A_25 : vector<16xf32>
      %add3A_371 = arith.addf %mul3A_365, %mul3A_370 : vector<16xf32>
      %swap3A_372 = arith.index_cast %scan3A_18 : i32 to index
      %swap3A_373 = arith.constant 336 : index
      %swap3A_374 = tpu.vector_load %arg10[%swap3A_372, %swap3A_373] {strides = array<i32>} : memref<64x768xf32, #tpu.memory_space<vmem>>, vector<1x16xf32>,
      %swap3A_375 = vector.shape_cast %swap3A_374 : vector<1x16xf32> to vector<16xf32>
      %swap3A_376 = vector.shape_cast %add3A_371 : vector<16xf32> to vector<1x16xf32>
      tpu.vector_store %arg10[%swap3A_372, %swap3A_373], %swap3A_376 {strides = array<i32>} : memref<64x768xf32, #tpu.memory_space<vmem>>, vector<1x16xf32>,
      %get3A_377 = arith.index_cast %scan3A_18 : i32 to index
      %get3A_378 = arith.constant 352 : index
      %get3A_379 = tpu.vector_load %arg10[%get3A_377, %get3A_378] {strides = array<i32>} : memref<64x768xf32, #tpu.memory_space<vmem>>, vector<1x16xf32>,
      %get3A_380 = vector.shape_cast %get3A_379 : vector<1x16xf32> to vector<16xf32>
      %mul3A_381 = arith.mulf %get3A_380, %get3A_21 : vector<16xf32>
      %get3A_382 = arith.index_cast %scan3A_18 : i32 to index
      %get3A_383 = arith.constant 352 : index
      %get3A_384 = tpu.vector_load %arg11[%get3A_382, %get3A_383] {strides = array<i32>} : memref<64x768xf32, #tpu.memory_space<vmem>>, vector<1x16xf32>,
      %get3A_385 = vector.shape_cast %get3A_384 : vector<1x16xf32> to vector<16xf32>
      %mul3A_386 = arith.mulf %get3A_385, %get3A_25 : vector<16xf32>
      %add3A_387 = arith.addf %mul3A_381, %mul3A_386 : vector<16xf32>
      %swap3A_388 = arith.index_cast %scan3A_18 : i32 to index
      %swap3A_389 = arith.constant 352 : index
      %swap3A_390 = tpu.vector_load %arg10[%swap3A_388, %swap3A_389] {strides = array<i32>} : memref<64x768xf32, #tpu.memory_space<vmem>>, vector<1x16xf32>,
      %swap3A_391 = vector.shape_cast %swap3A_390 : vector<1x16xf32> to vector<16xf32>
      %swap3A_392 = vector.shape_cast %add3A_387 : vector<16xf32> to vector<1x16xf32>
      tpu.vector_store %arg10[%swap3A_388, %swap3A_389], %swap3A_392 {strides = array<i32>} : memref<64x768xf32, #tpu.memory_space<vmem>>, vector<1x16xf32>,
      %get3A_393 = arith.index_cast %scan3A_18 : i32 to index
      %get3A_394 = arith.constant 368 : index
      %get3A_395 = tpu.vector_load %arg10[%get3A_393, %get3A_394] {strides = array<i32>} : memref<64x768xf32, #tpu.memory_space<vmem>>, vector<1x16xf32>,
      %get3A_396 = vector.shape_cast %get3A_395 : vector<1x16xf32> to vector<16xf32>
      %mul3A_397 = arith.mulf %get3A_396, %get3A_21 : vector<16xf32>
      %get3A_398 = arith.index_cast %scan3A_18 : i32 to index
      %get3A_399 = arith.constant 368 : index
      %get3A_400 = tpu.vector_load %arg11[%get3A_398, %get3A_399] {strides = array<i32>} : memref<64x768xf32, #tpu.memory_space<vmem>>, vector<1x16xf32>,
      %get3A_401 = vector.shape_cast %get3A_400 : vector<1x16xf32> to vector<16xf32>
      %mul3A_402 = arith.mulf %get3A_401, %get3A_25 : vector<16xf32>
      %add3A_403 = arith.addf %mul3A_397, %mul3A_402 : vector<16xf32>
      %swap3A_404 = arith.index_cast %scan3A_18 : i32 to index
      %swap3A_405 = arith.constant 368 : index
      %swap3A_406 = tpu.vector_load %arg10[%swap3A_404, %swap3A_405] {strides = array<i32>} : memref<64x768xf32, #tpu.memory_space<vmem>>, vector<1x16xf32>,
      %swap3A_407 = vector.shape_cast %swap3A_406 : vector<1x16xf32> to vector<16xf32>
      %swap3A_408 = vector.shape_cast %add3A_403 : vector<16xf32> to vector<1x16xf32>
      tpu.vector_store %arg10[%swap3A_404, %swap3A_405], %swap3A_408 {strides = array<i32>} : memref<64x768xf32, #tpu.memory_space<vmem>>, vector<1x16xf32>,
      %get3A_409 = arith.index_cast %scan3A_18 : i32 to index
      %get3A_410 = arith.constant 384 : index
      %get3A_411 = tpu.vector_load %arg10[%get3A_409, %get3A_410] {strides = array<i32>} : memref<64x768xf32, #tpu.memory_space<vmem>>, vector<1x16xf32>,
      %get3A_412 = vector.shape_cast %get3A_411 : vector<1x16xf32> to vector<16xf32>
      %mul3A_413 = arith.mulf %get3A_412, %get3A_21 : vector<16xf32>
      %get3A_414 = arith.index_cast %scan3A_18 : i32 to index
      %get3A_415 = arith.constant 384 : index
      %get3A_416 = tpu.vector_load %arg11[%get3A_414, %get3A_415] {strides = array<i32>} : memref<64x768xf32, #tpu.memory_space<vmem>>, vector<1x16xf32>,
      %get3A_417 = vector.shape_cast %get3A_416 : vector<1x16xf32> to vector<16xf32>
      %mul3A_418 = arith.mulf %get3A_417, %get3A_25 : vector<16xf32>
      %add3A_419 = arith.addf %mul3A_413, %mul3A_418 : vector<16xf32>
      %swap3A_420 = arith.index_cast %scan3A_18 : i32 to index
      %swap3A_421 = arith.constant 384 : index
      %swap3A_422 = tpu.vector_load %arg10[%swap3A_420, %swap3A_421] {strides = array<i32>} : memref<64x768xf32, #tpu.memory_space<vmem>>, vector<1x16xf32>,
      %swap3A_423 = vector.shape_cast %swap3A_422 : vector<1x16xf32> to vector<16xf32>
      %swap3A_424 = vector.shape_cast %add3A_419 : vector<16xf32> to vector<1x16xf32>
      tpu.vector_store %arg10[%swap3A_420, %swap3A_421], %swap3A_424 {strides = array<i32>} : memref<64x768xf32, #tpu.memory_space<vmem>>, vector<1x16xf32>,
      %get3A_425 = arith.index_cast %scan3A_18 : i32 to index
      %get3A_426 = arith.constant 400 : index
      %get3A_427 = tpu.vector_load %arg10[%get3A_425, %get3A_426] {strides = array<i32>} : memref<64x768xf32, #tpu.memory_space<vmem>>, vector<1x16xf32>,
      %get3A_428 = vector.shape_cast %get3A_427 : vector<1x16xf32> to vector<16xf32>
      %mul3A_429 = arith.mulf %get3A_428, %get3A_21 : vector<16xf32>
      %get3A_430 = arith.index_cast %scan3A_18 : i32 to index
      %get3A_431 = arith.constant 400 : index
      %get3A_432 = tpu.vector_load %arg11[%get3A_430, %get3A_431] {strides = array<i32>} : memref<64x768xf32, #tpu.memory_space<vmem>>, vector<1x16xf32>,
      %get3A_433 = vector.shape_cast %get3A_432 : vector<1x16xf32> to vector<16xf32>
      %mul3A_434 = arith.mulf %get3A_433, %get3A_25 : vector<16xf32>
      %add3A_435 = arith.addf %mul3A_429, %mul3A_434 : vector<16xf32>
      %swap3A_436 = arith.index_cast %scan3A_18 : i32 to index
      %swap3A_437 = arith.constant 400 : index
      %swap3A_438 = tpu.vector_load %arg10[%swap3A_436, %swap3A_437] {strides = array<i32>} : memref<64x768xf32, #tpu.memory_space<vmem>>, vector<1x16xf32>,
      %swap3A_439 = vector.shape_cast %swap3A_438 : vector<1x16xf32> to vector<16xf32>
      %swap3A_440 = vector.shape_cast %add3A_435 : vector<16xf32> to vector<1x16xf32>
      tpu.vector_store %arg10[%swap3A_436, %swap3A_437], %swap3A_440 {strides = array<i32>} : memref<64x768xf32, #tpu.memory_space<vmem>>, vector<1x16xf32>,
      %get3A_441 = arith.index_cast %scan3A_18 : i32 to index
      %get3A_442 = arith.constant 416 : index
      %get3A_443 = tpu.vector_load %arg10[%get3A_441, %get3A_442] {strides = array<i32>} : memref<64x768xf32, #tpu.memory_space<vmem>>, vector<1x16xf32>,
      %get3A_444 = vector.shape_cast %get3A_443 : vector<1x16xf32> to vector<16xf32>
      %mul3A_445 = arith.mulf %get3A_444, %get3A_21 : vector<16xf32>
      %get3A_446 = arith.index_cast %scan3A_18 : i32 to index
      %get3A_447 = arith.constant 416 : index
      %get3A_448 = tpu.vector_load %arg11[%get3A_446, %get3A_447] {strides = array<i32>} : memref<64x768xf32, #tpu.memory_space<vmem>>, vector<1x16xf32>,
      %get3A_449 = vector.shape_cast %get3A_448 : vector<1x16xf32> to vector<16xf32>
      %mul3A_450 = arith.mulf %get3A_449, %get3A_25 : vector<16xf32>
      %add3A_451 = arith.addf %mul3A_445, %mul3A_450 : vector<16xf32>
      %swap3A_452 = arith.index_cast %scan3A_18 : i32 to index
      %swap3A_453 = arith.constant 416 : index
      %swap3A_454 = tpu.vector_load %arg10[%swap3A_452, %swap3A_453] {strides = array<i32>} : memref<64x768xf32, #tpu.memory_space<vmem>>, vector<1x16xf32>,
      %swap3A_455 = vector.shape_cast %swap3A_454 : vector<1x16xf32> to vector<16xf32>
      %swap3A_456 = vector.shape_cast %add3A_451 : vector<16xf32> to vector<1x16xf32>
      tpu.vector_store %arg10[%swap3A_452, %swap3A_453], %swap3A_456 {strides = array<i32>} : memref<64x768xf32, #tpu.memory_space<vmem>>, vector<1x16xf32>,
      %get3A_457 = arith.index_cast %scan3A_18 : i32 to index
      %get3A_458 = arith.constant 432 : index
      %get3A_459 = tpu.vector_load %arg10[%get3A_457, %get3A_458] {strides = array<i32>} : memref<64x768xf32, #tpu.memory_space<vmem>>, vector<1x16xf32>,
      %get3A_460 = vector.shape_cast %get3A_459 : vector<1x16xf32> to vector<16xf32>
      %mul3A_461 = arith.mulf %get3A_460, %get3A_21 : vector<16xf32>
      %get3A_462 = arith.index_cast %scan3A_18 : i32 to index
      %get3A_463 = arith.constant 432 : index
      %get3A_464 = tpu.vector_load %arg11[%get3A_462, %get3A_463] {strides = array<i32>} : memref<64x768xf32, #tpu.memory_space<vmem>>, vector<1x16xf32>,
      %get3A_465 = vector.shape_cast %get3A_464 : vector<1x16xf32> to vector<16xf32>
      %mul3A_466 = arith.mulf %get3A_465, %get3A_25 : vector<16xf32>
      %add3A_467 = arith.addf %mul3A_461, %mul3A_466 : vector<16xf32>
      %swap3A_468 = arith.index_cast %scan3A_18 : i32 to index
      %swap3A_469 = arith.constant 432 : index
      %swap3A_470 = tpu.vector_load %arg10[%swap3A_468, %swap3A_469] {strides = array<i32>} : memref<64x768xf32, #tpu.memory_space<vmem>>, vector<1x16xf32>,
      %swap3A_471 = vector.shape_cast %swap3A_470 : vector<1x16xf32> to vector<16xf32>
      %swap3A_472 = vector.shape_cast %add3A_467 : vector<16xf32> to vector<1x16xf32>
      tpu.vector_store %arg10[%swap3A_468, %swap3A_469], %swap3A_472 {strides = array<i32>} : memref<64x768xf32, #tpu.memory_space<vmem>>, vector<1x16xf32>,
      %get3A_473 = arith.index_cast %scan3A_18 : i32 to index
      %get3A_474 = arith.constant 448 : index
      %get3A_475 = tpu.vector_load %arg10[%get3A_473, %get3A_474] {strides = array<i32>} : memref<64x768xf32, #tpu.memory_space<vmem>>, vector<1x16xf32>,
      %get3A_476 = vector.shape_cast %get3A_475 : vector<1x16xf32> to vector<16xf32>
      %mul3A_477 = arith.mulf %get3A_476, %get3A_21 : vector<16xf32>
      %get3A_478 = arith.index_cast %scan3A_18 : i32 to index
      %get3A_479 = arith.constant 448 : index
      %get3A_480 = tpu.vector_load %arg11[%get3A_478, %get3A_479] {strides = array<i32>} : memref<64x768xf32, #tpu.memory_space<vmem>>, vector<1x16xf32>,
      %get3A_481 = vector.shape_cast %get3A_480 : vector<1x16xf32> to vector<16xf32>
      %mul3A_482 = arith.mulf %get3A_481, %get3A_25 : vector<16xf32>
      %add3A_483 = arith.addf %mul3A_477, %mul3A_482 : vector<16xf32>
      %swap3A_484 = arith.index_cast %scan3A_18 : i32 to index
      %swap3A_485 = arith.constant 448 : index
      %swap3A_486 = tpu.vector_load %arg10[%swap3A_484, %swap3A_485] {strides = array<i32>} : memref<64x768xf32, #tpu.memory_space<vmem>>, vector<1x16xf32>,
      %swap3A_487 = vector.shape_cast %swap3A_486 : vector<1x16xf32> to vector<16xf32>
      %swap3A_488 = vector.shape_cast %add3A_483 : vector<16xf32> to vector<1x16xf32>
      tpu.vector_store %arg10[%swap3A_484, %swap3A_485], %swap3A_488 {strides = array<i32>} : memref<64x768xf32, #tpu.memory_space<vmem>>, vector<1x16xf32>,
      %get3A_489 = arith.index_cast %scan3A_18 : i32 to index
      %get3A_490 = arith.constant 464 : index
      %get3A_491 = tpu.vector_load %arg10[%get3A_489, %get3A_490] {strides = array<i32>} : memref<64x768xf32, #tpu.memory_space<vmem>>, vector<1x16xf32>,
      %get3A_492 = vector.shape_cast %get3A_491 : vector<1x16xf32> to vector<16xf32>
      %mul3A_493 = arith.mulf %get3A_492, %get3A_21 : vector<16xf32>
      %get3A_494 = arith.index_cast %scan3A_18 : i32 to index
      %get3A_495 = arith.constant 464 : index
      %get3A_496 = tpu.vector_load %arg11[%get3A_494, %get3A_495] {strides = array<i32>} : memref<64x768xf32, #tpu.memory_space<vmem>>, vector<1x16xf32>,
      %get3A_497 = vector.shape_cast %get3A_496 : vector<1x16xf32> to vector<16xf32>
      %mul3A_498 = arith.mulf %get3A_497, %get3A_25 : vector<16xf32>
      %add3A_499 = arith.addf %mul3A_493, %mul3A_498 : vector<16xf32>
      %swap3A_500 = arith.index_cast %scan3A_18 : i32 to index
      %swap3A_501 = arith.constant 464 : index
      %swap3A_502 = tpu.vector_load %arg10[%swap3A_500, %swap3A_501] {strides = array<i32>} : memref<64x768xf32, #tpu.memory_space<vmem>>, vector<1x16xf32>,
      %swap3A_503 = vector.shape_cast %swap3A_502 : vector<1x16xf32> to vector<16xf32>
      %swap3A_504 = vector.shape_cast %add3A_499 : vector<16xf32> to vector<1x16xf32>
      tpu.vector_store %arg10[%swap3A_500, %swap3A_501], %swap3A_504 {strides = array<i32>} : memref<64x768xf32, #tpu.memory_space<vmem>>, vector<1x16xf32>,
      %get3A_505 = arith.index_cast %scan3A_18 : i32 to index
      %get3A_506 = arith.constant 480 : index
      %get3A_507 = tpu.vector_load %arg10[%get3A_505, %get3A_506] {strides = array<i32>} : memref<64x768xf32, #tpu.memory_space<vmem>>, vector<1x16xf32>,
      %get3A_508 = vector.shape_cast %get3A_507 : vector<1x16xf32> to vector<16xf32>
      %mul3A_509 = arith.mulf %get3A_508, %get3A_21 : vector<16xf32>
      %get3A_510 = arith.index_cast %scan3A_18 : i32 to index
      %get3A_511 = arith.constant 480 : index
      %get3A_512 = tpu.vector_load %arg11[%get3A_510, %get3A_511] {strides = array<i32>} : memref<64x768xf32, #tpu.memory_space<vmem>>, vector<1x16xf32>,
      %get3A_513 = vector.shape_cast %get3A_512 : vector<1x16xf32> to vector<16xf32>
      %mul3A_514 = arith.mulf %get3A_513, %get3A_25 : vector<16xf32>
      %add3A_515 = arith.addf %mul3A_509, %mul3A_514 : vector<16xf32>
      %swap3A_516 = arith.index_cast %scan3A_18 : i32 to index
      %swap3A_517 = arith.constant 480 : index
      %swap3A_518 = tpu.vector_load %arg10[%swap3A_516, %swap3A_517] {strides = array<i32>} : memref<64x768xf32, #tpu.memory_space<vmem>>, vector<1x16xf32>,
      %swap3A_519 = vector.shape_cast %swap3A_518 : vector<1x16xf32> to vector<16xf32>
      %swap3A_520 = vector.shape_cast %add3A_515 : vector<16xf32> to vector<1x16xf32>
      tpu.vector_store %arg10[%swap3A_516, %swap3A_517], %swap3A_520 {strides = array<i32>} : memref<64x768xf32, #tpu.memory_space<vmem>>, vector<1x16xf32>,
      %get3A_521 = arith.index_cast %scan3A_18 : i32 to index
      %get3A_522 = arith.constant 496 : index
      %get3A_523 = tpu.vector_load %arg10[%get3A_521, %get3A_522] {strides = array<i32>} : memref<64x768xf32, #tpu.memory_space<vmem>>, vector<1x16xf32>,
      %get3A_524 = vector.shape_cast %get3A_523 : vector<1x16xf32> to vector<16xf32>
      %mul3A_525 = arith.mulf %get3A_524, %get3A_21 : vector<16xf32>
      %get3A_526 = arith.index_cast %scan3A_18 : i32 to index
      %get3A_527 = arith.constant 496 : index
      %get3A_528 = tpu.vector_load %arg11[%get3A_526, %get3A_527] {strides = array<i32>} : memref<64x768xf32, #tpu.memory_space<vmem>>, vector<1x16xf32>,
      %get3A_529 = vector.shape_cast %get3A_528 : vector<1x16xf32> to vector<16xf32>
      %mul3A_530 = arith.mulf %get3A_529, %get3A_25 : vector<16xf32>
      %add3A_531 = arith.addf %mul3A_525, %mul3A_530 : vector<16xf32>
      %swap3A_532 = arith.index_cast %scan3A_18 : i32 to index
      %swap3A_533 = arith.constant 496 : index
      %swap3A_534 = tpu.vector_load %arg10[%swap3A_532, %swap3A_533] {strides = array<i32>} : memref<64x768xf32, #tpu.memory_space<vmem>>, vector<1x16xf32>,
      %swap3A_535 = vector.shape_cast %swap3A_534 : vector<1x16xf32> to vector<16xf32>
      %swap3A_536 = vector.shape_cast %add3A_531 : vector<16xf32> to vector<1x16xf32>
      tpu.vector_store %arg10[%swap3A_532, %swap3A_533], %swap3A_536 {strides = array<i32>} : memref<64x768xf32, #tpu.memory_space<vmem>>, vector<1x16xf32>,
      %get3A_537 = arith.index_cast %scan3A_18 : i32 to index
      %get3A_538 = arith.constant 512 : index
      %get3A_539 = tpu.vector_load %arg10[%get3A_537, %get3A_538] {strides = array<i32>} : memref<64x768xf32, #tpu.memory_space<vmem>>, vector<1x16xf32>,
      %get3A_540 = vector.shape_cast %get3A_539 : vector<1x16xf32> to vector<16xf32>
      %mul3A_541 = arith.mulf %get3A_540, %get3A_21 : vector<16xf32>
      %get3A_542 = arith.index_cast %scan3A_18 : i32 to index
      %get3A_543 = arith.constant 512 : index
      %get3A_544 = tpu.vector_load %arg11[%get3A_542, %get3A_543] {strides = array<i32>} : memref<64x768xf32, #tpu.memory_space<vmem>>, vector<1x16xf32>,
      %get3A_545 = vector.shape_cast %get3A_544 : vector<1x16xf32> to vector<16xf32>
      %mul3A_546 = arith.mulf %get3A_545, %get3A_25 : vector<16xf32>
      %add3A_547 = arith.addf %mul3A_541, %mul3A_546 : vector<16xf32>
      %swap3A_548 = arith.index_cast %scan3A_18 : i32 to index
      %swap3A_549 = arith.constant 512 : index
      %swap3A_550 = tpu.vector_load %arg10[%swap3A_548, %swap3A_549] {strides = array<i32>} : memref<64x768xf32, #tpu.memory_space<vmem>>, vector<1x16xf32>,
      %swap3A_551 = vector.shape_cast %swap3A_550 : vector<1x16xf32> to vector<16xf32>
      %swap3A_552 = vector.shape_cast %add3A_547 : vector<16xf32> to vector<1x16xf32>
      tpu.vector_store %arg10[%swap3A_548, %swap3A_549], %swap3A_552 {strides = array<i32>} : memref<64x768xf32, #tpu.memory_space<vmem>>, vector<1x16xf32>,
      %get3A_553 = arith.index_cast %scan3A_18 : i32 to index
      %get3A_554 = arith.constant 528 : index
      %get3A_555 = tpu.vector_load %arg10[%get3A_553, %get3A_554] {strides = array<i32>} : memref<64x768xf32, #tpu.memory_space<vmem>>, vector<1x16xf32>,
      %get3A_556 = vector.shape_cast %get3A_555 : vector<1x16xf32> to vector<16xf32>
      %mul3A_557 = arith.mulf %get3A_556, %get3A_21 : vector<16xf32>
      %get3A_558 = arith.index_cast %scan3A_18 : i32 to index
      %get3A_559 = arith.constant 528 : index
      %get3A_560 = tpu.vector_load %arg11[%get3A_558, %get3A_559] {strides = array<i32>} : memref<64x768xf32, #tpu.memory_space<vmem>>, vector<1x16xf32>,
      %get3A_561 = vector.shape_cast %get3A_560 : vector<1x16xf32> to vector<16xf32>
      %mul3A_562 = arith.mulf %get3A_561, %get3A_25 : vector<16xf32>
      %add3A_563 = arith.addf %mul3A_557, %mul3A_562 : vector<16xf32>
      %swap3A_564 = arith.index_cast %scan3A_18 : i32 to index
      %swap3A_565 = arith.constant 528 : index
      %swap3A_566 = tpu.vector_load %arg10[%swap3A_564, %swap3A_565] {strides = array<i32>} : memref<64x768xf32, #tpu.memory_space<vmem>>, vector<1x16xf32>,
      %swap3A_567 = vector.shape_cast %swap3A_566 : vector<1x16xf32> to vector<16xf32>
      %swap3A_568 = vector.shape_cast %add3A_563 : vector<16xf32> to vector<1x16xf32>
      tpu.vector_store %arg10[%swap3A_564, %swap3A_565], %swap3A_568 {strides = array<i32>} : memref<64x768xf32, #tpu.memory_space<vmem>>, vector<1x16xf32>,
      %get3A_569 = arith.index_cast %scan3A_18 : i32 to index
      %get3A_570 = arith.constant 544 : index
      %get3A_571 = tpu.vector_load %arg10[%get3A_569, %get3A_570] {strides = array<i32>} : memref<64x768xf32, #tpu.memory_space<vmem>>, vector<1x16xf32>,
      %get3A_572 = vector.shape_cast %get3A_571 : vector<1x16xf32> to vector<16xf32>
      %mul3A_573 = arith.mulf %get3A_572, %get3A_21 : vector<16xf32>
      %get3A_574 = arith.index_cast %scan3A_18 : i32 to index
      %get3A_575 = arith.constant 544 : index
      %get3A_576 = tpu.vector_load %arg11[%get3A_574, %get3A_575] {strides = array<i32>} : memref<64x768xf32, #tpu.memory_space<vmem>>, vector<1x16xf32>,
      %get3A_577 = vector.shape_cast %get3A_576 : vector<1x16xf32> to vector<16xf32>
      %mul3A_578 = arith.mulf %get3A_577, %get3A_25 : vector<16xf32>
      %add3A_579 = arith.addf %mul3A_573, %mul3A_578 : vector<16xf32>
      %swap3A_580 = arith.index_cast %scan3A_18 : i32 to index
      %swap3A_581 = arith.constant 544 : index
      %swap3A_582 = tpu.vector_load %arg10[%swap3A_580, %swap3A_581] {strides = array<i32>} : memref<64x768xf32, #tpu.memory_space<vmem>>, vector<1x16xf32>,
      %swap3A_583 = vector.shape_cast %swap3A_582 : vector<1x16xf32> to vector<16xf32>
      %swap3A_584 = vector.shape_cast %add3A_579 : vector<16xf32> to vector<1x16xf32>
      tpu.vector_store %arg10[%swap3A_580, %swap3A_581], %swap3A_584 {strides = array<i32>} : memref<64x768xf32, #tpu.memory_space<vmem>>, vector<1x16xf32>,
      %get3A_585 = arith.index_cast %scan3A_18 : i32 to index
      %get3A_586 = arith.constant 560 : index
      %get3A_587 = tpu.vector_load %arg10[%get3A_585, %get3A_586] {strides = array<i32>} : memref<64x768xf32, #tpu.memory_space<vmem>>, vector<1x16xf32>,
      %get3A_588 = vector.shape_cast %get3A_587 : vector<1x16xf32> to vector<16xf32>
      %mul3A_589 = arith.mulf %get3A_588, %get3A_21 : vector<16xf32>
      %get3A_590 = arith.index_cast %scan3A_18 : i32 to index
      %get3A_591 = arith.constant 560 : index
      %get3A_592 = tpu.vector_load %arg11[%get3A_590, %get3A_591] {strides = array<i32>} : memref<64x768xf32, #tpu.memory_space<vmem>>, vector<1x16xf32>,
      %get3A_593 = vector.shape_cast %get3A_592 : vector<1x16xf32> to vector<16xf32>
      %mul3A_594 = arith.mulf %get3A_593, %get3A_25 : vector<16xf32>
      %add3A_595 = arith.addf %mul3A_589, %mul3A_594 : vector<16xf32>
      %swap3A_596 = arith.index_cast %scan3A_18 : i32 to index
      %swap3A_597 = arith.constant 560 : index
      %swap3A_598 = tpu.vector_load %arg10[%swap3A_596, %swap3A_597] {strides = array<i32>} : memref<64x768xf32, #tpu.memory_space<vmem>>, vector<1x16xf32>,
      %swap3A_599 = vector.shape_cast %swap3A_598 : vector<1x16xf32> to vector<16xf32>
      %swap3A_600 = vector.shape_cast %add3A_595 : vector<16xf32> to vector<1x16xf32>
      tpu.vector_store %arg10[%swap3A_596, %swap3A_597], %swap3A_600 {strides = array<i32>} : memref<64x768xf32, #tpu.memory_space<vmem>>, vector<1x16xf32>,
      %get3A_601 = arith.index_cast %scan3A_18 : i32 to index
      %get3A_602 = arith.constant 576 : index
      %get3A_603 = tpu.vector_load %arg10[%get3A_601, %get3A_602] {strides = array<i32>} : memref<64x768xf32, #tpu.memory_space<vmem>>, vector<1x16xf32>,
      %get3A_604 = vector.shape_cast %get3A_603 : vector<1x16xf32> to vector<16xf32>
      %mul3A_605 = arith.mulf %get3A_604, %get3A_21 : vector<16xf32>
      %get3A_606 = arith.index_cast %scan3A_18 : i32 to index
      %get3A_607 = arith.constant 576 : index
      %get3A_608 = tpu.vector_load %arg11[%get3A_606, %get3A_607] {strides = array<i32>} : memref<64x768xf32, #tpu.memory_space<vmem>>, vector<1x16xf32>,
      %get3A_609 = vector.shape_cast %get3A_608 : vector<1x16xf32> to vector<16xf32>
      %mul3A_610 = arith.mulf %get3A_609, %get3A_25 : vector<16xf32>
      %add3A_611 = arith.addf %mul3A_605, %mul3A_610 : vector<16xf32>
      %swap3A_612 = arith.index_cast %scan3A_18 : i32 to index
      %swap3A_613 = arith.constant 576 : index
      %swap3A_614 = tpu.vector_load %arg10[%swap3A_612, %swap3A_613] {strides = array<i32>} : memref<64x768xf32, #tpu.memory_space<vmem>>, vector<1x16xf32>,
      %swap3A_615 = vector.shape_cast %swap3A_614 : vector<1x16xf32> to vector<16xf32>
      %swap3A_616 = vector.shape_cast %add3A_611 : vector<16xf32> to vector<1x16xf32>
      tpu.vector_store %arg10[%swap3A_612, %swap3A_613], %swap3A_616 {strides = array<i32>} : memref<64x768xf32, #tpu.memory_space<vmem>>, vector<1x16xf32>,
      %get3A_617 = arith.index_cast %scan3A_18 : i32 to index
      %get3A_618 = arith.constant 592 : index
      %get3A_619 = tpu.vector_load %arg10[%get3A_617, %get3A_618] {strides = array<i32>} : memref<64x768xf32, #tpu.memory_space<vmem>>, vector<1x16xf32>,
      %get3A_620 = vector.shape_cast %get3A_619 : vector<1x16xf32> to vector<16xf32>
      %mul3A_621 = arith.mulf %get3A_620, %get3A_21 : vector<16xf32>
      %get3A_622 = arith.index_cast %scan3A_18 : i32 to index
      %get3A_623 = arith.constant 592 : index
      %get3A_624 = tpu.vector_load %arg11[%get3A_622, %get3A_623] {strides = array<i32>} : memref<64x768xf32, #tpu.memory_space<vmem>>, vector<1x16xf32>,
      %get3A_625 = vector.shape_cast %get3A_624 : vector<1x16xf32> to vector<16xf32>
      %mul3A_626 = arith.mulf %get3A_625, %get3A_25 : vector<16xf32>
      %add3A_627 = arith.addf %mul3A_621, %mul3A_626 : vector<16xf32>
      %swap3A_628 = arith.index_cast %scan3A_18 : i32 to index
      %swap3A_629 = arith.constant 592 : index
      %swap3A_630 = tpu.vector_load %arg10[%swap3A_628, %swap3A_629] {strides = array<i32>} : memref<64x768xf32, #tpu.memory_space<vmem>>, vector<1x16xf32>,
      %swap3A_631 = vector.shape_cast %swap3A_630 : vector<1x16xf32> to vector<16xf32>
      %swap3A_632 = vector.shape_cast %add3A_627 : vector<16xf32> to vector<1x16xf32>
      tpu.vector_store %arg10[%swap3A_628, %swap3A_629], %swap3A_632 {strides = array<i32>} : memref<64x768xf32, #tpu.memory_space<vmem>>, vector<1x16xf32>,
      %get3A_633 = arith.index_cast %scan3A_18 : i32 to index
      %get3A_634 = arith.constant 608 : index
      %get3A_635 = tpu.vector_load %arg10[%get3A_633, %get3A_634] {strides = array<i32>} : memref<64x768xf32, #tpu.memory_space<vmem>>, vector<1x16xf32>,
      %get3A_636 = vector.shape_cast %get3A_635 : vector<1x16xf32> to vector<16xf32>
      %mul3A_637 = arith.mulf %get3A_636, %get3A_21 : vector<16xf32>
      %get3A_638 = arith.index_cast %scan3A_18 : i32 to index
      %get3A_639 = arith.constant 608 : index
      %get3A_640 = tpu.vector_load %arg11[%get3A_638, %get3A_639] {strides = array<i32>} : memref<64x768xf32, #tpu.memory_space<vmem>>, vector<1x16xf32>,
      %get3A_641 = vector.shape_cast %get3A_640 : vector<1x16xf32> to vector<16xf32>
      %mul3A_642 = arith.mulf %get3A_641, %get3A_25 : vector<16xf32>
      %add3A_643 = arith.addf %mul3A_637, %mul3A_642 : vector<16xf32>
      %swap3A_644 = arith.index_cast %scan3A_18 : i32 to index
      %swap3A_645 = arith.constant 608 : index
      %swap3A_646 = tpu.vector_load %arg10[%swap3A_644, %swap3A_645] {strides = array<i32>} : memref<64x768xf32, #tpu.memory_space<vmem>>, vector<1x16xf32>,
      %swap3A_647 = vector.shape_cast %swap3A_646 : vector<1x16xf32> to vector<16xf32>
      %swap3A_648 = vector.shape_cast %add3A_643 : vector<16xf32> to vector<1x16xf32>
      tpu.vector_store %arg10[%swap3A_644, %swap3A_645], %swap3A_648 {strides = array<i32>} : memref<64x768xf32, #tpu.memory_space<vmem>>, vector<1x16xf32>,
      %get3A_649 = arith.index_cast %scan3A_18 : i32 to index
      %get3A_650 = arith.constant 624 : index
      %get3A_651 = tpu.vector_load %arg10[%get3A_649, %get3A_650] {strides = array<i32>} : memref<64x768xf32, #tpu.memory_space<vmem>>, vector<1x16xf32>,
      %get3A_652 = vector.shape_cast %get3A_651 : vector<1x16xf32> to vector<16xf32>
      %mul3A_653 = arith.mulf %get3A_652, %get3A_21 : vector<16xf32>
      %get3A_654 = arith.index_cast %scan3A_18 : i32 to index
      %get3A_655 = arith.constant 624 : index
      %get3A_656 = tpu.vector_load %arg11[%get3A_654, %get3A_655] {strides = array<i32>} : memref<64x768xf32, #tpu.memory_space<vmem>>, vector<1x16xf32>,
      %get3A_657 = vector.shape_cast %get3A_656 : vector<1x16xf32> to vector<16xf32>
      %mul3A_658 = arith.mulf %get3A_657, %get3A_25 : vector<16xf32>
      %add3A_659 = arith.addf %mul3A_653, %mul3A_658 : vector<16xf32>
      %swap3A_660 = arith.index_cast %scan3A_18 : i32 to index
      %swap3A_661 = arith.constant 624 : index
      %swap3A_662 = tpu.vector_load %arg10[%swap3A_660, %swap3A_661] {strides = array<i32>} : memref<64x768xf32, #tpu.memory_space<vmem>>, vector<1x16xf32>,
      %swap3A_663 = vector.shape_cast %swap3A_662 : vector<1x16xf32> to vector<16xf32>
      %swap3A_664 = vector.shape_cast %add3A_659 : vector<16xf32> to vector<1x16xf32>
      tpu.vector_store %arg10[%swap3A_660, %swap3A_661], %swap3A_664 {strides = array<i32>} : memref<64x768xf32, #tpu.memory_space<vmem>>, vector<1x16xf32>,
      %get3A_665 = arith.index_cast %scan3A_18 : i32 to index
      %get3A_666 = arith.constant 640 : index
      %get3A_667 = tpu.vector_load %arg10[%get3A_665, %get3A_666] {strides = array<i32>} : memref<64x768xf32, #tpu.memory_space<vmem>>, vector<1x16xf32>,
      %get3A_668 = vector.shape_cast %get3A_667 : vector<1x16xf32> to vector<16xf32>
      %mul3A_669 = arith.mulf %get3A_668, %get3A_21 : vector<16xf32>
      %get3A_670 = arith.index_cast %scan3A_18 : i32 to index
      %get3A_671 = arith.constant 640 : index
      %get3A_672 = tpu.vector_load %arg11[%get3A_670, %get3A_671] {strides = array<i32>} : memref<64x768xf32, #tpu.memory_space<vmem>>, vector<1x16xf32>,
      %get3A_673 = vector.shape_cast %get3A_672 : vector<1x16xf32> to vector<16xf32>
      %mul3A_674 = arith.mulf %get3A_673, %get3A_25 : vector<16xf32>
      %add3A_675 = arith.addf %mul3A_669, %mul3A_674 : vector<16xf32>
      %swap3A_676 = arith.index_cast %scan3A_18 : i32 to index
      %swap3A_677 = arith.constant 640 : index
      %swap3A_678 = tpu.vector_load %arg10[%swap3A_676, %swap3A_677] {strides = array<i32>} : memref<64x768xf32, #tpu.memory_space<vmem>>, vector<1x16xf32>,
      %swap3A_679 = vector.shape_cast %swap3A_678 : vector<1x16xf32> to vector<16xf32>
      %swap3A_680 = vector.shape_cast %add3A_675 : vector<16xf32> to vector<1x16xf32>
      tpu.vector_store %arg10[%swap3A_676, %swap3A_677], %swap3A_680 {strides = array<i32>} : memref<64x768xf32, #tpu.memory_space<vmem>>, vector<1x16xf32>,
      %get3A_681 = arith.index_cast %scan3A_18 : i32 to index
      %get3A_682 = arith.constant 656 : index
      %get3A_683 = tpu.vector_load %arg10[%get3A_681, %get3A_682] {strides = array<i32>} : memref<64x768xf32, #tpu.memory_space<vmem>>, vector<1x16xf32>,
      %get3A_684 = vector.shape_cast %get3A_683 : vector<1x16xf32> to vector<16xf32>
      %mul3A_685 = arith.mulf %get3A_684, %get3A_21 : vector<16xf32>
      %get3A_686 = arith.index_cast %scan3A_18 : i32 to index
      %get3A_687 = arith.constant 656 : index
      %get3A_688 = tpu.vector_load %arg11[%get3A_686, %get3A_687] {strides = array<i32>} : memref<64x768xf32, #tpu.memory_space<vmem>>, vector<1x16xf32>,
      %get3A_689 = vector.shape_cast %get3A_688 : vector<1x16xf32> to vector<16xf32>
      %mul3A_690 = arith.mulf %get3A_689, %get3A_25 : vector<16xf32>
      %add3A_691 = arith.addf %mul3A_685, %mul3A_690 : vector<16xf32>
      %swap3A_692 = arith.index_cast %scan3A_18 : i32 to index
      %swap3A_693 = arith.constant 656 : index
      %swap3A_694 = tpu.vector_load %arg10[%swap3A_692, %swap3A_693] {strides = array<i32>} : memref<64x768xf32, #tpu.memory_space<vmem>>, vector<1x16xf32>,
      %swap3A_695 = vector.shape_cast %swap3A_694 : vector<1x16xf32> to vector<16xf32>
      %swap3A_696 = vector.shape_cast %add3A_691 : vector<16xf32> to vector<1x16xf32>
      tpu.vector_store %arg10[%swap3A_692, %swap3A_693], %swap3A_696 {strides = array<i32>} : memref<64x768xf32, #tpu.memory_space<vmem>>, vector<1x16xf32>,
      %get3A_697 = arith.index_cast %scan3A_18 : i32 to index
      %get3A_698 = arith.constant 672 : index
      %get3A_699 = tpu.vector_load %arg10[%get3A_697, %get3A_698] {strides = array<i32>} : memref<64x768xf32, #tpu.memory_space<vmem>>, vector<1x16xf32>,
      %get3A_700 = vector.shape_cast %get3A_699 : vector<1x16xf32> to vector<16xf32>
      %mul3A_701 = arith.mulf %get3A_700, %get3A_21 : vector<16xf32>
      %get3A_702 = arith.index_cast %scan3A_18 : i32 to index
      %get3A_703 = arith.constant 672 : index
      %get3A_704 = tpu.vector_load %arg11[%get3A_702, %get3A_703] {strides = array<i32>} : memref<64x768xf32, #tpu.memory_space<vmem>>, vector<1x16xf32>,
      %get3A_705 = vector.shape_cast %get3A_704 : vector<1x16xf32> to vector<16xf32>
      %mul3A_706 = arith.mulf %get3A_705, %get3A_25 : vector<16xf32>
      %add3A_707 = arith.addf %mul3A_701, %mul3A_706 : vector<16xf32>
      %swap3A_708 = arith.index_cast %scan3A_18 : i32 to index
      %swap3A_709 = arith.constant 672 : index
      %swap3A_710 = tpu.vector_load %arg10[%swap3A_708, %swap3A_709] {strides = array<i32>} : memref<64x768xf32, #tpu.memory_space<vmem>>, vector<1x16xf32>,
      %swap3A_711 = vector.shape_cast %swap3A_710 : vector<1x16xf32> to vector<16xf32>
      %swap3A_712 = vector.shape_cast %add3A_707 : vector<16xf32> to vector<1x16xf32>
      tpu.vector_store %arg10[%swap3A_708, %swap3A_709], %swap3A_712 {strides = array<i32>} : memref<64x768xf32, #tpu.memory_space<vmem>>, vector<1x16xf32>,
      %get3A_713 = arith.index_cast %scan3A_18 : i32 to index
      %get3A_714 = arith.constant 688 : index
      %get3A_715 = tpu.vector_load %arg10[%get3A_713, %get3A_714] {strides = array<i32>} : memref<64x768xf32, #tpu.memory_space<vmem>>, vector<1x16xf32>,
      %get3A_716 = vector.shape_cast %get3A_715 : vector<1x16xf32> to vector<16xf32>
      %mul3A_717 = arith.mulf %get3A_716, %get3A_21 : vector<16xf32>
      %get3A_718 = arith.index_cast %scan3A_18 : i32 to index
      %get3A_719 = arith.constant 688 : index
      %get3A_720 = tpu.vector_load %arg11[%get3A_718, %get3A_719] {strides = array<i32>} : memref<64x768xf32, #tpu.memory_space<vmem>>, vector<1x16xf32>,
      %get3A_721 = vector.shape_cast %get3A_720 : vector<1x16xf32> to vector<16xf32>
      %mul3A_722 = arith.mulf %get3A_721, %get3A_25 : vector<16xf32>
      %add3A_723 = arith.addf %mul3A_717, %mul3A_722 : vector<16xf32>
      %swap3A_724 = arith.index_cast %scan3A_18 : i32 to index
      %swap3A_725 = arith.constant 688 : index
      %swap3A_726 = tpu.vector_load %arg10[%swap3A_724, %swap3A_725] {strides = array<i32>} : memref<64x768xf32, #tpu.memory_space<vmem>>, vector<1x16xf32>,
      %swap3A_727 = vector.shape_cast %swap3A_726 : vector<1x16xf32> to vector<16xf32>
      %swap3A_728 = vector.shape_cast %add3A_723 : vector<16xf32> to vector<1x16xf32>
      tpu.vector_store %arg10[%swap3A_724, %swap3A_725], %swap3A_728 {strides = array<i32>} : memref<64x768xf32, #tpu.memory_space<vmem>>, vector<1x16xf32>,
      %get3A_729 = arith.index_cast %scan3A_18 : i32 to index
      %get3A_730 = arith.constant 704 : index
      %get3A_731 = tpu.vector_load %arg10[%get3A_729, %get3A_730] {strides = array<i32>} : memref<64x768xf32, #tpu.memory_space<vmem>>, vector<1x16xf32>,
      %get3A_732 = vector.shape_cast %get3A_731 : vector<1x16xf32> to vector<16xf32>
      %mul3A_733 = arith.mulf %get3A_732, %get3A_21 : vector<16xf32>
      %get3A_734 = arith.index_cast %scan3A_18 : i32 to index
      %get3A_735 = arith.constant 704 : index
      %get3A_736 = tpu.vector_load %arg11[%get3A_734, %get3A_735] {strides = array<i32>} : memref<64x768xf32, #tpu.memory_space<vmem>>, vector<1x16xf32>,
      %get3A_737 = vector.shape_cast %get3A_736 : vector<1x16xf32> to vector<16xf32>
      %mul3A_738 = arith.mulf %get3A_737, %get3A_25 : vector<16xf32>
      %add3A_739 = arith.addf %mul3A_733, %mul3A_738 : vector<16xf32>
      %swap3A_740 = arith.index_cast %scan3A_18 : i32 to index
      %swap3A_741 = arith.constant 704 : index
      %swap3A_742 = tpu.vector_load %arg10[%swap3A_740, %swap3A_741] {strides = array<i32>} : memref<64x768xf32, #tpu.memory_space<vmem>>, vector<1x16xf32>,
      %swap3A_743 = vector.shape_cast %swap3A_742 : vector<1x16xf32> to vector<16xf32>
      %swap3A_744 = vector.shape_cast %add3A_739 : vector<16xf32> to vector<1x16xf32>
      tpu.vector_store %arg10[%swap3A_740, %swap3A_741], %swap3A_744 {strides = array<i32>} : memref<64x768xf32, #tpu.memory_space<vmem>>, vector<1x16xf32>,
      %get3A_745 = arith.index_cast %scan3A_18 : i32 to index
      %get3A_746 = arith.constant 720 : index
      %get3A_747 = tpu.vector_load %arg10[%get3A_745, %get3A_746] {strides = array<i32>} : memref<64x768xf32, #tpu.memory_space<vmem>>, vector<1x16xf32>,
      %get3A_748 = vector.shape_cast %get3A_747 : vector<1x16xf32> to vector<16xf32>
      %mul3A_749 = arith.mulf %get3A_748, %get3A_21 : vector<16xf32>
      %get3A_750 = arith.index_cast %scan3A_18 : i32 to index
      %get3A_751 = arith.constant 720 : index
      %get3A_752 = tpu.vector_load %arg11[%get3A_750, %get3A_751] {strides = array<i32>} : memref<64x768xf32, #tpu.memory_space<vmem>>, vector<1x16xf32>,
      %get3A_753 = vector.shape_cast %get3A_752 : vector<1x16xf32> to vector<16xf32>
      %mul3A_754 = arith.mulf %get3A_753, %get3A_25 : vector<16xf32>
      %add3A_755 = arith.addf %mul3A_749, %mul3A_754 : vector<16xf32>
      %swap3A_756 = arith.index_cast %scan3A_18 : i32 to index
      %swap3A_757 = arith.constant 720 : index
      %swap3A_758 = tpu.vector_load %arg10[%swap3A_756, %swap3A_757] {strides = array<i32>} : memref<64x768xf32, #tpu.memory_space<vmem>>, vector<1x16xf32>,
      %swap3A_759 = vector.shape_cast %swap3A_758 : vector<1x16xf32> to vector<16xf32>
      %swap3A_760 = vector.shape_cast %add3A_755 : vector<16xf32> to vector<1x16xf32>
      tpu.vector_store %arg10[%swap3A_756, %swap3A_757], %swap3A_760 {strides = array<i32>} : memref<64x768xf32, #tpu.memory_space<vmem>>, vector<1x16xf32>,
      %get3A_761 = arith.index_cast %scan3A_18 : i32 to index
      %get3A_762 = arith.constant 736 : index
      %get3A_763 = tpu.vector_load %arg10[%get3A_761, %get3A_762] {strides = array<i32>} : memref<64x768xf32, #tpu.memory_space<vmem>>, vector<1x16xf32>,
      %get3A_764 = vector.shape_cast %get3A_763 : vector<1x16xf32> to vector<16xf32>
      %mul3A_765 = arith.mulf %get3A_764, %get3A_21 : vector<16xf32>
      %get3A_766 = arith.index_cast %scan3A_18 : i32 to index
      %get3A_767 = arith.constant 736 : index
      %get3A_768 = tpu.vector_load %arg11[%get3A_766, %get3A_767] {strides = array<i32>} : memref<64x768xf32, #tpu.memory_space<vmem>>, vector<1x16xf32>,
      %get3A_769 = vector.shape_cast %get3A_768 : vector<1x16xf32> to vector<16xf32>
      %mul3A_770 = arith.mulf %get3A_769, %get3A_25 : vector<16xf32>
      %add3A_771 = arith.addf %mul3A_765, %mul3A_770 : vector<16xf32>
      %swap3A_772 = arith.index_cast %scan3A_18 : i32 to index
      %swap3A_773 = arith.constant 736 : index
      %swap3A_774 = tpu.vector_load %arg10[%swap3A_772, %swap3A_773] {strides = array<i32>} : memref<64x768xf32, #tpu.memory_space<vmem>>, vector<1x16xf32>,
      %swap3A_775 = vector.shape_cast %swap3A_774 : vector<1x16xf32> to vector<16xf32>
      %swap3A_776 = vector.shape_cast %add3A_771 : vector<16xf32> to vector<1x16xf32>
      tpu.vector_store %arg10[%swap3A_772, %swap3A_773], %swap3A_776 {strides = array<i32>} : memref<64x768xf32, #tpu.memory_space<vmem>>, vector<1x16xf32>,
      %get3A_777 = arith.index_cast %scan3A_18 : i32 to index
      %get3A_778 = arith.constant 752 : index
      %get3A_779 = tpu.vector_load %arg10[%get3A_777, %get3A_778] {strides = array<i32>} : memref<64x768xf32, #tpu.memory_space<vmem>>, vector<1x16xf32>,
      %get3A_780 = vector.shape_cast %get3A_779 : vector<1x16xf32> to vector<16xf32>
      %mul3A_781 = arith.mulf %get3A_780, %get3A_21 : vector<16xf32>
      %get3A_782 = arith.index_cast %scan3A_18 : i32 to index
      %get3A_783 = arith.constant 752 : index
      %get3A_784 = tpu.vector_load %arg11[%get3A_782, %get3A_783] {strides = array<i32>} : memref<64x768xf32, #tpu.memory_space<vmem>>, vector<1x16xf32>,
      %get3A_785 = vector.shape_cast %get3A_784 : vector<1x16xf32> to vector<16xf32>
      %mul3A_786 = arith.mulf %get3A_785, %get3A_25 : vector<16xf32>
      %add3A_787 = arith.addf %mul3A_781, %mul3A_786 : vector<16xf32>
      %swap3A_788 = arith.index_cast %scan3A_18 : i32 to index
      %swap3A_789 = arith.constant 752 : index
      %swap3A_790 = tpu.vector_load %arg10[%swap3A_788, %swap3A_789] {strides = array<i32>} : memref<64x768xf32, #tpu.memory_space<vmem>>, vector<1x16xf32>,
      %swap3A_791 = vector.shape_cast %swap3A_790 : vector<1x16xf32> to vector<16xf32>
      %swap3A_792 = vector.shape_cast %add3A_787 : vector<16xf32> to vector<1x16xf32>
      tpu.vector_store %arg10[%swap3A_788, %swap3A_789], %swap3A_792 {strides = array<i32>} : memref<64x768xf32, #tpu.memory_space<vmem>>, vector<1x16xf32>,
    }
    %scan3A_17 = arith.constant 64 : i32
    "tpu.region"() ({
      %run_scoped3A = tpu.sem_alloc : memref<!tpu.dma_semaphore, #tpu.memory_space<semaphore_mem>>
      %dma_start3A_18 = arith.constant 0 : i32
      %dma_start3A_19 = tpu.memref_slice %arg7[%mul3A_2, %dma_start3A_18] : memref<2048x768xf32, #tpu.memory_space<hbm>> -> memref<64x768xf32, #tpu.memory_space<hbm>>
      %dma_start3A_20 = arith.constant 0 : i32
      %dma_start3A_21 = tpu.memref_slice %arg7[%mul3A_2, %dma_start3A_20] : memref<2048x768xf32, #tpu.memory_space<hbm>> -> memref<64x768xf32, #tpu.memory_space<hbm>>
      tpu.enqueue_dma source(%arg10 : memref<64x768xf32, #tpu.memory_space<vmem>>) target(%dma_start3A_21 : memref<64x768xf32, #tpu.memory_space<hbm>>) target_semaphore(%run_scoped3A : memref<!tpu.dma_semaphore, #tpu.memory_space<semaphore_mem>>)
      %dma_wait3A_22 = arith.constant 0 : i32
      %dma_wait3A_23 = tpu.memref_slice %arg7[%mul3A_2, %dma_wait3A_22] : memref<2048x768xf32, #tpu.memory_space<hbm>> -> memref<64x768xf32, #tpu.memory_space<hbm>>
      %dma_wait3A_24 = arith.constant 0 : i32
      %dma_wait3A_25 = tpu.memref_slice %arg7[%mul3A_2, %dma_wait3A_24] : memref<2048x768xf32, #tpu.memory_space<hbm>> -> memref<64x768xf32, #tpu.memory_space<hbm>>
      tpu.wait_dma2 semaphore(%run_scoped3A : memref<!tpu.dma_semaphore, #tpu.memory_space<semaphore_mem>>) src(%arg10 : memref<64x768xf32, #tpu.memory_space<vmem>>) dst(%dma_wait3A_25 : memref<64x768xf32, #tpu.memory_space<hbm>>)
      tpu.yield
    }) : () -> ()
    return
  }
}

#map = affine_map<(d0, d1) -> (0, 0)>
#map1 = affine_map<(d0, d1) -> (0)>
module attributes {stable_mosaic.version = 14 : i64} {
  func.func @_scatter_body(%arg0: i32, %arg1: i32, %arg2: memref<2048x384xi32, #tpu.memory_space<hbm>>, %arg3: memref<2048xi32, #tpu.memory_space<hbm>>, %arg4: memref<2048xi32, #tpu.memory_space<hbm>>, %arg5: memref<5888x384xi32, #tpu.memory_space<hbm>>, %arg6: memref<64xi32, #tpu.memory_space<vmem>>, %arg7: memref<64xi32, #tpu.memory_space<vmem>>, %arg8: memref<64x384xi32, #tpu.memory_space<vmem>>, %arg9: memref<!tpu.dma_semaphore, #tpu.memory_space<semaphore_mem>>) attributes {dimension_semantics = [#tpu.dimension_semantics<core_parallel>, #tpu.dimension_semantics<subcore_parallel>], iteration_bounds = array<i64: 2, 16>, scalar_prefetch = 0 : i64, scratch_operands = 4 : i64, tpu.core_type = #tpu.core_type<sc_vector_subcore>, window_params = [{transform_indices = #map}, {transform_indices = #map1}, {transform_indices = #map1}, {transform_indices = #map}]} {
    %mul3A = arith.constant 2 : i32
    %mul3A_0 = arith.muli %arg1, %mul3A : i32
    %add3A = arith.addi %mul3A_0, %arg0 : i32
    %mul3A_1 = arith.constant 64 : i32
    %mul3A_2 = arith.muli %add3A, %mul3A_1 : i32
    "tpu.region"() ({
      %run_scoped3A = tpu.sem_alloc : memref<!tpu.dma_semaphore, #tpu.memory_space<semaphore_mem>>
      %dma_start3A_13 = tpu.memref_slice %arg3[%mul3A_2] : memref<2048xi32, #tpu.memory_space<hbm>> -> memref<64xi32, #tpu.memory_space<hbm>>
      %dma_start3A_14 = tpu.memref_slice %arg3[%mul3A_2] : memref<2048xi32, #tpu.memory_space<hbm>> -> memref<64xi32, #tpu.memory_space<hbm>>
      tpu.enqueue_dma source(%dma_start3A_14 : memref<64xi32, #tpu.memory_space<hbm>>) target(%arg6 : memref<64xi32, #tpu.memory_space<vmem>>) target_semaphore(%run_scoped3A : memref<!tpu.dma_semaphore, #tpu.memory_space<semaphore_mem>>)
      %dma_wait3A_15 = tpu.memref_slice %arg3[%mul3A_2] : memref<2048xi32, #tpu.memory_space<hbm>> -> memref<64xi32, #tpu.memory_space<hbm>>
      %dma_wait3A_16 = tpu.memref_slice %arg3[%mul3A_2] : memref<2048xi32, #tpu.memory_space<hbm>> -> memref<64xi32, #tpu.memory_space<hbm>>
      tpu.wait_dma2 semaphore(%run_scoped3A : memref<!tpu.dma_semaphore, #tpu.memory_space<semaphore_mem>>) src(%dma_wait3A_16 : memref<64xi32, #tpu.memory_space<hbm>>) dst(%arg6 : memref<64xi32, #tpu.memory_space<vmem>>)
      tpu.yield
    }) : () -> ()
    "tpu.region"() ({
      %run_scoped3A = tpu.sem_alloc : memref<!tpu.dma_semaphore, #tpu.memory_space<semaphore_mem>>
      %dma_start3A_13 = tpu.memref_slice %arg4[%mul3A_2] : memref<2048xi32, #tpu.memory_space<hbm>> -> memref<64xi32, #tpu.memory_space<hbm>>
      %dma_start3A_14 = tpu.memref_slice %arg4[%mul3A_2] : memref<2048xi32, #tpu.memory_space<hbm>> -> memref<64xi32, #tpu.memory_space<hbm>>
      tpu.enqueue_dma source(%dma_start3A_14 : memref<64xi32, #tpu.memory_space<hbm>>) target(%arg7 : memref<64xi32, #tpu.memory_space<vmem>>) target_semaphore(%run_scoped3A : memref<!tpu.dma_semaphore, #tpu.memory_space<semaphore_mem>>)
      %dma_wait3A_15 = tpu.memref_slice %arg4[%mul3A_2] : memref<2048xi32, #tpu.memory_space<hbm>> -> memref<64xi32, #tpu.memory_space<hbm>>
      %dma_wait3A_16 = tpu.memref_slice %arg4[%mul3A_2] : memref<2048xi32, #tpu.memory_space<hbm>> -> memref<64xi32, #tpu.memory_space<hbm>>
      tpu.wait_dma2 semaphore(%run_scoped3A : memref<!tpu.dma_semaphore, #tpu.memory_space<semaphore_mem>>) src(%dma_wait3A_16 : memref<64xi32, #tpu.memory_space<hbm>>) dst(%arg7 : memref<64xi32, #tpu.memory_space<vmem>>)
      tpu.yield
    }) : () -> ()
    "tpu.region"() ({
      %run_scoped3A = tpu.sem_alloc : memref<!tpu.dma_semaphore, #tpu.memory_space<semaphore_mem>>
      %dma_start3A_13 = arith.constant 0 : i32
      %dma_start3A_14 = tpu.memref_slice %arg2[%mul3A_2, %dma_start3A_13] : memref<2048x384xi32, #tpu.memory_space<hbm>> -> memref<64x384xi32, #tpu.memory_space<hbm>>
      %dma_start3A_15 = arith.constant 0 : i32
      %dma_start3A_16 = tpu.memref_slice %arg2[%mul3A_2, %dma_start3A_15] : memref<2048x384xi32, #tpu.memory_space<hbm>> -> memref<64x384xi32, #tpu.memory_space<hbm>>
      tpu.enqueue_dma source(%dma_start3A_16 : memref<64x384xi32, #tpu.memory_space<hbm>>) target(%arg8 : memref<64x384xi32, #tpu.memory_space<vmem>>) target_semaphore(%run_scoped3A : memref<!tpu.dma_semaphore, #tpu.memory_space<semaphore_mem>>)
      %dma_wait3A_17 = arith.constant 0 : i32
      %dma_wait3A_18 = tpu.memref_slice %arg2[%mul3A_2, %dma_wait3A_17] : memref<2048x384xi32, #tpu.memory_space<hbm>> -> memref<64x384xi32, #tpu.memory_space<hbm>>
      %dma_wait3A_19 = arith.constant 0 : i32
      %dma_wait3A_20 = tpu.memref_slice %arg2[%mul3A_2, %dma_wait3A_19] : memref<2048x384xi32, #tpu.memory_space<hbm>> -> memref<64x384xi32, #tpu.memory_space<hbm>>
      tpu.wait_dma2 semaphore(%run_scoped3A : memref<!tpu.dma_semaphore, #tpu.memory_space<semaphore_mem>>) src(%dma_wait3A_20 : memref<64x384xi32, #tpu.memory_space<hbm>>) dst(%arg8 : memref<64x384xi32, #tpu.memory_space<vmem>>)
      tpu.yield
    }) : () -> ()
    %dma_start3A = arith.constant 0 : i32
    %dma_start3A_3 = arith.constant 0 : i32
    %dma_start3A_4 = tpu.memref_slice %arg5[%dma_start3A, %dma_start3A_3] : memref<5888x384xi32, #tpu.memory_space<hbm>> -> memref<5888x384xi32, #tpu.memory_space<hbm>>
    tpu.enqueue_indirect_dma source(%arg8 : memref<64x384xi32, #tpu.memory_space<vmem>>) target(%dma_start3A_4 : memref<5888x384xi32, #tpu.memory_space<hbm>>) offsets(%arg6 : memref<64xi32, #tpu.memory_space<vmem>>) semaphore(%arg9 : memref<!tpu.dma_semaphore, #tpu.memory_space<semaphore_mem>>)
    %dma_start3A_5 = arith.constant 0 : i32
    %dma_start3A_6 = arith.constant 0 : i32
    %dma_start3A_7 = tpu.memref_slice %arg5[%dma_start3A_5, %dma_start3A_6] : memref<5888x384xi32, #tpu.memory_space<hbm>> -> memref<5888x384xi32, #tpu.memory_space<hbm>>
    tpu.enqueue_indirect_dma source(%arg8 : memref<64x384xi32, #tpu.memory_space<vmem>>) target(%dma_start3A_7 : memref<5888x384xi32, #tpu.memory_space<hbm>>) offsets(%arg7 : memref<64xi32, #tpu.memory_space<vmem>>) semaphore(%arg9 : memref<!tpu.dma_semaphore, #tpu.memory_space<semaphore_mem>>)
    %dma_wait3A = arith.constant 0 : i32
    %dma_wait3A_8 = arith.constant 0 : i32
    %dma_wait3A_9 = tpu.memref_slice %arg5[%dma_wait3A, %dma_wait3A_8] : memref<5888x384xi32, #tpu.memory_space<hbm>> -> memref<5888x384xi32, #tpu.memory_space<hbm>>
    tpu.wait_indirect_dma semaphore(%arg9 : memref<!tpu.dma_semaphore, #tpu.memory_space<semaphore_mem>>) src(%arg8 : memref<64x384xi32, #tpu.memory_space<vmem>>) dst(%dma_wait3A_9 : memref<5888x384xi32, #tpu.memory_space<hbm>>)
    %dma_wait3A_10 = arith.constant 0 : i32
    %dma_wait3A_11 = arith.constant 0 : i32
    %dma_wait3A_12 = tpu.memref_slice %arg5[%dma_wait3A_10, %dma_wait3A_11] : memref<5888x384xi32, #tpu.memory_space<hbm>> -> memref<5888x384xi32, #tpu.memory_space<hbm>>
    tpu.wait_indirect_dma semaphore(%arg9 : memref<!tpu.dma_semaphore, #tpu.memory_space<semaphore_mem>>) src(%arg8 : memref<64x384xi32, #tpu.memory_space<vmem>>) dst(%dma_wait3A_12 : memref<5888x384xi32, #tpu.memory_space<hbm>>)
    return
  }
}

module attributes {stable_mosaic.version = 14 : i64} {
  func.func @_gemm_body(%arg0: i32, %arg1: memref<24xi32, #tpu.memory_space<smem>>, %arg2: memref<256x384xi32, #tpu.memory_space<vmem>>, %arg3: memref<1x768x768xf32, #tpu.memory_space<vmem>>, %arg4: memref<1x768x384xf32, #tpu.memory_space<vmem>>, %arg5: memref<256x768xf32, #tpu.memory_space<vmem>>) attributes {dimension_semantics = [#tpu.dimension_semantics<arbitrary>], iteration_bounds = array<i64: 23>, scalar_prefetch = 1 : i64, scratch_operands = 0 : i64, tpu.core_type = #tpu.core_type<tc>, window_params = [{transform_indices = @transform_0, window_bounds = array<i64: 256, 384>}, {transform_indices = @transform_1, window_bounds = array<i64: 1, 768, 768>}, {transform_indices = @transform_2, window_bounds = array<i64: 1, 768, 384>}, {transform_indices = @transform_3, window_bounds = array<i64: 256, 768>}]} {
    %get3A = arith.constant 23 : index
    %get3A_0 = memref.load %arg1[%get3A] : memref<24xi32, #tpu.memory_space<smem>>
    %lt3A = arith.cmpi slt, %arg0, %get3A_0 : i32
    %convert_element_type3A = arith.extui %lt3A : i1 to i32
    %cond3A = arith.constant 0 : i32
    %cond3A_1 = arith.cmpi ne, %convert_element_type3A, %cond3A : i32
    scf.if %cond3A_1 {
      %get3A_2 = arith.constant 0 : index
      %get3A_3 = arith.constant 0 : index
      %get3A_4 = vector.load %arg2[%get3A_2, %get3A_3] : memref<256x384xi32, #tpu.memory_space<vmem>>, vector<256x384xi32>
      %shift_left3A = arith.constant 16 : i32
      %shift_left3A_5 = vector.broadcast %shift_left3A : i32 to vector<256x384xi32>
      %shift_left3A_6 = arith.shli %get3A_4, %shift_left3A_5 : vector<256x384xi32>
      %bitcast_convert_type3A = tpu.bitcast %shift_left3A_6 : vector<256x384xi32> -> vector<256x384xf32>
      %and3A = arith.constant -65536 : i32
      %and3A_7 = vector.broadcast %and3A : i32 to vector<256x384xi32>
      %and3A_8 = arith.andi %get3A_4, %and3A_7 : vector<256x384xi32>
      %bitcast_convert_type3A_9 = tpu.bitcast %and3A_8 : vector<256x384xi32> -> vector<256x384xf32>
      %concatenate3A = tpu.concatenate %bitcast_convert_type3A, %bitcast_convert_type3A_9 in 1 : vector<256x384xf32>, vector<256x384xf32> -> vector<256x768xf32>
      %convert_element_type3A_10 = arith.truncf %concatenate3A : vector<256x768xf32> to vector<256x768xbf16>
      %get3A_11 = arith.constant 0 : index
      %get3A_12 = arith.constant 0 : index
      %get3A_13 = arith.constant 0 : index
      %get3A_14 = vector.load %arg3[%get3A_11, %get3A_12, %get3A_13] : memref<1x768x768xf32, #tpu.memory_space<vmem>>, vector<1x768x768xf32>
      %get3A_15 = vector.shape_cast %get3A_14 : vector<1x768x768xf32> to vector<768x768xf32>
      %convert_element_type3A_16 = arith.truncf %get3A_15 : vector<768x768xf32> to vector<768x768xbf16>
      %dot_general3A = arith.constant dense<0.000000e+00> : vector<256x768xf32>
      %dot_general3A_17 = tpu.matmul %convert_element_type3A_10, %convert_element_type3A_16, %dot_general3A {dimension_numbers = #tpu.dot_dimension_numbers<[1], [1], [0], [0], [0, 0, 1, 0], [], []>, transpose_lhs_hint = false} : vector<256x768xbf16>, vector<768x768xbf16>, vector<256x768xf32> -> vector<256x768xf32>
      %slice3A = vector.extract_strided_slice %dot_general3A_17 {offsets = [0, 0], sizes = [256, 384], strides = [1, 1]} : vector<256x768xf32> to vector<256x384xf32>
      %slice3A_18 = vector.extract_strided_slice %dot_general3A_17 {offsets = [0, 384], sizes = [256, 384], strides = [1, 1]} : vector<256x768xf32> to vector<256x384xf32>
      %logistic3A = arith.negf %slice3A : vector<256x384xf32>
      %logistic3A_19 = math.exp %logistic3A : vector<256x384xf32>
      %logistic3A_20 = arith.constant 1.000000e+00 : f32
      %logistic3A_21 = vector.broadcast %logistic3A_20 : f32 to vector<256x384xf32>
      %logistic3A_22 = arith.addf %logistic3A_21, %logistic3A_19 : vector<256x384xf32>
      %logistic3A_23 = arith.divf %logistic3A_21, %logistic3A_22 : vector<256x384xf32>
      %mul3A = arith.mulf %slice3A, %logistic3A_23 : vector<256x384xf32>
      %mul3A_24 = arith.mulf %mul3A, %slice3A_18 : vector<256x384xf32>
      %convert_element_type3A_25 = arith.truncf %mul3A_24 : vector<256x384xf32> to vector<256x384xbf16>
      %get3A_26 = arith.constant 0 : index
      %get3A_27 = arith.constant 0 : index
      %get3A_28 = arith.constant 0 : index
      %get3A_29 = vector.load %arg4[%get3A_26, %get3A_27, %get3A_28] : memref<1x768x384xf32, #tpu.memory_space<vmem>>, vector<1x768x384xf32>
      %get3A_30 = vector.shape_cast %get3A_29 : vector<1x768x384xf32> to vector<768x384xf32>
      %convert_element_type3A_31 = arith.truncf %get3A_30 : vector<768x384xf32> to vector<768x384xbf16>
      %dot_general3A_32 = arith.constant dense<0.000000e+00> : vector<256x768xf32>
      %dot_general3A_33 = tpu.matmul %convert_element_type3A_25, %convert_element_type3A_31, %dot_general3A_32 {dimension_numbers = #tpu.dot_dimension_numbers<[1], [1], [0], [0], [0, 0, 1, 0], [], []>, transpose_lhs_hint = false} : vector<256x384xbf16>, vector<768x384xbf16>, vector<256x768xf32> -> vector<256x768xf32>
      %swap3A = arith.constant 0 : index
      %swap3A_34 = arith.constant 0 : index
      %swap3A_35 = vector.load %arg5[%swap3A, %swap3A_34] : memref<256x768xf32, #tpu.memory_space<vmem>>, vector<256x768xf32>
      tpu.vector_store %arg5[%swap3A, %swap3A_34], %dot_general3A_33 {strides = array<i32>} : memref<256x768xf32, #tpu.memory_space<vmem>>, vector<256x768xf32>,
    } else {
    }
    return
  }
  func.func @transform_0(%arg0: i32, %arg1: memref<24xi32, #tpu.memory_space<smem>>) -> (i32, i32) {
    %get3A = arith.constant 23 : index
    %get3A_0 = memref.load %arg1[%get3A] : memref<24xi32, #tpu.memory_space<smem>>
    %sub3A = arith.constant 1 : i32
    %sub3A_1 = arith.subi %get3A_0, %sub3A : i32
    %min3A = arith.minsi %arg0, %sub3A_1 : i32
    %c0_i32 = arith.constant 0 : i32
    %c0_i32_2 = arith.constant 0 : i32
    return %min3A, %c0_i32 : i32, i32
  }
  func.func @transform_1(%arg0: i32, %arg1: memref<24xi32, #tpu.memory_space<smem>>) -> (i32, i32, i32) {
    %get3A = arith.index_cast %arg0 : i32 to index
    %get3A_0 = memref.load %arg1[%get3A] : memref<24xi32, #tpu.memory_space<smem>>
    %c0_i32 = arith.constant 0 : i32
    %c0_i32_1 = arith.constant 0 : i32
    %c0_i32_2 = arith.constant 0 : i32
    return %get3A_0, %c0_i32, %c0_i32_1 : i32, i32, i32
  }
  func.func @transform_2(%arg0: i32, %arg1: memref<24xi32, #tpu.memory_space<smem>>) -> (i32, i32, i32) {
    %get3A = arith.index_cast %arg0 : i32 to index
    %get3A_0 = memref.load %arg1[%get3A] : memref<24xi32, #tpu.memory_space<smem>>
    %c0_i32 = arith.constant 0 : i32
    %c0_i32_1 = arith.constant 0 : i32
    %c0_i32_2 = arith.constant 0 : i32
    return %get3A_0, %c0_i32, %c0_i32_1 : i32, i32, i32
  }
  func.func @transform_3(%arg0: i32, %arg1: memref<24xi32, #tpu.memory_space<smem>>) -> (i32, i32) {
    %c0_i32 = arith.constant 0 : i32
    %c0_i32_0 = arith.constant 0 : i32
    return %arg0, %c0_i32 : i32, i32
  }
}

module attributes {stable_mosaic.version = 14 : i64} {
  func.func @_gate_route_body(%arg0: memref<2048x768xf32, #tpu.memory_space<vmem>>, %arg1: memref<8x768xf32, #tpu.memory_space<vmem>>, %arg2: memref<2048x384xi32, #tpu.memory_space<vmem>>, %arg3: memref<2048xi32, #tpu.memory_space<vmem>>, %arg4: memref<2048xi32, #tpu.memory_space<vmem>>, %arg5: memref<2048x16xf32, #tpu.memory_space<vmem>>, %arg6: memref<2048x16xf32, #tpu.memory_space<vmem>>, %arg7: memref<24xi32, #tpu.memory_space<vmem>>) attributes {dimension_semantics = [], scalar_prefetch = 0 : i64, scratch_operands = 0 : i64, tpu.core_type = #tpu.core_type<tc>} {
    %get3A = arith.constant 0 : index
    %get3A_0 = arith.constant 0 : index
    %get3A_1 = vector.load %arg0[%get3A, %get3A_0] : memref<2048x768xf32, #tpu.memory_space<vmem>>, vector<2048x768xf32>
    %slice3A = vector.extract_strided_slice %get3A_1 {offsets = [0, 0], sizes = [2048, 384], strides = [1, 1]} : vector<2048x768xf32> to vector<2048x384xf32>
    %slice3A_2 = vector.extract_strided_slice %get3A_1 {offsets = [0, 384], sizes = [2048, 384], strides = [1, 1]} : vector<2048x768xf32> to vector<2048x384xf32>
    %convert_element_type3A = arith.truncf %slice3A : vector<2048x384xf32> to vector<2048x384xbf16>
    %convert_element_type3A_3 = arith.extf %convert_element_type3A : vector<2048x384xbf16> to vector<2048x384xf32>
    %bitcast_convert_type3A = tpu.bitcast %convert_element_type3A_3 : vector<2048x384xf32> -> vector<2048x384xi32>
    %convert_element_type3A_4 = arith.truncf %slice3A_2 : vector<2048x384xf32> to vector<2048x384xbf16>
    %convert_element_type3A_5 = arith.extf %convert_element_type3A_4 : vector<2048x384xbf16> to vector<2048x384xf32>
    %bitcast_convert_type3A_6 = tpu.bitcast %convert_element_type3A_5 : vector<2048x384xf32> -> vector<2048x384xi32>
    %shift_right_logical3A = arith.constant 16 : i32
    %shift_right_logical3A_7 = vector.broadcast %shift_right_logical3A : i32 to vector<2048x384xi32>
    %shift_right_logical3A_8 = arith.shrui %bitcast_convert_type3A, %shift_right_logical3A_7 : vector<2048x384xi32>
    %and3A = arith.constant -65536 : i32
    %and3A_9 = vector.broadcast %and3A : i32 to vector<2048x384xi32>
    %and3A_10 = arith.andi %bitcast_convert_type3A_6, %and3A_9 : vector<2048x384xi32>
    %or3A = arith.ori %shift_right_logical3A_8, %and3A_10 : vector<2048x384xi32>
    %swap3A = arith.constant 0 : index
    %swap3A_11 = arith.constant 0 : index
    %swap3A_12 = vector.load %arg2[%swap3A, %swap3A_11] : memref<2048x384xi32, #tpu.memory_space<vmem>>, vector<2048x384xi32>
    tpu.vector_store %arg2[%swap3A, %swap3A_11], %or3A {strides = array<i32>} : memref<2048x384xi32, #tpu.memory_space<vmem>>, vector<2048x384xi32>,
    %get3A_13 = arith.constant 0 : index
    %get3A_14 = arith.constant 0 : index
    %get3A_15 = vector.load %arg1[%get3A_13, %get3A_14] : memref<8x768xf32, #tpu.memory_space<vmem>>, vector<8x768xf32>
    %dot_general3A = arith.constant dense<0.000000e+00> : vector<8x2048xf32>
    %dot_general3A_16 = tpu.matmul %get3A_15, %get3A_1, %dot_general3A {dimension_numbers = #tpu.dot_dimension_numbers<[1], [1], [0], [0], [0, 0, 1, 0], [], []>, transpose_lhs_hint = false} : vector<8x768xf32>, vector<2048x768xf32>, vector<8x2048xf32> -> vector<8x2048xf32>
    %iota3A = tpu.iota {dimensions = array<i32: 0>} : vector<8x2048xi32>
    %slice3A_17 = vector.extract_strided_slice %dot_general3A_16 {offsets = [0, 0], sizes = [4, 2048], strides = [1, 1]} : vector<8x2048xf32> to vector<4x2048xf32>
    %reduce_max3A = arith.constant dense<0xFF800000> : vector<2048xf32>
    %reduce_max3A_18 = vector.multi_reduction <maximumf>, %slice3A_17, %reduce_max3A [0] : vector<4x2048xf32> to vector<2048xf32>
    %broadcast_in_dim3A = vector.shape_cast %reduce_max3A_18 : vector<2048xf32> to vector<1x2048xf32>
    %slice3A_19 = vector.extract_strided_slice %dot_general3A_16 {offsets = [4, 0], sizes = [4, 2048], strides = [1, 1]} : vector<8x2048xf32> to vector<4x2048xf32>
    %reduce_max3A_20 = arith.constant dense<0xFF800000> : vector<2048xf32>
    %reduce_max3A_21 = vector.multi_reduction <maximumf>, %slice3A_19, %reduce_max3A_20 [0] : vector<4x2048xf32> to vector<2048xf32>
    %broadcast_in_dim3A_22 = vector.shape_cast %reduce_max3A_21 : vector<2048xf32> to vector<1x2048xf32>
    %ge3A = arith.constant 4 : i32
    %ge3A_23 = vector.broadcast %ge3A : i32 to vector<8x2048xi32>
    %ge3A_24 = arith.cmpi sge, %iota3A, %ge3A_23 : vector<8x2048xi32>
    %jit3A = arith.constant 1.000000e+00 : f32
    %jit3A_25 = arith.constant 0.000000e+00 : f32
    %broadcast_in_dim3A_26 = vector.broadcast %jit3A : f32 to vector<8x2048xf32>
    %broadcast_in_dim3A_27 = vector.broadcast %jit3A_25 : f32 to vector<8x2048xf32>
    %select_n3A = arith.select %ge3A_24, %broadcast_in_dim3A_26, %broadcast_in_dim3A_27 : vector<8x2048xi1>, vector<8x2048xf32>
    %gt3A = arith.cmpf ogt, %broadcast_in_dim3A_22, %broadcast_in_dim3A : vector<1x2048xf32>
    %jit3A_28 = arith.constant 1.000000e+00 : f32
    %jit3A_29 = arith.constant 0.000000e+00 : f32
    %broadcast_in_dim3A_30 = vector.broadcast %jit3A_28 : f32 to vector<1x2048xf32>
    %broadcast_in_dim3A_31 = vector.broadcast %jit3A_29 : f32 to vector<1x2048xf32>
    %select_n3A_32 = arith.select %gt3A, %broadcast_in_dim3A_30, %broadcast_in_dim3A_31 : vector<1x2048xi1>, vector<1x2048xf32>
    %mul3A = vector.broadcast %select_n3A_32 : vector<1x2048xf32> to vector<8x2048xf32>
    %mul3A_33 = arith.mulf %mul3A, %select_n3A : vector<8x2048xf32>
    %sub3A = arith.constant 1.000000e+00 : f32
    %sub3A_34 = vector.broadcast %sub3A : f32 to vector<1x2048xf32>
    %sub3A_35 = arith.subf %sub3A_34, %select_n3A_32 : vector<1x2048xf32>
    %sub3A_36 = arith.constant 1.000000e+00 : f32
    %sub3A_37 = vector.broadcast %sub3A_36 : f32 to vector<8x2048xf32>
    %sub3A_38 = arith.subf %sub3A_37, %select_n3A : vector<8x2048xf32>
    %mul3A_39 = vector.broadcast %sub3A_35 : vector<1x2048xf32> to vector<8x2048xf32>
    %mul3A_40 = arith.mulf %mul3A_39, %sub3A_38 : vector<8x2048xf32>
    %add3A = arith.addf %mul3A_33, %mul3A_40 : vector<8x2048xf32>
    %sub3A_41 = arith.constant 1.000000e+00 : f32
    %sub3A_42 = vector.broadcast %sub3A_41 : f32 to vector<8x2048xf32>
    %sub3A_43 = arith.subf %sub3A_42, %add3A : vector<8x2048xf32>
    %mul3A_44 = arith.constant 1.000000e+30 : f32
    %mul3A_45 = vector.broadcast %mul3A_44 : f32 to vector<8x2048xf32>
    %mul3A_46 = arith.mulf %sub3A_43, %mul3A_45 : vector<8x2048xf32>
    %sub3A_47 = arith.subf %dot_general3A_16, %mul3A_46 : vector<8x2048xf32>
    %reduce_max3A_48 = arith.constant dense<0xFF800000> : vector<2048xf32>
    %reduce_max3A_49 = vector.multi_reduction <maximumf>, %sub3A_47, %reduce_max3A_48 [0] : vector<8x2048xf32> to vector<2048xf32>
    %broadcast_in_dim3A_50 = vector.shape_cast %reduce_max3A_49 : vector<2048xf32> to vector<1x2048xf32>
    %eq3A = vector.broadcast %broadcast_in_dim3A_50 : vector<1x2048xf32> to vector<8x2048xf32>
    %eq3A_51 = arith.cmpf oeq, %sub3A_47, %eq3A : vector<8x2048xf32>
    %jit3A_52 = arith.constant 9 : i32
    %broadcast_in_dim3A_53 = vector.broadcast %jit3A_52 : i32 to vector<8x2048xi32>
    %select_n3A_54 = arith.select %eq3A_51, %iota3A, %broadcast_in_dim3A_53 : vector<8x2048xi1>, vector<8x2048xi32>
    %reduce_min3A = arith.constant dense<2147483647> : vector<2048xi32>
    %reduce_min3A_55 = vector.multi_reduction <minsi>, %select_n3A_54, %reduce_min3A [0] : vector<8x2048xi32> to vector<2048xi32>
    %broadcast_in_dim3A_56 = vector.shape_cast %reduce_min3A_55 : vector<2048xi32> to vector<1x2048xi32>
    %eq3A_57 = vector.broadcast %broadcast_in_dim3A_56 : vector<1x2048xi32> to vector<8x2048xi32>
    %eq3A_58 = arith.cmpi eq, %iota3A, %eq3A_57 : vector<8x2048xi32>
    %jit3A_59 = arith.constant -1.000000e+30 : f32
    %broadcast_in_dim3A_60 = vector.broadcast %jit3A_59 : f32 to vector<8x2048xf32>
    %select_n3A_61 = arith.select %eq3A_58, %broadcast_in_dim3A_60, %sub3A_47 : vector<8x2048xi1>, vector<8x2048xf32>
    %reduce_max3A_62 = arith.constant dense<0xFF800000> : vector<2048xf32>
    %reduce_max3A_63 = vector.multi_reduction <maximumf>, %select_n3A_61, %reduce_max3A_62 [0] : vector<8x2048xf32> to vector<2048xf32>
    %broadcast_in_dim3A_64 = vector.shape_cast %reduce_max3A_63 : vector<2048xf32> to vector<1x2048xf32>
    %eq3A_65 = vector.broadcast %broadcast_in_dim3A_64 : vector<1x2048xf32> to vector<8x2048xf32>
    %eq3A_66 = arith.cmpf oeq, %select_n3A_61, %eq3A_65 : vector<8x2048xf32>
    %jit3A_67 = arith.constant 9 : i32
    %broadcast_in_dim3A_68 = vector.broadcast %jit3A_67 : i32 to vector<8x2048xi32>
    %select_n3A_69 = arith.select %eq3A_66, %iota3A, %broadcast_in_dim3A_68 : vector<8x2048xi1>, vector<8x2048xi32>
    %reduce_min3A_70 = arith.constant dense<2147483647> : vector<2048xi32>
    %reduce_min3A_71 = vector.multi_reduction <minsi>, %select_n3A_69, %reduce_min3A_70 [0] : vector<8x2048xi32> to vector<2048xi32>
    %broadcast_in_dim3A_72 = vector.shape_cast %reduce_min3A_71 : vector<2048xi32> to vector<1x2048xi32>
    %sub3A_73 = arith.subf %broadcast_in_dim3A_50, %broadcast_in_dim3A_64 : vector<1x2048xf32>
    %logistic3A = arith.negf %sub3A_73 : vector<1x2048xf32>
    %logistic3A_74 = math.exp %logistic3A : vector<1x2048xf32>
    %logistic3A_75 = arith.constant 1.000000e+00 : f32
    %logistic3A_76 = vector.broadcast %logistic3A_75 : f32 to vector<1x2048xf32>
    %logistic3A_77 = arith.addf %logistic3A_76, %logistic3A_74 : vector<1x2048xf32>
    %logistic3A_78 = arith.divf %logistic3A_76, %logistic3A_77 : vector<1x2048xf32>
    %broadcast_in_dim3A_79 = vector.shape_cast %logistic3A_78 : vector<1x2048xf32> to vector<1x2048xf32>
    %broadcast_in_dim3A_80 = vector.broadcast %broadcast_in_dim3A_79 : vector<1x2048xf32> to vector<16x2048xf32>
    %transpose3A = tpu.transpose %broadcast_in_dim3A_80, [1, 0] : vector<16x2048xf32> -> vector<2048x16xf32>
    %swap3A_81 = arith.constant 0 : index
    %swap3A_82 = arith.constant 0 : index
    %swap3A_83 = vector.load %arg5[%swap3A_81, %swap3A_82] : memref<2048x16xf32, #tpu.memory_space<vmem>>, vector<2048x16xf32>
    tpu.vector_store %arg5[%swap3A_81, %swap3A_82], %transpose3A {strides = array<i32>} : memref<2048x16xf32, #tpu.memory_space<vmem>>, vector<2048x16xf32>,
    %sub3A_84 = arith.constant 1.000000e+00 : f32
    %sub3A_85 = vector.broadcast %sub3A_84 : f32 to vector<1x2048xf32>
    %sub3A_86 = arith.subf %sub3A_85, %logistic3A_78 : vector<1x2048xf32>
    %broadcast_in_dim3A_87 = vector.shape_cast %sub3A_86 : vector<1x2048xf32> to vector<1x2048xf32>
    %broadcast_in_dim3A_88 = vector.broadcast %broadcast_in_dim3A_87 : vector<1x2048xf32> to vector<16x2048xf32>
    %transpose3A_89 = tpu.transpose %broadcast_in_dim3A_88, [1, 0] : vector<16x2048xf32> -> vector<2048x16xf32>
    %swap3A_90 = arith.constant 0 : index
    %swap3A_91 = arith.constant 0 : index
    %swap3A_92 = vector.load %arg6[%swap3A_90, %swap3A_91] : memref<2048x16xf32, #tpu.memory_space<vmem>>, vector<2048x16xf32>
    tpu.vector_store %arg6[%swap3A_90, %swap3A_91], %transpose3A_89 {strides = array<i32>} : memref<2048x16xf32, #tpu.memory_space<vmem>>, vector<2048x16xf32>,
    %eq3A_93 = vector.broadcast %broadcast_in_dim3A_56 : vector<1x2048xi32> to vector<8x2048xi32>
    %eq3A_94 = arith.cmpi eq, %iota3A, %eq3A_93 : vector<8x2048xi32>
    %eq3A_95 = vector.broadcast %broadcast_in_dim3A_72 : vector<1x2048xi32> to vector<8x2048xi32>
    %eq3A_96 = arith.cmpi eq, %iota3A, %eq3A_95 : vector<8x2048xi32>
    %or3A_97 = arith.ori %eq3A_94, %eq3A_96 : vector<8x2048xi1>
    %jit3A_98 = arith.constant 1.000000e+00 : f32
    %jit3A_99 = arith.constant 0.000000e+00 : f32
    %broadcast_in_dim3A_100 = vector.broadcast %jit3A_98 : f32 to vector<8x2048xf32>
    %broadcast_in_dim3A_101 = vector.broadcast %jit3A_99 : f32 to vector<8x2048xf32>
    %select_n3A_102 = arith.select %or3A_97, %broadcast_in_dim3A_100, %broadcast_in_dim3A_101 : vector<8x2048xi1>, vector<8x2048xf32>
    %broadcast_in_dim3A_103 = arith.constant 0.000000e+00 : f32
    %broadcast_in_dim3A_104 = vector.broadcast %broadcast_in_dim3A_103 : f32 to vector<8x1xf32>
    %slice3A_105 = vector.extract_strided_slice %select_n3A_102 {offsets = [0, 0], sizes = [8, 2047], strides = [1, 1]} : vector<8x2048xf32> to vector<8x2047xf32>
    %concatenate3A = tpu.concatenate %broadcast_in_dim3A_104, %slice3A_105 in 1 : vector<8x1xf32>, vector<8x2047xf32> -> vector<8x2048xf32>
    %add3A_106 = arith.addf %select_n3A_102, %concatenate3A : vector<8x2048xf32>
    %broadcast_in_dim3A_107 = arith.constant 0.000000e+00 : f32
    %broadcast_in_dim3A_108 = vector.broadcast %broadcast_in_dim3A_107 : f32 to vector<8x2xf32>
    %slice3A_109 = vector.extract_strided_slice %add3A_106 {offsets = [0, 0], sizes = [8, 2046], strides = [1, 1]} : vector<8x2048xf32> to vector<8x2046xf32>
    %concatenate3A_110 = tpu.concatenate %broadcast_in_dim3A_108, %slice3A_109 in 1 : vector<8x2xf32>, vector<8x2046xf32> -> vector<8x2048xf32>
    %add3A_111 = arith.addf %add3A_106, %concatenate3A_110 : vector<8x2048xf32>
    %broadcast_in_dim3A_112 = arith.constant 0.000000e+00 : f32
    %broadcast_in_dim3A_113 = vector.broadcast %broadcast_in_dim3A_112 : f32 to vector<8x4xf32>
    %slice3A_114 = vector.extract_strided_slice %add3A_111 {offsets = [0, 0], sizes = [8, 2044], strides = [1, 1]} : vector<8x2048xf32> to vector<8x2044xf32>
    %concatenate3A_115 = tpu.concatenate %broadcast_in_dim3A_113, %slice3A_114 in 1 : vector<8x4xf32>, vector<8x2044xf32> -> vector<8x2048xf32>
    %add3A_116 = arith.addf %add3A_111, %concatenate3A_115 : vector<8x2048xf32>
    %broadcast_in_dim3A_117 = arith.constant 0.000000e+00 : f32
    %broadcast_in_dim3A_118 = vector.broadcast %broadcast_in_dim3A_117 : f32 to vector<8x8xf32>
    %slice3A_119 = vector.extract_strided_slice %add3A_116 {offsets = [0, 0], sizes = [8, 2040], strides = [1, 1]} : vector<8x2048xf32> to vector<8x2040xf32>
    %concatenate3A_120 = tpu.concatenate %broadcast_in_dim3A_118, %slice3A_119 in 1 : vector<8x8xf32>, vector<8x2040xf32> -> vector<8x2048xf32>
    %add3A_121 = arith.addf %add3A_116, %concatenate3A_120 : vector<8x2048xf32>
    %broadcast_in_dim3A_122 = arith.constant 0.000000e+00 : f32
    %broadcast_in_dim3A_123 = vector.broadcast %broadcast_in_dim3A_122 : f32 to vector<8x16xf32>
    %slice3A_124 = vector.extract_strided_slice %add3A_121 {offsets = [0, 0], sizes = [8, 2032], strides = [1, 1]} : vector<8x2048xf32> to vector<8x2032xf32>
    %concatenate3A_125 = tpu.concatenate %broadcast_in_dim3A_123, %slice3A_124 in 1 : vector<8x16xf32>, vector<8x2032xf32> -> vector<8x2048xf32>
    %add3A_126 = arith.addf %add3A_121, %concatenate3A_125 : vector<8x2048xf32>
    %broadcast_in_dim3A_127 = arith.constant 0.000000e+00 : f32
    %broadcast_in_dim3A_128 = vector.broadcast %broadcast_in_dim3A_127 : f32 to vector<8x32xf32>
    %slice3A_129 = vector.extract_strided_slice %add3A_126 {offsets = [0, 0], sizes = [8, 2016], strides = [1, 1]} : vector<8x2048xf32> to vector<8x2016xf32>
    %concatenate3A_130 = tpu.concatenate %broadcast_in_dim3A_128, %slice3A_129 in 1 : vector<8x32xf32>, vector<8x2016xf32> -> vector<8x2048xf32>
    %add3A_131 = arith.addf %add3A_126, %concatenate3A_130 : vector<8x2048xf32>
    %broadcast_in_dim3A_132 = arith.constant 0.000000e+00 : f32
    %broadcast_in_dim3A_133 = vector.broadcast %broadcast_in_dim3A_132 : f32 to vector<8x64xf32>
    %slice3A_134 = vector.extract_strided_slice %add3A_131 {offsets = [0, 0], sizes = [8, 1984], strides = [1, 1]} : vector<8x2048xf32> to vector<8x1984xf32>
    %concatenate3A_135 = tpu.concatenate %broadcast_in_dim3A_133, %slice3A_134 in 1 : vector<8x64xf32>, vector<8x1984xf32> -> vector<8x2048xf32>
    %add3A_136 = arith.addf %add3A_131, %concatenate3A_135 : vector<8x2048xf32>
    %broadcast_in_dim3A_137 = arith.constant 0.000000e+00 : f32
    %broadcast_in_dim3A_138 = vector.broadcast %broadcast_in_dim3A_137 : f32 to vector<8x128xf32>
    %slice3A_139 = vector.extract_strided_slice %add3A_136 {offsets = [0, 0], sizes = [8, 1920], strides = [1, 1]} : vector<8x2048xf32> to vector<8x1920xf32>
    %concatenate3A_140 = tpu.concatenate %broadcast_in_dim3A_138, %slice3A_139 in 1 : vector<8x128xf32>, vector<8x1920xf32> -> vector<8x2048xf32>
    %add3A_141 = arith.addf %add3A_136, %concatenate3A_140 : vector<8x2048xf32>
    %broadcast_in_dim3A_142 = arith.constant 0.000000e+00 : f32
    %broadcast_in_dim3A_143 = vector.broadcast %broadcast_in_dim3A_142 : f32 to vector<8x256xf32>
    %slice3A_144 = vector.extract_strided_slice %add3A_141 {offsets = [0, 0], sizes = [8, 1792], strides = [1, 1]} : vector<8x2048xf32> to vector<8x1792xf32>
    %concatenate3A_145 = tpu.concatenate %broadcast_in_dim3A_143, %slice3A_144 in 1 : vector<8x256xf32>, vector<8x1792xf32> -> vector<8x2048xf32>
    %add3A_146 = arith.addf %add3A_141, %concatenate3A_145 : vector<8x2048xf32>
    %broadcast_in_dim3A_147 = arith.constant 0.000000e+00 : f32
    %broadcast_in_dim3A_148 = vector.broadcast %broadcast_in_dim3A_147 : f32 to vector<8x512xf32>
    %slice3A_149 = vector.extract_strided_slice %add3A_146 {offsets = [0, 0], sizes = [8, 1536], strides = [1, 1]} : vector<8x2048xf32> to vector<8x1536xf32>
    %concatenate3A_150 = tpu.concatenate %broadcast_in_dim3A_148, %slice3A_149 in 1 : vector<8x512xf32>, vector<8x1536xf32> -> vector<8x2048xf32>
    %add3A_151 = arith.addf %add3A_146, %concatenate3A_150 : vector<8x2048xf32>
    %broadcast_in_dim3A_152 = arith.constant 0.000000e+00 : f32
    %broadcast_in_dim3A_153 = vector.broadcast %broadcast_in_dim3A_152 : f32 to vector<8x1024xf32>
    %slice3A_154 = vector.extract_strided_slice %add3A_151 {offsets = [0, 0], sizes = [8, 1024], strides = [1, 1]} : vector<8x2048xf32> to vector<8x1024xf32>
    %concatenate3A_155 = tpu.concatenate %broadcast_in_dim3A_153, %slice3A_154 in 1 : vector<8x1024xf32>, vector<8x1024xf32> -> vector<8x2048xf32>
    %add3A_156 = arith.addf %add3A_151, %concatenate3A_155 : vector<8x2048xf32>
    %sub3A_157 = arith.subf %add3A_156, %select_n3A_102 : vector<8x2048xf32>
    %slice3A_158 = vector.extract_strided_slice %add3A_156 {offsets = [0, 2047], sizes = [8, 1], strides = [1, 1]} : vector<8x2048xf32> to vector<8x1xf32>
    %add3A_159 = arith.constant 2.550000e+02 : f32
    %add3A_160 = vector.broadcast %add3A_159 : f32 to vector<8x1xf32>
    %add3A_161 = arith.addf %slice3A_158, %add3A_160 : vector<8x1xf32>
    %mul3A_162 = arith.constant 3.906250e-03 : f32
    %mul3A_163 = vector.broadcast %mul3A_162 : f32 to vector<8x1xf32>
    %mul3A_164 = arith.mulf %add3A_161, %mul3A_163 : vector<8x1xf32>
    %floor3A = math.floor %mul3A_164 : vector<8x1xf32>
    %broadcast_in_dim3A_165 = arith.constant 0.000000e+00 : f32
    %broadcast_in_dim3A_166 = vector.broadcast %broadcast_in_dim3A_165 : f32 to vector<1x1xf32>
    %slice3A_167 = vector.extract_strided_slice %floor3A {offsets = [0, 0], sizes = [7, 1], strides = [1, 1]} : vector<8x1xf32> to vector<7x1xf32>
    %concatenate3A_168 = tpu.concatenate %broadcast_in_dim3A_166, %slice3A_167 in 0 : vector<1x1xf32>, vector<7x1xf32> -> vector<8x1xf32>
    %add3A_169 = arith.addf %floor3A, %concatenate3A_168 : vector<8x1xf32>
    %broadcast_in_dim3A_170 = arith.constant 0.000000e+00 : f32
    %broadcast_in_dim3A_171 = vector.broadcast %broadcast_in_dim3A_170 : f32 to vector<2x1xf32>
    %slice3A_172 = vector.extract_strided_slice %add3A_169 {offsets = [0, 0], sizes = [6, 1], strides = [1, 1]} : vector<8x1xf32> to vector<6x1xf32>
    %concatenate3A_173 = tpu.concatenate %broadcast_in_dim3A_171, %slice3A_172 in 0 : vector<2x1xf32>, vector<6x1xf32> -> vector<8x1xf32>
    %add3A_174 = arith.addf %add3A_169, %concatenate3A_173 : vector<8x1xf32>
    %broadcast_in_dim3A_175 = arith.constant 0.000000e+00 : f32
    %broadcast_in_dim3A_176 = vector.broadcast %broadcast_in_dim3A_175 : f32 to vector<4x1xf32>
    %slice3A_177 = vector.extract_strided_slice %add3A_174 {offsets = [0, 0], sizes = [4, 1], strides = [1, 1]} : vector<8x1xf32> to vector<4x1xf32>
    %concatenate3A_178 = tpu.concatenate %broadcast_in_dim3A_176, %slice3A_177 in 0 : vector<4x1xf32>, vector<4x1xf32> -> vector<8x1xf32>
    %add3A_179 = arith.addf %add3A_174, %concatenate3A_178 : vector<8x1xf32>
    %sub3A_180 = arith.subf %add3A_179, %floor3A : vector<8x1xf32>
    %mul3A_181 = arith.constant 2.560000e+02 : f32
    %mul3A_182 = vector.broadcast %mul3A_181 : f32 to vector<8x1xf32>
    %mul3A_183 = arith.mulf %sub3A_180, %mul3A_182 : vector<8x1xf32>
    %add3A_184 = vector.broadcast %mul3A_183 : vector<8x1xf32> to vector<8x2048xf32>
    %add3A_185 = arith.addf %sub3A_157, %add3A_184 : vector<8x2048xf32>
    %jit3A_186 = arith.constant 0.000000e+00 : f32
    %broadcast_in_dim3A_187 = vector.broadcast %jit3A_186 : f32 to vector<8x2048xf32>
    %select_n3A_188 = arith.select %eq3A_94, %add3A_185, %broadcast_in_dim3A_187 : vector<8x2048xi1>, vector<8x2048xf32>
    %reduce_sum3A = arith.constant dense<0.000000e+00> : vector<2048xf32>
    %reduce_sum3A_189 = vector.multi_reduction <add>, %select_n3A_188, %reduce_sum3A [0] : vector<8x2048xf32> to vector<2048xf32>
    %convert_element_type3A_190 = arith.fptosi %reduce_sum3A_189 : vector<2048xf32> to vector<2048xi32>
    %swap3A_191 = arith.constant 0 : index
    %swap3A_192 = vector.load %arg3[%swap3A_191] : memref<2048xi32, #tpu.memory_space<vmem>>, vector<2048xi32>
    tpu.vector_store %arg3[%swap3A_191], %convert_element_type3A_190 {strides = array<i32>} : memref<2048xi32, #tpu.memory_space<vmem>>, vector<2048xi32>,
    %jit3A_193 = arith.constant 0.000000e+00 : f32
    %broadcast_in_dim3A_194 = vector.broadcast %jit3A_193 : f32 to vector<8x2048xf32>
    %select_n3A_195 = arith.select %eq3A_96, %add3A_185, %broadcast_in_dim3A_194 : vector<8x2048xi1>, vector<8x2048xf32>
    %reduce_sum3A_196 = arith.constant dense<0.000000e+00> : vector<2048xf32>
    %reduce_sum3A_197 = vector.multi_reduction <add>, %select_n3A_195, %reduce_sum3A_196 [0] : vector<8x2048xf32> to vector<2048xf32>
    %convert_element_type3A_198 = arith.fptosi %reduce_sum3A_197 : vector<2048xf32> to vector<2048xi32>
    %swap3A_199 = arith.constant 0 : index
    %swap3A_200 = vector.load %arg4[%swap3A_199] : memref<2048xi32, #tpu.memory_space<vmem>>, vector<2048xi32>
    tpu.vector_store %arg4[%swap3A_199], %convert_element_type3A_198 {strides = array<i32>} : memref<2048xi32, #tpu.memory_space<vmem>>, vector<2048xi32>,
    %reduce_sum3A_201 = arith.constant dense<0.000000e+00> : vector<1xf32>
    %reduce_sum3A_202 = vector.multi_reduction <add>, %floor3A, %reduce_sum3A_201 [0] : vector<8x1xf32> to vector<1xf32>
    %broadcast_in_dim3A_203 = vector.shape_cast %reduce_sum3A_202 : vector<1xf32> to vector<1x1xf32>
    %iota3A_204 = tpu.iota {dimensions = array<i32: 1>} : vector<8x23xi32>
    %convert_element_type3A_205 = arith.sitofp %iota3A_204 : vector<8x23xi32> to vector<8x23xf32>
    %sub3A_206 = arith.constant 1.000000e+00 : f32
    %sub3A_207 = vector.broadcast %sub3A_206 : f32 to vector<1x1xf32>
    %sub3A_208 = arith.subf %broadcast_in_dim3A_203, %sub3A_207 : vector<1x1xf32>
    %min3A = vector.broadcast %sub3A_208 : vector<1x1xf32> to vector<8x23xf32>
    %min3A_209 = arith.minimumf %convert_element_type3A_205, %min3A : vector<8x23xf32>
    %ge3A_210 = vector.broadcast %sub3A_180 : vector<8x1xf32> to vector<8x23xf32>
    %ge3A_211 = arith.cmpf oge, %min3A_209, %ge3A_210 : vector<8x23xf32>
    %jit3A_212 = arith.constant 1 : i32
    %jit3A_213 = arith.constant 0 : i32
    %broadcast_in_dim3A_214 = vector.broadcast %jit3A_212 : i32 to vector<8x23xi32>
    %broadcast_in_dim3A_215 = vector.broadcast %jit3A_213 : i32 to vector<8x23xi32>
    %select_n3A_216 = arith.select %ge3A_211, %broadcast_in_dim3A_214, %broadcast_in_dim3A_215 : vector<8x23xi1>, vector<8x23xi32>
    %reduce_sum3A_217 = arith.constant dense<0> : vector<23xi32>
    %reduce_sum3A_218 = vector.multi_reduction <add>, %select_n3A_216, %reduce_sum3A_217 [0] : vector<8x23xi32> to vector<23xi32>
    %sub3A_219 = arith.constant 1 : i32
    %sub3A_220 = vector.broadcast %sub3A_219 : i32 to vector<23xi32>
    %sub3A_221 = arith.subi %reduce_sum3A_218, %sub3A_220 : vector<23xi32>
    %reduce_sum3A_222 = arith.constant dense<0.000000e+00> : vector<1xf32>
    %reduce_sum3A_223 = vector.multi_reduction <add>, %floor3A, %reduce_sum3A_222 [0] : vector<8x1xf32> to vector<1xf32>
    %convert_element_type3A_224 = arith.fptosi %reduce_sum3A_223 : vector<1xf32> to vector<1xi32>
    %concatenate3A_225 = tpu.concatenate %sub3A_221, %convert_element_type3A_224 in 0 : vector<23xi32>, vector<1xi32> -> vector<24xi32>
    %swap3A_226 = arith.constant 0 : index
    %swap3A_227 = vector.load %arg7[%swap3A_226] : memref<24xi32, #tpu.memory_space<vmem>>, vector<24xi32>
    tpu.vector_store %arg7[%swap3A_226], %concatenate3A_225 {strides = array<i32>} : memref<24xi32, #tpu.memory_space<vmem>>, vector<24xi32>,
    return
  }
}

</mosaic_0001>

<sc_bundles>
// kernel: kernel.6.cloned.1.call-start
scs
__scs_entry_jumppad:
0x0: {  	(pc) =	sbr.rel $0x88, $3  }
0x1: {  	(tag) =	ssettag $0x0;
	lr =	simm.s32 $0x1  }
0x2: {  	[smem:$0x3F9D] =	sst lr;
	_ =	strace $0xD0000000  }
0x3: {  	_ = 	snop  }
0x4: {  	_ = 	snop  }
0x5: {  	_ = 	snop  }
0x6: {  	_ = 	snop  }
0x7: {  	_ = 	snop  }
__scs_overlays_trampoline_lowered:
0x8: {  	[smem:$0x3FAC] =	sst s0  }
0x9: {  	[smem:$0x3FAD] =	sst s1  }
0xa: {  	[smem:$0x3FAE] =	sst s2  }
0xb: {  	[smem:$0x3FAF] =	sst s3  }
0xc: {  	[smem:$0x3FB0] =	sst s4  }
0xd: {  	[smem:$0x3FB1] =	sst s5  }
0xe: {  	[smem:$0x3FB2] =	sst s6  }
0xf: {  	[smem:$0x3FB3] =	sst s7  }
0x10: {  	[smem:$0x3FB4] =	sst s8  }
0x11: {  	[smem:$0x3FB5] =	sst s9;
	s0 =	simm.s32 @!p0 $0x0  }
0x12: {  	s1 =	sld [smem:$0x3F9B];
	s0 =	simm.s32 @p0 $0x1  }
0x13: {  	[smem:$0x3FB6] =	sst s0;
	s0 =	simm.s32 @!p1 $0x0  }
0x14: {  	s2 =	sld [smem:$0x3F9A];
	s0 =	simm.s32 @p1 $0x1  }
0x15: {  	[smem:$0x3FB7] =	sst s0;
	s0 =	simm.s32 @!p2 $0x0  }
0x16: {  	s3 =	sld [smem:$0x3FDB];
	s0 =	simm.s32 @p2 $0x1  }
0x17: {  	s4 =	simm.s32 $0x1BF5;
	[smem:$0x3FB9] =	sst s0  }
0x18: {  	s0 =	sld [smem:$0x3F9C];
	_ =	swait.ge [sflag:s4], $0x0  }
0x19: {  	s7 =	sld [smem:$0x3F9D]  }
0x1a: {  	s8 =	sadd.s32 $0xFFFFE003, lr  }
0x1b: {  	s9 =	sadd.s32 $0xFFFFFEF7, lr;
	s5 =	simm.s32 $0xFFFFFFFF;
	p2 =	slt.u32 s8, $0xFFFFF086  }
0x1c: {  	p1 =	slt.u32 s9, $0xF7A;
	s5 =	simm.s32 @!p2 $0x0  }
0x1d: {  	s5 =	simm.s32 @p1 $0x1;
	p0 =	seq.s32 s7, s2  }
0x1e: {  	s7 =	smul.u32 @!p0 $0xF7A, s2;
	p2 =	seq.s32 @!p0 s5, $0x0  }
0x1f: {  	s9 =	smul.u32 $0xF7A, s1;
	s8 =	simm.s32 @!p0 $0x1BF5;
	p2 =	por !p2, p0  }
0x20: {  	[sflag:s8] =	ssyncset.s32 @!p0 $0xFFFFF086;
	s6 =	sadd.s32 @!p0 s3, s7;
	s7 =	simm.s32 @!p0 $0x108  }
0x21: {  	s3 =	sadd.s32 s3, s9;
	s6 =	sadd.s32 @!p0 $0x88, s6;
	s7 =	simm.s32 @p2 $0x1082  }
0x22: {  	[simem:s7], [sflag:s8] =	dma.local @!p0 [hbm:s6], $0xF7A  }
0x23: {  	s9 =	sor.u32 $0xD0000000, s2;
	s6 =	simm.s32 $0x108;
	_ =	swait.ge @!p0 [sflag:s8], $0x0  }
0x24: {  	s3 =	sadd.s32 $0x88, s3;
	s6 =	simm.s32 @!p1 $0x1082;
	[sflag:s4] =	ssyncset.s32 $0xFFFFF086  }
0x25: {  	[simem:s6], [sflag:s4] =	dma.local [hbm:s3], $0xF7A  }
0x26: {  	[smem:$0x3F9D] =	sst s1;
	(tag) =	ssettag s2;
	_ =	strace s9  }
0x27: {  	s1 =	sld [smem:$0x3FAD]  }
0x28: {  	s2 =	sld [smem:$0x3FAE]  }
0x29: {  	s4 =	sld [smem:$0x3FB0]  }
0x2a: {  	p0 =	seq.s32 s5, $0x0;
	s5 =	sld [smem:$0x3FB1]  }
0x2b: {  	s6 =	sld [smem:$0x3FB2]  }
0x2c: {  	s7 =	sld [smem:$0x3FB3]  }
0x2d: {  	s3 =	simm.s32 $0x108;
	s8 =	sld [smem:$0x3FB4]  }
0x2e: {  	s3 =	simm.s32 @!p0 $0x1082;
	s9 =	sld [smem:$0x3FB5]  }
0x2f: {  	lr =	sadd.s32 s0, s3;
	s0 =	sld [smem:$0x3FAC]  }
0x30: {  	s3 =	sld [smem:$0x3FAF]  }
0x31: {  	[smem:$0x3FB8] =	sst s10  }
0x32: {  	s10 =	sld [smem:$0x3FB6];
	_ =	sdelay $0x3  }
0x33: {  	p0 =	seq.s32 s10, $0x1;
	s10 =	sld [smem:$0x3FB8];
	_ =	sdelay $0x3  }
0x34: {  	[smem:$0x3FB8] =	sst s10  }
0x35: {  	s10 =	sld [smem:$0x3FB7];
	_ =	sdelay $0x3  }
0x36: {  	p1 =	seq.s32 s10, $0x1;
	s10 =	sld [smem:$0x3FB8];
	_ =	sdelay $0x3  }
0x37: {  	[smem:$0x3FB8] =	sst s10  }
0x38: {  	s10 =	sld [smem:$0x3FB9]  }
0x39: {  	_ = 	snop;
	(pc) =	sbr.ind lr, $3  }
0x3a: {  	_ = 	snop  }
0x3b: {  	_ = 	snop  }
0x3c: {  	p2 =	seq.s32 s10, $0x1;
	s10 =	sld [smem:$0x3FB8]  }
0x3d: {  	_ =	shalt  }
0x3e: {  	_ =	shalt  }
0x3f: {  	_ =	shalt  }
0x40: {  	_ =	shalt  }
0x41: {  	_ =	shalt  }
0x42: {  	_ =	shalt  }
0x43: {  	_ =	shalt  }
0x44: {  	_ =	shalt  }
0x45: {  	_ =	shalt  }
0x46: {  	_ =	shalt  }
0x47: {  	_ =	shalt  }
0x48: {  	_ =	shalt  }
0x49: {  	_ =	shalt  }
0x4a: {  	_ =	shalt  }
0x4b: {  	_ =	shalt  }
0x4c: {  	_ =	shalt  }
0x4d: {  	_ =	shalt  }
0x4e: {  	_ =	shalt  }
0x4f: {  	_ =	shalt  }
0x50: {  	_ =	shalt  }
0x51: {  	_ =	shalt  }
0x52: {  	_ =	shalt  }
0x53: {  	_ =	shalt  }
0x54: {  	_ =	shalt  }
0x55: {  	_ =	shalt  }
0x56: {  	_ =	shalt  }
0x57: {  	_ =	shalt  }
0x58: {  	_ =	shalt  }
0x59: {  	_ =	shalt  }
0x5a: {  	_ =	shalt  }
0x5b: {  	_ =	shalt  }
0x5c: {  	_ =	shalt  }
0x5d: {  	_ =	shalt  }
0x5e: {  	_ =	shalt  }
0x5f: {  	_ =	shalt  }
0x60: {  	_ =	shalt  }
0x61: {  	_ =	shalt  }
0x62: {  	_ =	shalt  }
0x63: {  	_ =	shalt  }
0x64: {  	_ =	shalt  }
0x65: {  	_ =	shalt  }
0x66: {  	_ =	shalt  }
0x67: {  	_ =	shalt  }
0x68: {  	_ =	shalt  }
0x69: {  	_ =	shalt  }
0x6a: {  	_ =	shalt  }
0x6b: {  	_ =	shalt  }
0x6c: {  	_ =	shalt  }
0x6d: {  	_ =	shalt  }
0x6e: {  	_ =	shalt  }
0x6f: {  	_ =	shalt  }
0x70: {  	_ =	shalt  }
0x71: {  	_ =	shalt  }
0x72: {  	_ =	shalt  }
0x73: {  	_ =	shalt  }
0x74: {  	_ =	shalt  }
0x75: {  	_ =	shalt  }
0x76: {  	_ =	shalt  }
0x77: {  	_ =	shalt  }
0x78: {  	_ =	shalt  }
0x79: {  	_ =	shalt  }
0x7a: {  	_ =	shalt  }
0x7b: {  	_ =	shalt  }
0x7c: {  	_ =	shalt  }
0x7d: {  	_ =	shalt  }
0x7e: {  	_ =	shalt  }
0x7f: {  	_ =	shalt  }
0x80: {  	_ =	shalt  }
0x81: {  	_ =	shalt  }
0x82: {  	_ =	shalt  }
0x83: {  	_ =	shalt  }
0x84: {  	_ =	shalt  }
0x85: {  	_ =	shalt  }
0x86: {  	_ =	shalt  }
0x87: {  	_ =	shalt  }
.Lfunc_end0:
.L_simem_size_0:
called_computation_lowered:
.L_overlay_start_0:
0x88: {  	s2 =	sld [smem:$0x3FD9]  }
0x89: {  	s3 =	sld [smem:$0x3FFE];
	_ =	sdelay $0x1  }
0x8a: {  	s1 =	srdreg.scid  }
0x8b: {  	s0 =	sand.u32 $0x1, s1  }
0x8c: {  	s17 =	sshll.u32 s0, $0xA;
	s2 =	sadd.s32 s3, s2  }
0x8d: {  	s2 =	sadd.s32 s2, s17  }
0x8e: {  	[smem:$0x3FC4] =	sst s2  }
0x8f: {  	_ = 	snop  }
0x90: {  	s2 =	sld [smem:$0x3FD0];
	(tm) =	ssettm $0x1  }
0x91: {  	s18 =	sld [smem:$0x3FFB];
	_ =	sdelay $0x3  }
0x92: {  	_ =	strace s18  }
0x93: {  	s3 =	sld [smem:$0x3FFC];
	_ =	sdelay $0x3  }
0x94: {  	_ =	strace s3  }
0x95: {  	s3 =	sld [smem:$0x3FFD];
	_ =	sdelay $0x3  }
0x96: {  	_ =	strace s3  }
0x97: {  	_ =	strace $0x8FFFFFFF  }
0x98: {  	s19 =	sld [smem:$0x3FDB];
	_ =	sdelay $0x1  }
0x99: {  	s4 =	simm.s32 $_scs_section_size  }
0x9a: {  	s5 =	simm.s32 $_size__tile_overlayer_lowered;
	s6 =	simm.s32 $_tile_overlayer_lowered  }
0x9b: {  	s22 =	simm.s32 $0x1BFF;
	s21 =	sshll.u32 s6, $0x1;
	s3 =	sadd.s32 s4, s19  }
0x9c: {  	s7 =	simm.s32 $0x0;
	s20 =	sshll.u32 s5, $0x1;
	s5 =	sadd.s32 s21, s3  }
0x9d: {  	[timem:s7], [sflag:s22] =	dma.local [hbm:s5], s20  }
0x9e: {  	_ =	swait.ge [sflag:s22], s20  }
0x9f: {  	s4 =	ssub.s32 $0x0, s20;
	[sflag:s22] =	ssyncset.done $0x0  }
0xa0: {  	[sflag:s22] =	ssyncadd.s32 s4;
	_ =	sdelay $0x1  }
0xa1: {  	s23 =	simm.s32 $0x1B8B  }
0xa2: {  	_ =	swait.ge [sflag:s23], $0x1  }
0xa3: {  	[sflag:s23] =	ssyncset.done $0x0  }
0xa4: {  	s25 =	simm.s32 $0x1B8E;
	s24 =	sld [smem:$0x3FFE];
	[sflag:s23] =	ssyncadd.s32 $0xFFFFFFFF  }
0xa5: {  	s26 =	simm.s32 $execute0_lowered;
	[smem:$0x3FD2] =	sst s25  }
0xa6: {  	s5 =	sshll.u32 s26, $0x1;
	_ =	strace $0x80000046;
	[dreg:$0x1] =	wrdreg $0xFFFFFFFF  }
0xa7: {  	s28 =	simm.s32 $_size_execute0_lowered;
	s3 =	sadd.s32 s3, s5;
	[dreg:$0x0] =	wrdreg $0x0  }
0xa8: {  	s5 =	sshll.u32 s28, $0x1;
	[dreg:$0x2] =	wrdreg s3  }
0xa9: {  	[dreg:$0x3] =	wrdreg s5  }
0xaa: {  	[dreg:$0x4] =	wrdreg $0xC0  }
0xab: {  	_ =	task [dreg:s7], $0x5FFFF  }
0xac: {  	[dreg:$0x1] =	wrdreg $0xFFFFFFFF  }
0xad: {  	[dreg:$0x0] =	wrdreg $0x60  }
0xae: {  	[dreg:$0x2] =	wrdreg s2  }
0xaf: {  	[dreg:$0x3] =	wrdreg s24  }
0xb0: {  	[dreg:$0x4] =	wrdreg $0x9  }
0xb1: {  	_ =	task.clear_ibuf [dreg:s7], $0x5FFFF;
	_ =	strace $0x90000046  }
0xb2: {  	s29 =	simm.s32 $0x9;
	_ =	strace $0x80000048  }
0xb3: {  	_ =	swait.ge [sflag:s29], $0x1  }
0xb4: {  	[sflag:s29] =	ssyncadd.s32 $0xFFFFFFFF  }
0xb5: {  	_ =	strace $0x90000048  }
0xb6: {  	_ =	sfence  }
0xb7: {  	s30 =	sld [smem:$0x0];
	_ =	sdelay $0x2  }
0xb8: {  	s31 =	sshll.u32 s1, $0xD;
	s1 =	sshrl.u32 s1, $0x2  }
0xb9: {  	s3 =	sand.u32 $0x4000, s31;
	s1 =	sadd.s32 s1, s30  }
0xba: {  	s0 =	sor.u32 s3, s0;
	s1 =	sshll.u32 s1, $0x11  }
0xbb: {  	s0 =	sor.u32 s1, s0  }
0xbc: {  	s0 =	sadd.s32 $0x8F2B, s0  }
0xbd: {  	[sflag:s0] =	ssyncadd.remote.s32 $0x1  }
0xbe: {  	_ =	sfence.sel $0xFFFF  }
0xbf: {  	[dreg:$0x0] =	wrdreg $0xFFFFFFFF;
	(pc) =	sbr.abs _section_cstart, $3  }
0xc0: {  	[dreg:$0x1] =	wrdreg $0xFFFFFFFF  }
0xc1: {  	_ =	task.clear_ibuf [dreg:s7], $0x2FFFF;
	_ =	strace $0x9FFFFFFF  }
0xc2: {  	(tm) =	ssettm $0x7FFFFFFF  }
0xc3: {  	_ =	shalt  }
tec
execute0_lowered:
.L_overlay_start_1:
0x0: {  	(tag) =	ssettag $0x1  }
0x1: {  	s6 =	rddreg [dreg:$0x0]  }
0x2: {  	s7 =	rddreg [dreg:$0x1];
	s2 =	srdreg.scid  }
0x3: {  	s0 =	rddreg [dreg:$0x2];
	s1 =	stileid.u32;
	s11 =	simm.s32 $0x100  }
0x4: {  	s12 =	simm.s32 $0x900;
	s13 =	simm.s32 $0xD00;
	s14 =	simm.s32 $0x1500  }
0x5: {  	s15 =	simm.s32 $0x1900;
	s16 =	simm.s32 $0x2100;
	s17 =	simm.s32 $0x2500  }
0x6: {  	s18 =	simm.s32 $0x2D00;
	s19 =	simm.s32 $0x3100;
	s20 =	simm.s32 $0x3900  }
0x7: {  	s21 =	simm.s32 $0x3D00;
	s22 =	simm.s32 $0x4500;
	s23 =	simm.s32 $0x4900  }
0x8: {  	s24 =	simm.s32 $0x5100;
	s25 =	simm.s32 $0x5500;
	s26 =	simm.s32 $0x5D00  }
0x9: {  	s28 =	simm.s32 $0x1;
	s3 =	sand.u32 $0x1, s2;
	s2 =	simm.s32 $0x0  }
0xa: {  	s4 =	sshll.u32 s1, $0x4;
	s5 =	sshll.u32 s3, $0x3;
	[smem:$0x7FF] =	sst s2  }
0xb: {  	s31 =	ssub.s32 $0x2, s3;
	s3 =	sadd.s32 $0x12A00, s7;
	s4 =	sor.u32 s5, s4  }
0xc: {  	_ =	strace $0x80000047;
	s8 =	sshrl.u32 s31, $0x1;
	s9 =	smul.u32 $0x180, s4  }
0xd: {  	v2 =	vlaneseq.u32;
	s10 =	sadd.s32 s4, s7;
	s8 =	ssub.s32 s31, s8;
	s7 =	sadd.s32 $0x12B00, s7  }
0xe: {  	vm0 =	vmmov $0xffff;
	vm1 =	vmmov $0xff;
	v1 =	vshrl.u32 v2, $0x3;
	s4 =	sadd.s32 $0x2600, s10;
	s5 =	sadd.s32 $0x2800, s10;
	s8 =	smax.u32 s8, $0x1  }
0xf: {  	v0 =	vand.u32 $0x7, v2;
	v2 =	vor.u32 $0x8, v2;
	v1 =	vmul.u32 $0x8, v1;
	s10 =	simm.s32 $0x80;
	s6 =	sadd.s32 s6, s9;
	s9 =	simm.s32 $0x2  }
.LBB2_1:
0x10: {  	[tilespmem:s2], [sflag:$0x2] =	stream.linear.gather [hbm4b:s4+s2], $0x40, $0x38;
	[tilespmem:$0x6100] =	vst v63  }
0x11: {  	_ =	swait.ge [sflag:s9], $0x40  }
0x12: {  	[sflag:s9] =	ssyncset.done $0x0  }
0x13: {  	[sflag:s9] =	ssyncadd.s32 $0xFFFFFFC0  }
0x14: {  	[tilespmem:s10], [sflag:$0x2] =	stream.linear.gather [hbm4b:s5+s2], $0x40, $0x38;
	[tilespmem:$0x6100] =	vst v63  }
0x15: {  	_ =	swait.ge [sflag:s9], $0x40  }
0x16: {  	[sflag:s9] =	ssyncset.done $0x0  }
0x17: {  	[sflag:s9] =	ssyncadd.s32 $0xFFFFFFC0  }
0x18: {  	[tilespmem:s11], [sflag:$0x2] =	stream.linear.gather [hbm4b:s6+s2], $0x6000, $0x38;
	[tilespmem:$0x6100] =	vst v63  }
0x19: {  	_ =	swait.ge [sflag:s9], $0x6000  }
0x1a: {  	[sflag:s9] =	ssyncset.done $0x0  }
0x1b: {  	[sflag:s9] =	ssyncadd.s32 $0xFFFFA000  }
0x1c: {  	v3 =	vld [tilespmem:$0x0];
	_ =	sdelay $0x4  }
0x1d: {  	v4 =	vshrl.u32 v3, $0x3  }
0x1e: {  	v4 =	vmul.u32 $0x18, v4  }
0x1f: {  	v3 =	vand.u32 $0x7, v3  }
0x20: {  	v3 =	vor.u32 v3, v4  }
0x21: {  	v4 =	vperm.xlane v3, v0;
	_ =	sdelay $0x1  }
0x22: {  	v4 =	vadd.s32 v1, v4;
	_ =	sdelay $0x1  }
0x23: {  	v3 =	vperm.xlane v3, v2;
	_ =	sdelay $0x1  }
0x24: {  	v3 =	vadd.s32 v1, v3  }
0x25: {  	[hbm4b:s3+s2] =	stream.indirect_vreg.scatter [tilespmem:s11], [sflag:$0x1], $0x80, v4, vm0, $0xb8;
	[tilespmem:$0x6100] =	vst v63  }
0x26: {  	_ = 	snop  }
0x27: {  	[hbm4b:s7+s2] =	stream.indirect_vreg.scatter [tilespmem:s12], [sflag:$0x1], $0x80, v4, vm1, $0xb8;
	[tilespmem:$0x6100] =	vst v63  }
0x28: {  	_ = 	snop  }
0x29: {  	[hbm4b:s3+s2] =	stream.indirect_vreg.scatter [tilespmem:s13], [sflag:$0x1], $0x80, v3, vm0, $0xb8;
	[tilespmem:$0x6100] =	vst v63  }
0x2a: {  	_ = 	snop  }
0x2b: {  	[hbm4b:s7+s2] =	stream.indirect_vreg.scatter [tilespmem:s14], [sflag:$0x1], $0x80, v3, vm1, $0xb8;
	[tilespmem:$0x6100] =	vst v63  }
0x2c: {  	v3 =	vld [tilespmem:$0x10];
	_ =	sdelay $0x4  }
0x2d: {  	v57 =	vshrl.u32 v3, $0x3  }
0x2e: {  	v4 =	vmul.u32 $0x18, v57  }
0x2f: {  	v3 =	vand.u32 $0x7, v3  }
0x30: {  	v3 =	vor.u32 v3, v4  }
0x31: {  	v4 =	vperm.xlane v3, v0;
	_ =	sdelay $0x1  }
0x32: {  	v4 =	vadd.s32 v1, v4;
	_ =	sdelay $0x1  }
0x33: {  	v3 =	vperm.xlane v3, v2;
	_ =	sdelay $0x1  }
0x34: {  	v3 =	vadd.s32 v1, v3  }
0x35: {  	[hbm4b:s3+s2] =	stream.indirect_vreg.scatter [tilespmem:s15], [sflag:$0x1], $0x80, v4, vm0, $0xb8;
	[tilespmem:$0x6100] =	vst v63  }
0x36: {  	_ = 	snop  }
0x37: {  	[hbm4b:s7+s2] =	stream.indirect_vreg.scatter [tilespmem:s16], [sflag:$0x1], $0x80, v4, vm1, $0xb8;
	[tilespmem:$0x6100] =	vst v63  }
0x38: {  	_ = 	snop  }
0x39: {  	[hbm4b:s3+s2] =	stream.indirect_vreg.scatter [tilespmem:s17], [sflag:$0x1], $0x80, v3, vm0, $0xb8;
	[tilespmem:$0x6100] =	vst v63  }
0x3a: {  	_ = 	snop  }
0x3b: {  	[hbm4b:s7+s2] =	stream.indirect_vreg.scatter [tilespmem:s18], [sflag:$0x1], $0x80, v3, vm1, $0xb8;
	[tilespmem:$0x6100] =	vst v63  }
0x3c: {  	v3 =	vld [tilespmem:$0x20];
	_ =	sdelay $0x4  }
0x3d: {  	v58 =	vshrl.u32 v3, $0x3  }
0x3e: {  	v4 =	vmul.u32 $0x18, v58  }
0x3f: {  	v3 =	vand.u32 $0x7, v3  }
0x40: {  	v3 =	vor.u32 v3, v4  }
0x41: {  	v4 =	vperm.xlane v3, v0;
	_ =	sdelay $0x1  }
0x42: {  	v4 =	vadd.s32 v1, v4;
	_ =	sdelay $0x1  }
0x43: {  	v3 =	vperm.xlane v3, v2;
	_ =	sdelay $0x1  }
0x44: {  	v3 =	vadd.s32 v1, v3  }
0x45: {  	[hbm4b:s3+s2] =	stream.indirect_vreg.scatter [tilespmem:s19], [sflag:$0x1], $0x80, v4, vm0, $0xb8;
	[tilespmem:$0x6100] =	vst v63  }
0x46: {  	_ = 	snop  }
0x47: {  	[hbm4b:s7+s2] =	stream.indirect_vreg.scatter [tilespmem:s20], [sflag:$0x1], $0x80, v4, vm1, $0xb8;
	[tilespmem:$0x6100] =	vst v63  }
0x48: {  	_ = 	snop  }
0x49: {  	[hbm4b:s3+s2] =	stream.indirect_vreg.scatter [tilespmem:s21], [sflag:$0x1], $0x80, v3, vm0, $0xb8;
	[tilespmem:$0x6100] =	vst v63  }
0x4a: {  	_ = 	snop  }
0x4b: {  	[hbm4b:s7+s2] =	stream.indirect_vreg.scatter [tilespmem:s22], [sflag:$0x1], $0x80, v3, vm1, $0xb8;
	[tilespmem:$0x6100] =	vst v63  }
0x4c: {  	v3 =	vld [tilespmem:$0x30];
	_ =	sdelay $0x4  }
0x4d: {  	v59 =	vshrl.u32 v3, $0x3  }
0x4e: {  	v4 =	vmul.u32 $0x18, v59  }
0x4f: {  	v3 =	vand.u32 $0x7, v3  }
0x50: {  	v3 =	vor.u32 v3, v4  }
0x51: {  	v4 =	vperm.xlane v3, v0;
	_ =	sdelay $0x1  }
0x52: {  	v4 =	vadd.s32 v1, v4;
	_ =	sdelay $0x1  }
0x53: {  	v3 =	vperm.xlane v3, v2;
	_ =	sdelay $0x1  }
0x54: {  	v3 =	vadd.s32 v1, v3  }
0x55: {  	[hbm4b:s3+s2] =	stream.indirect_vreg.scatter [tilespmem:s23], [sflag:$0x1], $0x80, v4, vm0, $0xb8;
	[tilespmem:$0x6100] =	vst v63  }
0x56: {  	_ = 	snop  }
0x57: {  	[hbm4b:s7+s2] =	stream.indirect_vreg.scatter [tilespmem:s24], [sflag:$0x1], $0x80, v4, vm1, $0xb8;
	[tilespmem:$0x6100] =	vst v63  }
0x58: {  	_ = 	snop  }
0x59: {  	[hbm4b:s3+s2] =	stream.indirect_vreg.scatter [tilespmem:s25], [sflag:$0x1], $0x80, v3, vm0, $0xb8;
	[tilespmem:$0x6100] =	vst v63  }
0x5a: {  	_ = 	snop  }
0x5b: {  	[hbm4b:s7+s2] =	stream.indirect_vreg.scatter [tilespmem:s26], [sflag:$0x1], $0x80, v3, vm1, $0xb8;
	[tilespmem:$0x6100] =	vst v63  }
0x5c: {  	v3 =	vld [tilespmem:$0x80];
	_ =	sdelay $0x4  }
0x5d: {  	v60 =	vshrl.u32 v3, $0x3  }
0x5e: {  	v4 =	vmul.u32 $0x18, v60  }
0x5f: {  	v3 =	vand.u32 $0x7, v3  }
0x60: {  	v3 =	vor.u32 v3, v4  }
0x61: {  	v4 =	vperm.xlane v3, v0;
	_ =	sdelay $0x1  }
0x62: {  	v4 =	vadd.s32 v1, v4;
	_ =	sdelay $0x1  }
0x63: {  	v3 =	vperm.xlane v3, v2;
	_ =	sdelay $0x1  }
0x64: {  	v3 =	vadd.s32 v1, v3  }
0x65: {  	[hbm4b:s3+s2] =	stream.indirect_vreg.scatter [tilespmem:s11], [sflag:$0x1], $0x80, v4, vm0, $0xb8;
	[tilespmem:$0x6100] =	vst v63  }
0x66: {  	_ = 	snop  }
0x67: {  	[hbm4b:s7+s2] =	stream.indirect_vreg.scatter [tilespmem:s12], [sflag:$0x1], $0x80, v4, vm1, $0xb8;
	[tilespmem:$0x6100] =	vst v63  }
0x68: {  	_ = 	snop  }
0x69: {  	[hbm4b:s3+s2] =	stream.indirect_vreg.scatter [tilespmem:s13], [sflag:$0x1], $0x80, v3, vm0, $0xb8;
	[tilespmem:$0x6100] =	vst v63  }
0x6a: {  	_ = 	snop  }
0x6b: {  	[hbm4b:s7+s2] =	stream.indirect_vreg.scatter [tilespmem:s14], [sflag:$0x1], $0x80, v3, vm1, $0xb8;
	[tilespmem:$0x6100] =	vst v63  }
0x6c: {  	v3 =	vld [tilespmem:$0x90];
	_ =	sdelay $0x4  }
0x6d: {  	v61 =	vshrl.u32 v3, $0x3  }
0x6e: {  	v4 =	vmul.u32 $0x18, v61  }
0x6f: {  	v3 =	vand.u32 $0x7, v3  }
0x70: {  	v3 =	vor.u32 v3, v4  }
0x71: {  	v4 =	vperm.xlane v3, v0;
	_ =	sdelay $0x1  }
0x72: {  	v4 =	vadd.s32 v1, v4;
	_ =	sdelay $0x1  }
0x73: {  	v3 =	vperm.xlane v3, v2;
	_ =	sdelay $0x1  }
0x74: {  	v3 =	vadd.s32 v1, v3  }
0x75: {  	[hbm4b:s3+s2] =	stream.indirect_vreg.scatter [tilespmem:s15], [sflag:$0x1], $0x80, v4, vm0, $0xb8;
	[tilespmem:$0x6100] =	vst v63  }
0x76: {  	_ = 	snop  }
0x77: {  	[hbm4b:s7+s2] =	stream.indirect_vreg.scatter [tilespmem:s16], [sflag:$0x1], $0x80, v4, vm1, $0xb8;
	[tilespmem:$0x6100] =	vst v63  }
0x78: {  	_ = 	snop  }
0x79: {  	[hbm4b:s3+s2] =	stream.indirect_vreg.scatter [tilespmem:s17], [sflag:$0x1], $0x80, v3, vm0, $0xb8;
	[tilespmem:$0x6100] =	vst v63  }
0x7a: {  	_ = 	snop  }
0x7b: {  	[hbm4b:s7+s2] =	stream.indirect_vreg.scatter [tilespmem:s18], [sflag:$0x1], $0x80, v3, vm1, $0xb8;
	[tilespmem:$0x6100] =	vst v63  }
0x7c: {  	v3 =	vld [tilespmem:$0xA0];
	_ =	sdelay $0x4  }
0x7d: {  	v62 =	vshrl.u32 v3, $0x3  }
0x7e: {  	v4 =	vmul.u32 $0x18, v62  }
0x7f: {  	v3 =	vand.u32 $0x7, v3  }
0x80: {  	v3 =	vor.u32 v3, v4  }
0x81: {  	v4 =	vperm.xlane v3, v0;
	_ =	sdelay $0x1  }
0x82: {  	v4 =	vadd.s32 v1, v4;
	_ =	sdelay $0x1  }
0x83: {  	v3 =	vperm.xlane v3, v2;
	_ =	sdelay $0x1  }
0x84: {  	v3 =	vadd.s32 v1, v3  }
0x85: {  	[hbm4b:s3+s2] =	stream.indirect_vreg.scatter [tilespmem:s19], [sflag:$0x1], $0x80, v4, vm0, $0xb8;
	[tilespmem:$0x6100] =	vst v63  }
0x86: {  	_ = 	snop  }
0x87: {  	[hbm4b:s7+s2] =	stream.indirect_vreg.scatter [tilespmem:s20], [sflag:$0x1], $0x80, v4, vm1, $0xb8;
	[tilespmem:$0x6100] =	vst v63  }
0x88: {  	_ = 	snop  }
0x89: {  	[hbm4b:s3+s2] =	stream.indirect_vreg.scatter [tilespmem:s21], [sflag:$0x1], $0x80, v3, vm0, $0xb8;
	[tilespmem:$0x6100] =	vst v63  }
0x8a: {  	_ = 	snop  }
0x8b: {  	[hbm4b:s7+s2] =	stream.indirect_vreg.scatter [tilespmem:s22], [sflag:$0x1], $0x80, v3, vm1, $0xb8;
	[tilespmem:$0x6100] =	vst v63  }
0x8c: {  	v3 =	vld [tilespmem:$0xB0];
	_ =	sdelay $0x4  }
0x8d: {  	v63 =	vshrl.u32 v3, $0x3  }
0x8e: {  	v4 =	vmul.u32 $0x18, v63  }
0x8f: {  	v3 =	vand.u32 $0x7, v3  }
0x90: {  	v3 =	vor.u32 v3, v4  }
0x91: {  	v4 =	vperm.xlane v3, v0;
	_ =	sdelay $0x1  }
0x92: {  	v4 =	vadd.s32 v1, v4;
	_ =	sdelay $0x1  }
0x93: {  	v3 =	vperm.xlane v3, v2;
	_ =	sdelay $0x1  }
0x94: {  	v3 =	vadd.s32 v1, v3  }
0x95: {  	[hbm4b:s3+s2] =	stream.indirect_vreg.scatter [tilespmem:s23], [sflag:$0x1], $0x80, v4, vm0, $0xb8;
	[tilespmem:$0x6100] =	vst v63  }
0x96: {  	_ = 	snop  }
0x97: {  	[hbm4b:s7+s2] =	stream.indirect_vreg.scatter [tilespmem:s24], [sflag:$0x1], $0x80, v4, vm1, $0xb8;
	[tilespmem:$0x6100] =	vst v63  }
0x98: {  	_ = 	snop  }
0x99: {  	[hbm4b:s3+s2] =	stream.indirect_vreg.scatter [tilespmem:s25], [sflag:$0x1], $0x80, v3, vm0, $0xb8;
	[tilespmem:$0x6100] =	vst v63  }
0x9a: {  	_ = 	snop  }
0x9b: {  	[hbm4b:s7+s2] =	stream.indirect_vreg.scatter [tilespmem:s26], [sflag:$0x1], $0x80, v3, vm1, $0xb8;
	[tilespmem:$0x6100] =	vst v63  }
0x9c: {  	p0 =	sne.s32 s8, $0x1;
	_ =	swait.ge [sflag:s28], $0x6000  }
.Ltmp0:
0x9d: {  	[sflag:s28] =	ssyncset.done $0x0;
	(pc) =	sbr.rel @p0 .LBB2_1-.Ltmp0, $4  }
0x9e: {  	[sflag:s28] =	ssyncadd.s32 $0xFFFFA000  }
0x9f: {  	_ =	swait.ge [sflag:s28], $0x6000  }
0xa0: {  	[sflag:s28] =	ssyncset.done $0x0  }
0xa1: {  	s8 =	sadd.s32 $0xFFFFFFFF, s8;
	[sflag:s28] =	ssyncadd.s32 $0xFFFFA000  }
0xa2: {  	_ =	sfence.sel $0x180000  }
0xa3: {  	[bflag:$0x0] =	sbarrier.arrive $0xFFFF  }
0xa4: {  	p0 =	sne.s32 s1, $0x0;
	_ =	strace $0x90000047  }
0xa5: {  	s0 =	sadd.s32 @!p0 $0x100000, s0;
	[bflag:$0x2] =	sbarrier.arrive $0xFFFF  }
0xa6: {  	[sflag:s0] =	ssyncadd.tile.s32 @!p0 $0x1;
	_ =	shalt  }
.Lfunc_end2:
_tile_overlayer_lowered:
.L_overlay_start_2:
0xa7: {  	(tag) =	ssettag $0x2  }
0xa8: {  	s0 =	rddreg [dreg:$0x0];
	s2 =	stileid.u32  }
0xa9: {  	s1 =	rddreg [dreg:$0x1];
	p0 =	sne.s32 s2, $0x0  }
0xaa: {  	s3 =	rddreg [dreg:$0x2];
	[bflag:$0x3] =	sbarrier.arrive $0xFFFF;
	s2 =	simm.s32 @!p0 $0x1C02  }
0xab: {  	[timem:s3], [sflag:s2] =	dma.local @!p0 [hbm:s0], s1  }
0xac: {  	s0 =	simm.s32 @!p0 $0x2  }
0xad: {  	_ =	swait.ge @!p0 [sflag:s0], s1  }
0xae: {  	s1 =	ssub.s32 @!p0 $0x0, s1;
	[sflag:s0] =	ssyncset.done @!p0 $0x0  }
0xaf: {  	[sflag:s0] =	ssyncadd.s32 @!p0 s1  }
0xb0: {  	[bflag:$0x3] =	sbarrier.arrive $0xFFFF  }
0xb1: {  	_ =	shalt  }

// kernel: kernel.9.cloned.1.call-start
scs
__scs_entry_jumppad:
0x0: {  	(pc) =	sbr.rel $0x88, $3  }
0x1: {  	(tag) =	ssettag $0x0;
	lr =	simm.s32 $0x1  }
0x2: {  	[smem:$0x3F9D] =	sst lr;
	_ =	strace $0xD0000000  }
0x3: {  	_ = 	snop  }
0x4: {  	_ = 	snop  }
0x5: {  	_ = 	snop  }
0x6: {  	_ = 	snop  }
0x7: {  	_ = 	snop  }
__scs_overlays_trampoline_lowered:
0x8: {  	[smem:$0x3FAC] =	sst s0  }
0x9: {  	[smem:$0x3FAD] =	sst s1  }
0xa: {  	[smem:$0x3FAE] =	sst s2  }
0xb: {  	[smem:$0x3FAF] =	sst s3  }
0xc: {  	[smem:$0x3FB0] =	sst s4  }
0xd: {  	[smem:$0x3FB1] =	sst s5  }
0xe: {  	[smem:$0x3FB2] =	sst s6  }
0xf: {  	[smem:$0x3FB3] =	sst s7  }
0x10: {  	[smem:$0x3FB4] =	sst s8  }
0x11: {  	[smem:$0x3FB5] =	sst s9;
	s0 =	simm.s32 @!p0 $0x0  }
0x12: {  	s1 =	sld [smem:$0x3F9B];
	s0 =	simm.s32 @p0 $0x1  }
0x13: {  	[smem:$0x3FB6] =	sst s0;
	s0 =	simm.s32 @!p1 $0x0  }
0x14: {  	s2 =	sld [smem:$0x3F9A];
	s0 =	simm.s32 @p1 $0x1  }
0x15: {  	[smem:$0x3FB7] =	sst s0;
	s0 =	simm.s32 @!p2 $0x0  }
0x16: {  	s3 =	sld [smem:$0x3FDB];
	s0 =	simm.s32 @p2 $0x1  }
0x17: {  	s4 =	simm.s32 $0x1BF5;
	[smem:$0x3FB9] =	sst s0  }
0x18: {  	s0 =	sld [smem:$0x3F9C];
	_ =	swait.ge [sflag:s4], $0x0  }
0x19: {  	s7 =	sld [smem:$0x3F9D]  }
0x1a: {  	s8 =	sadd.s32 $0xFFFFE003, lr  }
0x1b: {  	s9 =	sadd.s32 $0xFFFFFEF7, lr;
	s5 =	simm.s32 $0xFFFFFFFF;
	p2 =	slt.u32 s8, $0xFFFFF086  }
0x1c: {  	p1 =	slt.u32 s9, $0xF7A;
	s5 =	simm.s32 @!p2 $0x0  }
0x1d: {  	s5 =	simm.s32 @p1 $0x1;
	p0 =	seq.s32 s7, s2  }
0x1e: {  	s7 =	smul.u32 @!p0 $0xF7A, s2;
	p2 =	seq.s32 @!p0 s5, $0x0  }
0x1f: {  	s9 =	smul.u32 $0xF7A, s1;
	s8 =	simm.s32 @!p0 $0x1BF5;
	p2 =	por !p2, p0  }
0x20: {  	[sflag:s8] =	ssyncset.s32 @!p0 $0xFFFFF086;
	s6 =	sadd.s32 @!p0 s3, s7;
	s7 =	simm.s32 @!p0 $0x108  }
0x21: {  	s3 =	sadd.s32 s3, s9;
	s6 =	sadd.s32 @!p0 $0x88, s6;
	s7 =	simm.s32 @p2 $0x1082  }
0x22: {  	[simem:s7], [sflag:s8] =	dma.local @!p0 [hbm:s6], $0xF7A  }
0x23: {  	s9 =	sor.u32 $0xD0000000, s2;
	s6 =	simm.s32 $0x108;
	_ =	swait.ge @!p0 [sflag:s8], $0x0  }
0x24: {  	s3 =	sadd.s32 $0x88, s3;
	s6 =	simm.s32 @!p1 $0x1082;
	[sflag:s4] =	ssyncset.s32 $0xFFFFF086  }
0x25: {  	[simem:s6], [sflag:s4] =	dma.local [hbm:s3], $0xF7A  }
0x26: {  	[smem:$0x3F9D] =	sst s1;
	(tag) =	ssettag s2;
	_ =	strace s9  }
0x27: {  	s1 =	sld [smem:$0x3FAD]  }
0x28: {  	s2 =	sld [smem:$0x3FAE]  }
0x29: {  	s4 =	sld [smem:$0x3FB0]  }
0x2a: {  	p0 =	seq.s32 s5, $0x0;
	s5 =	sld [smem:$0x3FB1]  }
0x2b: {  	s6 =	sld [smem:$0x3FB2]  }
0x2c: {  	s7 =	sld [smem:$0x3FB3]  }
0x2d: {  	s3 =	simm.s32 $0x108;
	s8 =	sld [smem:$0x3FB4]  }
0x2e: {  	s3 =	simm.s32 @!p0 $0x1082;
	s9 =	sld [smem:$0x3FB5]  }
0x2f: {  	lr =	sadd.s32 s0, s3;
	s0 =	sld [smem:$0x3FAC]  }
0x30: {  	s3 =	sld [smem:$0x3FAF]  }
0x31: {  	[smem:$0x3FB8] =	sst s10  }
0x32: {  	s10 =	sld [smem:$0x3FB6];
	_ =	sdelay $0x3  }
0x33: {  	p0 =	seq.s32 s10, $0x1;
	s10 =	sld [smem:$0x3FB8];
	_ =	sdelay $0x3  }
0x34: {  	[smem:$0x3FB8] =	sst s10  }
0x35: {  	s10 =	sld [smem:$0x3FB7];
	_ =	sdelay $0x3  }
0x36: {  	p1 =	seq.s32 s10, $0x1;
	s10 =	sld [smem:$0x3FB8];
	_ =	sdelay $0x3  }
0x37: {  	[smem:$0x3FB8] =	sst s10  }
0x38: {  	s10 =	sld [smem:$0x3FB9]  }
0x39: {  	_ = 	snop;
	(pc) =	sbr.ind lr, $3  }
0x3a: {  	_ = 	snop  }
0x3b: {  	_ = 	snop  }
0x3c: {  	p2 =	seq.s32 s10, $0x1;
	s10 =	sld [smem:$0x3FB8]  }
0x3d: {  	_ =	shalt  }
0x3e: {  	_ =	shalt  }
0x3f: {  	_ =	shalt  }
0x40: {  	_ =	shalt  }
0x41: {  	_ =	shalt  }
0x42: {  	_ =	shalt  }
0x43: {  	_ =	shalt  }
0x44: {  	_ =	shalt  }
0x45: {  	_ =	shalt  }
0x46: {  	_ =	shalt  }
0x47: {  	_ =	shalt  }
0x48: {  	_ =	shalt  }
0x49: {  	_ =	shalt  }
0x4a: {  	_ =	shalt  }
0x4b: {  	_ =	shalt  }
0x4c: {  	_ =	shalt  }
0x4d: {  	_ =	shalt  }
0x4e: {  	_ =	shalt  }
0x4f: {  	_ =	shalt  }
0x50: {  	_ =	shalt  }
0x51: {  	_ =	shalt  }
0x52: {  	_ =	shalt  }
0x53: {  	_ =	shalt  }
0x54: {  	_ =	shalt  }
0x55: {  	_ =	shalt  }
0x56: {  	_ =	shalt  }
0x57: {  	_ =	shalt  }
0x58: {  	_ =	shalt  }
0x59: {  	_ =	shalt  }
0x5a: {  	_ =	shalt  }
0x5b: {  	_ =	shalt  }
0x5c: {  	_ =	shalt  }
0x5d: {  	_ =	shalt  }
0x5e: {  	_ =	shalt  }
0x5f: {  	_ =	shalt  }
0x60: {  	_ =	shalt  }
0x61: {  	_ =	shalt  }
0x62: {  	_ =	shalt  }
0x63: {  	_ =	shalt  }
0x64: {  	_ =	shalt  }
0x65: {  	_ =	shalt  }
0x66: {  	_ =	shalt  }
0x67: {  	_ =	shalt  }
0x68: {  	_ =	shalt  }
0x69: {  	_ =	shalt  }
0x6a: {  	_ =	shalt  }
0x6b: {  	_ =	shalt  }
0x6c: {  	_ =	shalt  }
0x6d: {  	_ =	shalt  }
0x6e: {  	_ =	shalt  }
0x6f: {  	_ =	shalt  }
0x70: {  	_ =	shalt  }
0x71: {  	_ =	shalt  }
0x72: {  	_ =	shalt  }
0x73: {  	_ =	shalt  }
0x74: {  	_ =	shalt  }
0x75: {  	_ =	shalt  }
0x76: {  	_ =	shalt  }
0x77: {  	_ =	shalt  }
0x78: {  	_ =	shalt  }
0x79: {  	_ =	shalt  }
0x7a: {  	_ =	shalt  }
0x7b: {  	_ =	shalt  }
0x7c: {  	_ =	shalt  }
0x7d: {  	_ =	shalt  }
0x7e: {  	_ =	shalt  }
0x7f: {  	_ =	shalt  }
0x80: {  	_ =	shalt  }
0x81: {  	_ =	shalt  }
0x82: {  	_ =	shalt  }
0x83: {  	_ =	shalt  }
0x84: {  	_ =	shalt  }
0x85: {  	_ =	shalt  }
0x86: {  	_ =	shalt  }
0x87: {  	_ =	shalt  }
.Lfunc_end0:
.L_simem_size_0:
called_computation.1_lowered:
.L_overlay_start_0:
0x88: {  	s2 =	sld [smem:$0x3FD9]  }
0x89: {  	s3 =	sld [smem:$0x3FFE];
	_ =	sdelay $0x1  }
0x8a: {  	s1 =	srdreg.scid  }
0x8b: {  	s0 =	sand.u32 $0x1, s1  }
0x8c: {  	s17 =	sshll.u32 s0, $0xA;
	s2 =	sadd.s32 s3, s2  }
0x8d: {  	s2 =	sadd.s32 s2, s17  }
0x8e: {  	[smem:$0x3FC4] =	sst s2  }
0x8f: {  	_ = 	snop  }
0x90: {  	s2 =	sld [smem:$0x3FD0];
	(tm) =	ssettm $0x1  }
0x91: {  	s18 =	sld [smem:$0x3FFB];
	_ =	sdelay $0x3  }
0x92: {  	_ =	strace s18  }
0x93: {  	s3 =	sld [smem:$0x3FFC];
	_ =	sdelay $0x3  }
0x94: {  	_ =	strace s3  }
0x95: {  	s3 =	sld [smem:$0x3FFD];
	_ =	sdelay $0x3  }
0x96: {  	_ =	strace s3  }
0x97: {  	_ =	strace $0x8FFFFFFF  }
0x98: {  	s19 =	sld [smem:$0x3FDB];
	_ =	sdelay $0x1  }
0x99: {  	s4 =	simm.s32 $_scs_section_size  }
0x9a: {  	s5 =	simm.s32 $_size__tile_overlayer_lowered;
	s6 =	simm.s32 $_tile_overlayer_lowered  }
0x9b: {  	s22 =	simm.s32 $0x1BFF;
	s21 =	sshll.u32 s6, $0x1;
	s3 =	sadd.s32 s4, s19  }
0x9c: {  	s7 =	simm.s32 $0x0;
	s20 =	sshll.u32 s5, $0x1;
	s5 =	sadd.s32 s21, s3  }
0x9d: {  	[timem:s7], [sflag:s22] =	dma.local [hbm:s5], s20  }
0x9e: {  	_ =	swait.ge [sflag:s22], s20  }
0x9f: {  	s4 =	ssub.s32 $0x0, s20;
	[sflag:s22] =	ssyncset.done $0x0  }
0xa0: {  	[sflag:s22] =	ssyncadd.s32 s4;
	_ =	sdelay $0x1  }
0xa1: {  	s23 =	simm.s32 $0x1B8B  }
0xa2: {  	_ =	swait.ge [sflag:s23], $0x1  }
0xa3: {  	[sflag:s23] =	ssyncset.done $0x0  }
0xa4: {  	s25 =	simm.s32 $0x1B8E;
	s24 =	sld [smem:$0x3FFE];
	[sflag:s23] =	ssyncadd.s32 $0xFFFFFFFF  }
0xa5: {  	s26 =	simm.s32 $execute0_lowered;
	[smem:$0x3FD2] =	sst s25  }
0xa6: {  	s5 =	sshll.u32 s26, $0x1;
	_ =	strace $0x80000049;
	[dreg:$0x1] =	wrdreg $0xFFFFFFFF  }
0xa7: {  	s28 =	simm.s32 $_size_execute0_lowered;
	s3 =	sadd.s32 s3, s5;
	[dreg:$0x0] =	wrdreg $0x0  }
0xa8: {  	s5 =	sshll.u32 s28, $0x1;
	[dreg:$0x2] =	wrdreg s3  }
0xa9: {  	[dreg:$0x3] =	wrdreg s5  }
0xaa: {  	[dreg:$0x4] =	wrdreg $0xC0  }
0xab: {  	_ =	task [dreg:s7], $0x5FFFF  }
0xac: {  	[dreg:$0x1] =	wrdreg $0xFFFFFFFF  }
0xad: {  	[dreg:$0x0] =	wrdreg $0x60  }
0xae: {  	[dreg:$0x2] =	wrdreg s24  }
0xaf: {  	[dreg:$0x3] =	wrdreg s2  }
0xb0: {  	[dreg:$0x4] =	wrdreg $0x9  }
0xb1: {  	_ =	task.clear_ibuf [dreg:s7], $0x5FFFF;
	_ =	strace $0x90000049  }
0xb2: {  	s29 =	simm.s32 $0x9;
	_ =	strace $0x8000004B  }
0xb3: {  	_ =	swait.ge [sflag:s29], $0x1  }
0xb4: {  	[sflag:s29] =	ssyncadd.s32 $0xFFFFFFFF  }
0xb5: {  	_ =	strace $0x9000004B  }
0xb6: {  	_ =	sfence  }
0xb7: {  	s30 =	sld [smem:$0x0];
	_ =	sdelay $0x2  }
0xb8: {  	s31 =	sshll.u32 s1, $0xD;
	s1 =	sshrl.u32 s1, $0x2  }
0xb9: {  	s3 =	sand.u32 $0x4000, s31;
	s1 =	sadd.s32 s1, s30  }
0xba: {  	s0 =	sor.u32 s3, s0;
	s1 =	sshll.u32 s1, $0x11  }
0xbb: {  	s0 =	sor.u32 s1, s0  }
0xbc: {  	s0 =	sadd.s32 $0x8F2B, s0  }
0xbd: {  	[sflag:s0] =	ssyncadd.remote.s32 $0x1  }
0xbe: {  	_ =	sfence.sel $0xFFFF  }
0xbf: {  	[dreg:$0x0] =	wrdreg $0xFFFFFFFF;
	(pc) =	sbr.abs _section_cstart, $3  }
0xc0: {  	[dreg:$0x1] =	wrdreg $0xFFFFFFFF  }
0xc1: {  	_ =	task.clear_ibuf [dreg:s7], $0x2FFFF;
	_ =	strace $0x9FFFFFFF  }
0xc2: {  	(tm) =	ssettm $0x7FFFFFFF  }
0xc3: {  	_ =	shalt  }
tec
execute0_lowered:
.L_overlay_start_1:
0x0: {  	(tag) =	ssettag $0x1  }
0x1: {  	s0 =	rddreg [dreg:$0x0]  }
0x2: {  	s1 =	rddreg [dreg:$0x1];
	s3 =	srdreg.scid  }
0x3: {  	s2 =	simm.s32 $0x0;
	s5 =	stileid.u32;
	s12 =	simm.s32 $0x2  }
0x4: {  	s13 =	simm.s32 $0x100;
	s14 =	simm.s32 $0x13100;
	s15 =	simm.s32 $0x13900  }
0x5: {  	s16 =	simm.s32 $0x14100;
	s17 =	simm.s32 $0x14900;
	s18 =	simm.s32 $0x15100  }
0x6: {  	s19 =	simm.s32 $0x15900;
	s20 =	simm.s32 $0x16100;
	s21 =	simm.s32 $0x16900  }
0x7: {  	s22 =	simm.s32 $0x17100;
	s23 =	simm.s32 $0x17900;
	s24 =	simm.s32 $0x1  }
0x8: {  	s25 =	simm.s32 $0x0;
	s4 =	sand.u32 $0x1, s3;
	[smem:$0x7FF] =	sst s2  }
0x9: {  	s29 =	sshll.u32 s5, $0x7;
	s3 =	sadd.s32 $0x12A00, s0;
	s30 =	sshll.u32 s4, $0x6  }
0xa: {  	_ =	strace $0x8000004A;
	s4 =	ssub.s32 $0x2, s4;
	s5 =	sor.u32 s30, s29  }
0xb: {  	s6 =	sshrl.u32 s4, $0x1;
	s7 =	sshrl.u32 s5, $0x3;
	s5 =	sshll.u32 s5, $0x4  }
0xc: {  	s11 =	ssub.s32 s4, s6;
	s6 =	sadd.s32 $0x12C00, s0;
	s8 =	sadd.s32 s7, s0  }
0xd: {  	v2 =	vlaneseq.u32;
	s9 =	sadd.s32 s5, s0;
	s5 =	sadd.s32 $0x12B00, s0;
	s31 =	smul.u32 $0x300, s7  }
0xe: {  	vm0 =	vmmov $0xffff;
	v1 =	vshrl.u32 v2, $0x3;
	s11 =	smax.u32 s11, $0x1;
	s4 =	sadd.s32 $0x2600, s8;
	s7 =	sadd.s32 $0x2800, s8  }
0xf: {  	v0 =	vand.u32 $0x7, v2;
	v2 =	vor.u32 $0x8, v2;
	v1 =	vmul.u32 $0x8, v1;
	s8 =	sadd.s32 $0x2A00, s9;
	s9 =	sadd.s32 $0xAA00, s9;
	s10 =	sadd.s32 s1, s31  }
.LBB2_1:
0x10: {  	[tilespmem:s2], [sflag:$0x2] =	stream.linear.gather [hbm4b:s4+s2], $0x40, $0x38;
	[tilespmem:$0x1C100] =	vst v63  }
0x11: {  	_ =	swait.ge [sflag:s12], $0x40  }
0x12: {  	[sflag:s12] =	ssyncset.done $0x0  }
0x13: {  	[sflag:s12] =	ssyncadd.s32 $0xFFFFFFC0  }
0x14: {  	v3 =	vld [tilespmem:$0x0];
	_ =	sdelay $0x4  }
0x15: {  	v4 =	vshrl.u32 v3, $0x3  }
0x16: {  	v4 =	vmul.u32 $0x30, v4  }
0x17: {  	v3 =	vand.u32 $0x7, v3  }
0x18: {  	v3 =	vor.u32 v3, v4  }
0x19: {  	v4 =	vperm.xlane v3, v0;
	_ =	sdelay $0x1  }
0x1a: {  	v4 =	vadd.s32 v1, v4;
	_ =	sdelay $0x3  }
0x1b: {  	v3 =	vperm.xlane v3, v2  }
0x1c: {  	[tilespmem:s13], [sflag:$0x1] =	stream.indirect_vreg.gather [hbm4b:s3+s2], $0x80, v4, vm0, $0xb8;
	[tilespmem:$0x1C100] =	vst v63  }
0x1d: {  	s0 =	simm.s32 $0x900;
	v3 =	vadd.s32 v1, v3  }
0x1e: {  	[tilespmem:s0], [sflag:$0x1] =	stream.indirect_vreg.gather [hbm4b:s5+s2], $0x80, v4, vm0, $0xb8;
	[tilespmem:$0x1C100] =	vst v63  }
0x1f: {  	s26 =	simm.s32 $0x1100  }
0x20: {  	[tilespmem:s26], [sflag:$0x1] =	stream.indirect_vreg.gather [hbm4b:s6+s2], $0x80, v4, vm0, $0xb8;
	[tilespmem:$0x1C100] =	vst v63  }
0x21: {  	s1 =	simm.s32 $0x1900  }
0x22: {  	[tilespmem:s1], [sflag:$0x1] =	stream.indirect_vreg.gather [hbm4b:s3+s2], $0x80, v3, vm0, $0xb8;
	[tilespmem:$0x1C100] =	vst v63  }
0x23: {  	s26 =	simm.s32 $0x2100  }
0x24: {  	[tilespmem:s26], [sflag:$0x1] =	stream.indirect_vreg.gather [hbm4b:s5+s2], $0x80, v3, vm0, $0xb8;
	[tilespmem:$0x1C100] =	vst v63  }
0x25: {  	s1 =	simm.s32 $0x2900  }
0x26: {  	[tilespmem:s1], [sflag:$0x1] =	stream.indirect_vreg.gather [hbm4b:s6+s2], $0x80, v3, vm0, $0xb8;
	[tilespmem:$0x1C100] =	vst v63  }
0x27: {  	v3 =	vld [tilespmem:$0x10];
	_ =	sdelay $0x4  }
0x28: {  	v4 =	vshrl.u32 v3, $0x3  }
0x29: {  	v4 =	vmul.u32 $0x30, v4  }
0x2a: {  	v3 =	vand.u32 $0x7, v3  }
0x2b: {  	v3 =	vor.u32 v3, v4  }
0x2c: {  	v4 =	vperm.xlane v3, v0;
	_ =	sdelay $0x1  }
0x2d: {  	v4 =	vadd.s32 v1, v4;
	_ =	sdelay $0x3  }
0x2e: {  	s26 =	simm.s32 $0x3100;
	v3 =	vperm.xlane v3, v2  }
0x2f: {  	[tilespmem:s26], [sflag:$0x1] =	stream.indirect_vreg.gather [hbm4b:s3+s2], $0x80, v4, vm0, $0xb8;
	[tilespmem:$0x1C100] =	vst v63  }
0x30: {  	s1 =	simm.s32 $0x3900;
	v3 =	vadd.s32 v1, v3  }
0x31: {  	[tilespmem:s1], [sflag:$0x1] =	stream.indirect_vreg.gather [hbm4b:s5+s2], $0x80, v4, vm0, $0xb8;
	[tilespmem:$0x1C100] =	vst v63  }
0x32: {  	s26 =	simm.s32 $0x4100  }
0x33: {  	[tilespmem:s26], [sflag:$0x1] =	stream.indirect_vreg.gather [hbm4b:s6+s2], $0x80, v4, vm0, $0xb8;
	[tilespmem:$0x1C100] =	vst v63  }
0x34: {  	s1 =	simm.s32 $0x4900  }
0x35: {  	[tilespmem:s1], [sflag:$0x1] =	stream.indirect_vreg.gather [hbm4b:s3+s2], $0x80, v3, vm0, $0xb8;
	[tilespmem:$0x1C100] =	vst v63  }
0x36: {  	s26 =	simm.s32 $0x5100  }
0x37: {  	[tilespmem:s26], [sflag:$0x1] =	stream.indirect_vreg.gather [hbm4b:s5+s2], $0x80, v3, vm0, $0xb8;
	[tilespmem:$0x1C100] =	vst v63  }
0x38: {  	s1 =	simm.s32 $0x5900  }
0x39: {  	[tilespmem:s1], [sflag:$0x1] =	stream.indirect_vreg.gather [hbm4b:s6+s2], $0x80, v3, vm0, $0xb8;
	[tilespmem:$0x1C100] =	vst v63  }
0x3a: {  	v3 =	vld [tilespmem:$0x20];
	_ =	sdelay $0x4  }
0x3b: {  	v4 =	vshrl.u32 v3, $0x3  }
0x3c: {  	v4 =	vmul.u32 $0x30, v4  }
0x3d: {  	v3 =	vand.u32 $0x7, v3  }
0x3e: {  	v3 =	vor.u32 v3, v4  }
0x3f: {  	v4 =	vperm.xlane v3, v0;
	_ =	sdelay $0x1  }
0x40: {  	v4 =	vadd.s32 v1, v4;
	_ =	sdelay $0x3  }
0x41: {  	s26 =	simm.s32 $0x6100;
	v3 =	vperm.xlane v3, v2  }
0x42: {  	[tilespmem:s26], [sflag:$0x1] =	stream.indirect_vreg.gather [hbm4b:s3+s2], $0x80, v4, vm0, $0xb8;
	[tilespmem:$0x1C100] =	vst v63  }
0x43: {  	s1 =	simm.s32 $0x6900;
	v3 =	vadd.s32 v1, v3  }
0x44: {  	[tilespmem:s1], [sflag:$0x1] =	stream.indirect_vreg.gather [hbm4b:s5+s2], $0x80, v4, vm0, $0xb8;
	[tilespmem:$0x1C100] =	vst v63  }
0x45: {  	s26 =	simm.s32 $0x7100  }
0x46: {  	[tilespmem:s26], [sflag:$0x1] =	stream.indirect_vreg.gather [hbm4b:s6+s2], $0x80, v4, vm0, $0xb8;
	[tilespmem:$0x1C100] =	vst v63  }
0x47: {  	s1 =	simm.s32 $0x7900  }
0x48: {  	[tilespmem:s1], [sflag:$0x1] =	stream.indirect_vreg.gather [hbm4b:s3+s2], $0x80, v3, vm0, $0xb8;
	[tilespmem:$0x1C100] =	vst v63  }
0x49: {  	s26 =	simm.s32 $0x8100  }
0x4a: {  	[tilespmem:s26], [sflag:$0x1] =	stream.indirect_vreg.gather [hbm4b:s5+s2], $0x80, v3, vm0, $0xb8;
	[tilespmem:$0x1C100] =	vst v63  }
0x4b: {  	s1 =	simm.s32 $0x8900  }
0x4c: {  	[tilespmem:s1], [sflag:$0x1] =	stream.indirect_vreg.gather [hbm4b:s6+s2], $0x80, v3, vm0, $0xb8;
	[tilespmem:$0x1C100] =	vst v63  }
0x4d: {  	v3 =	vld [tilespmem:$0x30];
	_ =	sdelay $0x4  }
0x4e: {  	v4 =	vshrl.u32 v3, $0x3  }
0x4f: {  	v4 =	vmul.u32 $0x30, v4  }
0x50: {  	v3 =	vand.u32 $0x7, v3  }
0x51: {  	v3 =	vor.u32 v3, v4  }
0x52: {  	v4 =	vperm.xlane v3, v0;
	_ =	sdelay $0x1  }
0x53: {  	v4 =	vadd.s32 v1, v4;
	_ =	sdelay $0x3  }
0x54: {  	s26 =	simm.s32 $0x9100;
	v3 =	vperm.xlane v3, v2  }
0x55: {  	[tilespmem:s26], [sflag:$0x1] =	stream.indirect_vreg.gather [hbm4b:s3+s2], $0x80, v4, vm0, $0xb8;
	[tilespmem:$0x1C100] =	vst v63  }
0x56: {  	s1 =	simm.s32 $0x9900;
	v3 =	vadd.s32 v1, v3  }
0x57: {  	[tilespmem:s1], [sflag:$0x1] =	stream.indirect_vreg.gather [hbm4b:s5+s2], $0x80, v4, vm0, $0xb8;
	[tilespmem:$0x1C100] =	vst v63  }
0x58: {  	s26 =	simm.s32 $0xA100  }
0x59: {  	[tilespmem:s26], [sflag:$0x1] =	stream.indirect_vreg.gather [hbm4b:s6+s2], $0x80, v4, vm0, $0xb8;
	[tilespmem:$0x1C100] =	vst v63  }
0x5a: {  	s1 =	simm.s32 $0xA900  }
0x5b: {  	[tilespmem:s1], [sflag:$0x1] =	stream.indirect_vreg.gather [hbm4b:s3+s2], $0x80, v3, vm0, $0xb8;
	[tilespmem:$0x1C100] =	vst v63  }
0x5c: {  	s26 =	simm.s32 $0xB100  }
0x5d: {  	[tilespmem:s26], [sflag:$0x1] =	stream.indirect_vreg.gather [hbm4b:s5+s2], $0x80, v3, vm0, $0xb8;
	[tilespmem:$0x1C100] =	vst v63  }
0x5e: {  	s1 =	simm.s32 $0xB900  }
0x5f: {  	[tilespmem:s1], [sflag:$0x1] =	stream.indirect_vreg.gather [hbm4b:s6+s2], $0x80, v3, vm0, $0xb8;
	[tilespmem:$0x1C100] =	vst v63  }
0x60: {  	s26 =	simm.s32 $0x80  }
0x61: {  	[tilespmem:s26], [sflag:$0x2] =	stream.linear.gather [hbm4b:s7+s2], $0x40, $0x38;
	[tilespmem:$0x1C100] =	vst v63  }
0x62: {  	_ =	swait.ge [sflag:s12], $0x40  }
0x63: {  	[sflag:s12] =	ssyncset.done $0x0  }
0x64: {  	[sflag:s12] =	ssyncadd.s32 $0xFFFFFFC0  }
0x65: {  	v3 =	vld [tilespmem:$0x80];
	_ =	sdelay $0x4  }
0x66: {  	v4 =	vshrl.u32 v3, $0x3  }
0x67: {  	v4 =	vmul.u32 $0x30, v4  }
0x68: {  	v3 =	vand.u32 $0x7, v3  }
0x69: {  	v3 =	vor.u32 v3, v4  }
0x6a: {  	v4 =	vperm.xlane v3, v0;
	_ =	sdelay $0x1  }
0x6b: {  	v4 =	vadd.s32 v1, v4;
	_ =	sdelay $0x3  }
0x6c: {  	s1 =	simm.s32 $0xC100;
	v3 =	vperm.xlane v3, v2  }
0x6d: {  	[tilespmem:s1], [sflag:$0x1] =	stream.indirect_vreg.gather [hbm4b:s3+s2], $0x80, v4, vm0, $0xb8;
	[tilespmem:$0x1C100] =	vst v63  }
0x6e: {  	s26 =	simm.s32 $0xC900;
	v3 =	vadd.s32 v1, v3  }
0x6f: {  	[tilespmem:s26], [sflag:$0x1] =	stream.indirect_vreg.gather [hbm4b:s5+s2], $0x80, v4, vm0, $0xb8;
	[tilespmem:$0x1C100] =	vst v63  }
0x70: {  	s1 =	simm.s32 $0xD100  }
0x71: {  	[tilespmem:s1], [sflag:$0x1] =	stream.indirect_vreg.gather [hbm4b:s6+s2], $0x80, v4, vm0, $0xb8;
	[tilespmem:$0x1C100] =	vst v63  }
0x72: {  	s26 =	simm.s32 $0xD900  }
0x73: {  	[tilespmem:s26], [sflag:$0x1] =	stream.indirect_vreg.gather [hbm4b:s3+s2], $0x80, v3, vm0, $0xb8;
	[tilespmem:$0x1C100] =	vst v63  }
0x74: {  	s1 =	simm.s32 $0xE100  }
0x75: {  	[tilespmem:s1], [sflag:$0x1] =	stream.indirect_vreg.gather [hbm4b:s5+s2], $0x80, v3, vm0, $0xb8;
	[tilespmem:$0x1C100] =	vst v63  }
0x76: {  	s26 =	simm.s32 $0xE900  }
0x77: {  	[tilespmem:s26], [sflag:$0x1] =	stream.indirect_vreg.gather [hbm4b:s6+s2], $0x80, v3, vm0, $0xb8;
	[tilespmem:$0x1C100] =	vst v63  }
0x78: {  	v3 =	vld [tilespmem:$0x90];
	_ =	sdelay $0x4  }
0x79: {  	v4 =	vshrl.u32 v3, $0x3  }
0x7a: {  	v4 =	vmul.u32 $0x30, v4  }
0x7b: {  	v3 =	vand.u32 $0x7, v3  }
0x7c: {  	v3 =	vor.u32 v3, v4  }
0x7d: {  	v4 =	vperm.xlane v3, v0;
	_ =	sdelay $0x1  }
0x7e: {  	v4 =	vadd.s32 v1, v4;
	_ =	sdelay $0x3  }
0x7f: {  	s1 =	simm.s32 $0xF100;
	v3 =	vperm.xlane v3, v2  }
0x80: {  	[tilespmem:s1], [sflag:$0x1] =	stream.indirect_vreg.gather [hbm4b:s3+s2], $0x80, v4, vm0, $0xb8;
	[tilespmem:$0x1C100] =	vst v63  }
0x81: {  	s26 =	simm.s32 $0xF900;
	v3 =	vadd.s32 v1, v3  }
0x82: {  	[tilespmem:s26], [sflag:$0x1] =	stream.indirect_vreg.gather [hbm4b:s5+s2], $0x80, v4, vm0, $0xb8;
	[tilespmem:$0x1C100] =	vst v63  }
0x83: {  	s1 =	simm.s32 $0x10100  }
0x84: {  	[tilespmem:s1], [sflag:$0x1] =	stream.indirect_vreg.gather [hbm4b:s6+s2], $0x80, v4, vm0, $0xb8;
	[tilespmem:$0x1C100] =	vst v63  }
0x85: {  	s26 =	simm.s32 $0x10900  }
0x86: {  	[tilespmem:s26], [sflag:$0x1] =	stream.indirect_vreg.gather [hbm4b:s3+s2], $0x80, v3, vm0, $0xb8;
	[tilespmem:$0x1C100] =	vst v63  }
0x87: {  	s1 =	simm.s32 $0x11100  }
0x88: {  	[tilespmem:s1], [sflag:$0x1] =	stream.indirect_vreg.gather [hbm4b:s5+s2], $0x80, v3, vm0, $0xb8;
	[tilespmem:$0x1C100] =	vst v63  }
0x89: {  	s26 =	simm.s32 $0x11900  }
0x8a: {  	[tilespmem:s26], [sflag:$0x1] =	stream.indirect_vreg.gather [hbm4b:s6+s2], $0x80, v3, vm0, $0xb8;
	[tilespmem:$0x1C100] =	vst v63  }
0x8b: {  	v3 =	vld [tilespmem:$0xA0];
	_ =	sdelay $0x4  }
0x8c: {  	v4 =	vshrl.u32 v3, $0x3  }
0x8d: {  	v4 =	vmul.u32 $0x30, v4  }
0x8e: {  	v3 =	vand.u32 $0x7, v3  }
0x8f: {  	v3 =	vor.u32 v3, v4  }
0x90: {  	v4 =	vperm.xlane v3, v0;
	_ =	sdelay $0x1  }
0x91: {  	v4 =	vadd.s32 v1, v4;
	_ =	sdelay $0x3  }
0x92: {  	s1 =	simm.s32 $0x12100;
	v3 =	vperm.xlane v3, v2  }
0x93: {  	[tilespmem:s1], [sflag:$0x1] =	stream.indirect_vreg.gather [hbm4b:s3+s2], $0x80, v4, vm0, $0xb8;
	[tilespmem:$0x1C100] =	vst v63  }
0x94: {  	s26 =	simm.s32 $0x12900;
	v3 =	vadd.s32 v1, v3  }
0x95: {  	[tilespmem:s26], [sflag:$0x1] =	stream.indirect_vreg.gather [hbm4b:s5+s2], $0x80, v4, vm0, $0xb8;
	[tilespmem:$0x1C100] =	vst v63  }
0x96: {  	_ = 	snop  }
0x97: {  	[tilespmem:s14], [sflag:$0x1] =	stream.indirect_vreg.gather [hbm4b:s6+s2], $0x80, v4, vm0, $0xb8;
	[tilespmem:$0x1C100] =	vst v63  }
0x98: {  	_ = 	snop  }
0x99: {  	[tilespmem:s15], [sflag:$0x1] =	stream.indirect_vreg.gather [hbm4b:s3+s2], $0x80, v3, vm0, $0xb8;
	[tilespmem:$0x1C100] =	vst v63  }
0x9a: {  	_ = 	snop  }
0x9b: {  	[tilespmem:s16], [sflag:$0x1] =	stream.indirect_vreg.gather [hbm4b:s5+s2], $0x80, v3, vm0, $0xb8;
	[tilespmem:$0x1C100] =	vst v63  }
0x9c: {  	_ = 	snop  }
0x9d: {  	[tilespmem:s17], [sflag:$0x1] =	stream.indirect_vreg.gather [hbm4b:s6+s2], $0x80, v3, vm0, $0xb8;
	[tilespmem:$0x1C100] =	vst v63  }
0x9e: {  	v3 =	vld [tilespmem:$0xB0];
	_ =	sdelay $0x4  }
0x9f: {  	v4 =	vshrl.u32 v3, $0x3  }
0xa0: {  	v4 =	vmul.u32 $0x30, v4  }
0xa1: {  	v3 =	vand.u32 $0x7, v3  }
0xa2: {  	v3 =	vor.u32 v3, v4  }
0xa3: {  	v4 =	vperm.xlane v3, v0;
	_ =	sdelay $0x1  }
0xa4: {  	v4 =	vadd.s32 v1, v4;
	_ =	sdelay $0x3  }
0xa5: {  	v3 =	vperm.xlane v3, v2  }
0xa6: {  	[tilespmem:s18], [sflag:$0x1] =	stream.indirect_vreg.gather [hbm4b:s3+s2], $0x80, v4, vm0, $0xb8;
	[tilespmem:$0x1C100] =	vst v63  }
0xa7: {  	v3 =	vadd.s32 v1, v3  }
0xa8: {  	[tilespmem:s19], [sflag:$0x1] =	stream.indirect_vreg.gather [hbm4b:s5+s2], $0x80, v4, vm0, $0xb8;
	[tilespmem:$0x1C100] =	vst v63  }
0xa9: {  	_ = 	snop  }
0xaa: {  	[tilespmem:s20], [sflag:$0x1] =	stream.indirect_vreg.gather [hbm4b:s6+s2], $0x80, v4, vm0, $0xb8;
	[tilespmem:$0x1C100] =	vst v63  }
0xab: {  	_ = 	snop  }
0xac: {  	[tilespmem:s21], [sflag:$0x1] =	stream.indirect_vreg.gather [hbm4b:s3+s2], $0x80, v3, vm0, $0xb8;
	[tilespmem:$0x1C100] =	vst v63  }
0xad: {  	_ = 	snop  }
0xae: {  	[tilespmem:s22], [sflag:$0x1] =	stream.indirect_vreg.gather [hbm4b:s5+s2], $0x80, v3, vm0, $0xb8;
	[tilespmem:$0x1C100] =	vst v63  }
0xaf: {  	_ = 	snop  }
0xb0: {  	[tilespmem:s23], [sflag:$0x1] =	stream.indirect_vreg.gather [hbm4b:s6+s2], $0x80, v3, vm0, $0xb8;
	[tilespmem:$0x1C100] =	vst v63  }
0xb1: {  	s26 =	simm.s32 $0x18100  }
0xb2: {  	[tilespmem:s26], [sflag:$0x2] =	stream.linear.gather [hbm4b:s8+s2], $0x2000, $0x38;
	[tilespmem:$0x1C100] =	vst v63  }
0xb3: {  	_ =	swait.ge [sflag:s12], $0x2000  }
0xb4: {  	[sflag:s12] =	ssyncset.done $0x0  }
0xb5: {  	s28 =	simm.s32 $0x1A100;
	[sflag:s12] =	ssyncadd.s32 $0xFFFFE000  }
0xb6: {  	[tilespmem:s28], [sflag:$0x2] =	stream.linear.gather [hbm4b:s9+s2], $0x2000, $0x38;
	[tilespmem:$0x1C100] =	vst v63  }
0xb7: {  	_ =	swait.ge [sflag:s12], $0x2000  }
0xb8: {  	[sflag:s12] =	ssyncset.done $0x0  }
0xb9: {  	[sflag:s12] =	ssyncadd.s32 $0xFFFFE000  }
0xba: {  	_ =	swait.ge [sflag:s24], $0xC000  }
0xbb: {  	[sflag:s24] =	ssyncset.done $0x0  }
0xbc: {  	s29 =	simm.s32 $0x0;
	[sflag:s24] =	ssyncadd.s32 $0xFFFF4000  }
0xbd: {  	s29 =	smul.u32 $0x1800, s29;
	_ =	swait.ge [sflag:s24], $0xC000  }
0xbe: {  	s30 =	sand.u32 $0x380, s2;
	[sflag:s24] =	ssyncset.done $0x0  }
0xbf: {  	s31 =	sor.u32 s30, s29;
	[sflag:s24] =	ssyncadd.s32 $0xFFFF4000  }
0xc0: {  	v4 =	vld [tilespmem:s31+$0x110]  }
0xc1: {  	v3 =	vld [tilespmem:s31+$0xC110]  }
0xc2: {  	v6 =	vld [tilespmem:s31+$0x120]  }
0xc3: {  	v5 =	vld [tilespmem:s31+$0xC120]  }
0xc4: {  	v10 =	vld [tilespmem:s31+$0x130]  }
0xc5: {  	v9 =	vld [tilespmem:s31+$0xC130]  }
0xc6: {  	v12 =	vld [tilespmem:s31+$0x140]  }
0xc7: {  	v11 =	vld [tilespmem:s31+$0xC140]  }
0xc8: {  	v13 =	vld [tilespmem:s31+$0x160]  }
0xc9: {  	v14 =	vld [tilespmem:s31+$0x170]  }
0xca: {  	v15 =	vld [tilespmem:s31+$0x500]  }
0xcb: {  	v16 =	vld [tilespmem:s31+$0x510]  }
0xcc: {  	v17 =	vld [tilespmem:s31+$0x520]  }
0xcd: {  	v18 =	vld [tilespmem:s31+$0x530]  }
0xce: {  	v19 =	vld [tilespmem:s31+$0x540]  }
0xcf: {  	v20 =	vld [tilespmem:s31+$0x550]  }
0xd0: {  	v21 =	vld [tilespmem:s31+$0x560]  }
0xd1: {  	v22 =	vld [tilespmem:s31+$0x570]  }
0xd2: {  	v23 =	vld [tilespmem:s31+$0x900]  }
0xd3: {  	v24 =	vld [tilespmem:s31+$0x910]  }
0xd4: {  	v25 =	vld [tilespmem:s31+$0x920]  }
0xd5: {  	v26 =	vld [tilespmem:s31+$0x930]  }
0xd6: {  	v27 =	vld [tilespmem:s31+$0x940]  }
0xd7: {  	v28 =	vld [tilespmem:s31+$0x950]  }
0xd8: {  	v29 =	vld [tilespmem:s31+$0x960]  }
0xd9: {  	v30 =	vld [tilespmem:s31+$0x970]  }
0xda: {  	v31 =	vld [tilespmem:s31+$0xD00]  }
0xdb: {  	v32 =	vld [tilespmem:s31+$0xD10]  }
0xdc: {  	v33 =	vld [tilespmem:s31+$0xD20]  }
0xdd: {  	v34 =	vld [tilespmem:s31+$0xD30]  }
0xde: {  	v35 =	vld [tilespmem:s31+$0xD40]  }
0xdf: {  	v36 =	vld [tilespmem:s31+$0xD50]  }
0xe0: {  	v37 =	vld [tilespmem:s31+$0xD60]  }
0xe1: {  	v38 =	vld [tilespmem:s31+$0xD70]  }
0xe2: {  	v39 =	vld [tilespmem:s31+$0x1100]  }
0xe3: {  	v40 =	vld [tilespmem:s31+$0x1110]  }
0xe4: {  	v41 =	vld [tilespmem:s31+$0x1120]  }
0xe5: {  	v42 =	vld [tilespmem:s31+$0x1130]  }
0xe6: {  	v43 =	vld [tilespmem:s31+$0x1140]  }
0xe7: {  	v44 =	vld [tilespmem:s31+$0x1150]  }
0xe8: {  	v45 =	vld [tilespmem:s31+$0x1160]  }
0xe9: {  	v46 =	vld [tilespmem:s31+$0x1500]  }
0xea: {  	v47 =	vld [tilespmem:s31+$0x1510]  }
0xeb: {  	v48 =	vld [tilespmem:s31+$0xD510]  }
0xec: {  	v49 =	vld [tilespmem:s31+$0xD530]  }
0xed: {  	v50 =	vld [tilespmem:s31+$0x1530]  }
0xee: {  	v51 =	vld [tilespmem:s31+$0x1520]  }
0xef: {  	v7 =	vld [tilespmem:s26+$0x0]  }
0xf0: {  	v8 =	vld [tilespmem:s28+$0x0]  }
0xf1: {  	v52 =	vld [tilespmem:s31+$0xD520]  }
0xf2: {  	v53 =	vld [tilespmem:s31+$0xD500]  }
0xf3: {  	v54 =	vld [tilespmem:s31+$0x1170]  }
0xf4: {  	v55 =	vld [tilespmem:s31+$0xD170];
	v50 =	vmul.f32 v50, v7  }
0xf5: {  	v56 =	vld [tilespmem:s31+$0xD160];
	v49 =	vmul.f32 v49, v8;
	v51 =	vmul.f32 v51, v7  }
0xf6: {  	v57 =	vld [tilespmem:s31+$0xD150];
	v52 =	vmul.f32 v52, v8;
	v47 =	vmul.f32 v47, v7  }
0xf7: {  	v61 =	vld [tilespmem:s31+$0xD100];
	v48 =	vmul.f32 v48, v8;
	v46 =	vmul.f32 v46, v7  }
0xf8: {  	v58 =	vld [tilespmem:s31+$0xD140];
	v62 =	vmul.f32 v53, v8;
	v63 =	vmul.f32 v54, v7;
	v49 =	vadd.f32 v49, v50  }
0xf9: {  	v53 =	vld [tilespmem:s31+$0xD130];
	v59 =	vmul.f32 v55, v8;
	v45 =	vmul.f32 v45, v7;
	v51 =	vadd.f32 v52, v51  }
0xfa: {  	v60 =	vmul.f32 v56, v8;
	v44 =	vmul.f32 v44, v7;
	v56 =	vld [tilespmem:s31+$0xCD60];
	v47 =	vadd.f32 v48, v47;
	[tilespmem:s31+$0x1530] =	vst v49  }
0xfb: {  	v43 =	vmul.f32 v43, v7;
	v39 =	vmul.f32 v39, v7;
	v55 =	vld [tilespmem:s31+$0xC970];
	v46 =	vadd.f32 v62, v46;
	[tilespmem:s31+$0x1520] =	vst v51  }
0xfc: {  	v61 =	vmul.f32 v61, v8;
	v12 =	vmul.f32 v12, v7;
	v48 =	vld [tilespmem:s31+$0xD120];
	v52 =	vadd.f32 v59, v63;
	[tilespmem:s31+$0x1510] =	vst v47  }
0xfd: {  	v11 =	vmul.f32 v11, v8;
	v63 =	vmul.f32 v58, v8;
	v45 =	vadd.f32 v60, v45;
	v58 =	vld [tilespmem:s31+$0xCD50];
	[tilespmem:s31+$0x1500] =	vst v46  }
0xfe: {  	v42 =	vmul.f32 v42, v7;
	v62 =	vmul.f32 v57, v8;
	v59 =	vld [tilespmem:s31+$0xCD40];
	v39 =	vadd.f32 v61, v39;
	[tilespmem:s31+$0x1170] =	vst v52  }
0xff: {  	v41 =	vmul.f32 v41, v7;
	v40 =	vmul.f32 v40, v7;
	v60 =	vld [tilespmem:s31+$0xCD30];
	v11 =	vadd.f32 v11, v12;
	[tilespmem:s31+$0x1160] =	vst v45  }
0x100: {  	v38 =	vmul.f32 v38, v7;
	v61 =	vld [tilespmem:s31+$0xC910];
	v44 =	vadd.f32 v62, v44;
	[tilespmem:s31+$0x1100] =	vst v39;
	v57 =	vmul.f32 v53, v8  }
0x101: {  	v37 =	vmul.f32 v37, v7;
	v49 =	vld [tilespmem:s31+$0xD110];
	v43 =	vadd.f32 v63, v43;
	[tilespmem:s31+$0x140] =	vst v11;
	v46 =	vmul.f32 v56, v8  }
0x102: {  	v36 =	vmul.f32 v36, v7;
	v47 =	vld [tilespmem:s31+$0xCD70];
	[tilespmem:s31+$0x1150] =	vst v44;
	v48 =	vmul.f32 v48, v8;
	v42 =	vadd.f32 v57, v42  }
0x103: {  	v35 =	vmul.f32 v35, v7;
	v62 =	vld [tilespmem:s31+$0xCD20];
	[tilespmem:s31+$0x1140] =	vst v43;
	v54 =	vmul.f32 v58, v8;
	v37 =	vadd.f32 v46, v37  }
0x104: {  	v34 =	vmul.f32 v34, v7;
	v63 =	vld [tilespmem:s31+$0xCD10];
	v45 =	vmul.f32 v59, v8;
	v41 =	vadd.f32 v48, v41;
	[tilespmem:s31+$0x1130] =	vst v42  }
0x105: {  	v33 =	vmul.f32 v33, v7;
	v56 =	vld [tilespmem:s31+$0xC960];
	v44 =	vmul.f32 v60, v8;
	v36 =	vadd.f32 v54, v36;
	[tilespmem:s31+$0xD60] =	vst v37  }
0x106: {  	v32 =	vmul.f32 v32, v7;
	v53 =	vld [tilespmem:s31+$0xCD00];
	v49 =	vmul.f32 v49, v8;
	v35 =	vadd.f32 v45, v35;
	[tilespmem:s31+$0x1120] =	vst v41  }
0x107: {  	v6 =	vmul.f32 v6, v7;
	v12 =	vld [tilespmem:s31+$0x1560];
	v47 =	vmul.f32 v47, v8;
	v34 =	vadd.f32 v44, v34;
	[tilespmem:s31+$0xD50] =	vst v36  }
0x108: {  	v5 =	vmul.f32 v5, v8;
	v58 =	vld [tilespmem:s31+$0xC940];
	v43 =	vmul.f32 v62, v8;
	v40 =	vadd.f32 v49, v40;
	[tilespmem:s31+$0xD40] =	vst v35  }
0x109: {  	v29 =	vmul.f32 v29, v7;
	v59 =	vld [tilespmem:s31+$0xC930];
	v42 =	vmul.f32 v63, v8;
	v38 =	vadd.f32 v47, v38;
	[tilespmem:s31+$0xD30] =	vst v34  }
0x10a: {  	v5 =	vadd.f32 v5, v6;
	v6 =	vld [tilespmem:s31+$0x100];
	v39 =	vmul.f32 v56, v8;
	v33 =	vadd.f32 v43, v33;
	[tilespmem:s31+$0x1110] =	vst v40  }
0x10b: {  	v31 =	vmul.f32 v31, v7;
	v60 =	vld [tilespmem:s31+$0xC920];
	v41 =	vmul.f32 v53, v8;
	v32 =	vadd.f32 v42, v32;
	[tilespmem:s31+$0xD70] =	vst v38  }
0x10c: {  	v24 =	vmul.f32 v24, v7;
	v57 =	vld [tilespmem:s31+$0xC950];
	v34 =	vmul.f32 v61, v8;
	v29 =	vadd.f32 v39, v29;
	[tilespmem:s31+$0xD20] =	vst v33  }
0x10d: {  	v27 =	vmul.f32 v27, v7;
	v62 =	vld [tilespmem:s31+$0xC900];
	v37 =	vmul.f32 v58, v8;
	v31 =	vadd.f32 v41, v31;
	[tilespmem:s31+$0xD10] =	vst v32  }
0x10e: {  	v26 =	vmul.f32 v26, v7;
	v63 =	vld [tilespmem:s31+$0xC570];
	v36 =	vmul.f32 v59, v8;
	v24 =	vadd.f32 v34, v24;
	[tilespmem:s31+$0x960] =	vst v29  }
0x10f: {  	v30 =	vmul.f32 v30, v7;
	v40 =	vmul.f32 v55, v8;
	v27 =	vadd.f32 v37, v27;
	v29 =	vld [tilespmem:s31+$0xC540];
	[tilespmem:s31+$0xD00] =	vst v31  }
0x110: {  	v25 =	vmul.f32 v25, v7;
	v35 =	vmul.f32 v60, v8;
	v26 =	vadd.f32 v36, v26;
	v31 =	vld [tilespmem:s31+$0xC560];
	[tilespmem:s31+$0x910] =	vst v24  }
0x111: {  	v28 =	vmul.f32 v28, v7;
	v38 =	vmul.f32 v57, v8;
	v30 =	vadd.f32 v40, v30;
	v24 =	vld [tilespmem:s31+$0xC170];
	[tilespmem:s31+$0x940] =	vst v27  }
0x112: {  	v23 =	vmul.f32 v23, v7;
	v33 =	vmul.f32 v62, v8;
	v25 =	vadd.f32 v35, v25;
	v27 =	vld [tilespmem:s31+$0xC520];
	[tilespmem:s31+$0x930] =	vst v26  }
0x113: {  	v22 =	vmul.f32 v22, v7;
	v32 =	vmul.f32 v63, v8;
	v28 =	vadd.f32 v38, v28;
	[tilespmem:s31+$0x970] =	vst v30;
	v30 =	vld [tilespmem:s31+$0xC550]  }
0x114: {  	v19 =	vmul.f32 v19, v7;
	v23 =	vadd.f32 v33, v23;
	[tilespmem:s31+$0x920] =	vst v25;
	v25 =	vld [tilespmem:s31+$0xC500];
	v29 =	vmul.f32 v29, v8  }
0x115: {  	v21 =	vmul.f32 v21, v7;
	v22 =	vadd.f32 v32, v22;
	[tilespmem:s31+$0x950] =	vst v28;
	v28 =	vld [tilespmem:s31+$0xC530];
	v31 =	vmul.f32 v31, v8  }
0x116: {  	v14 =	vmul.f32 v14, v7;
	[tilespmem:s31+$0x900] =	vst v23;
	v23 =	vld [tilespmem:s31+$0xC160];
	v24 =	vmul.f32 v24, v8;
	v19 =	vadd.f32 v29, v19  }
0x117: {  	v17 =	vmul.f32 v17, v7;
	v26 =	vld [tilespmem:s31+$0xC510];
	[tilespmem:s31+$0x570] =	vst v22;
	v27 =	vmul.f32 v27, v8;
	v21 =	vadd.f32 v31, v21  }
0x118: {  	v20 =	vmul.f32 v20, v7;
	v22 =	vld [tilespmem:s31+$0x150];
	v30 =	vmul.f32 v30, v8;
	v14 =	vadd.f32 v24, v14;
	[tilespmem:s31+$0x540] =	vst v19  }
0x119: {  	v15 =	vmul.f32 v15, v7;
	v25 =	vmul.f32 v25, v8;
	v17 =	vadd.f32 v27, v17;
	v19 =	vld [tilespmem:s31+$0xD550];
	[tilespmem:s31+$0x560] =	vst v21  }
0x11a: {  	v18 =	vmul.f32 v18, v7;
	v28 =	vmul.f32 v28, v8;
	v20 =	vadd.f32 v30, v20;
	v21 =	vld [tilespmem:s31+$0xC150];
	[tilespmem:s31+$0x170] =	vst v14  }
0x11b: {  	v13 =	vmul.f32 v13, v7;
	v23 =	vmul.f32 v23, v8;
	v15 =	vadd.f32 v25, v15;
	[tilespmem:s31+$0x520] =	vst v17;
	v17 =	vld [tilespmem:s31+$0x1540]  }
0x11c: {  	v16 =	vmul.f32 v16, v7;
	v26 =	vmul.f32 v26, v8;
	v18 =	vadd.f32 v28, v18;
	[tilespmem:s31+$0x550] =	vst v20;
	v20 =	vld [tilespmem:s31+$0xD540]  }
0x11d: {  	v10 =	vmul.f32 v10, v7;
	v9 =	vmul.f32 v9, v8;
	v13 =	vadd.f32 v23, v13;
	[tilespmem:s31+$0x500] =	vst v15;
	v15 =	vld [tilespmem:s31+$0x1550]  }
0x11e: {  	v4 =	vmul.f32 v4, v7;
	v3 =	vmul.f32 v3, v8;
	v16 =	vadd.f32 v26, v16;
	[tilespmem:s31+$0x530] =	vst v18;
	v18 =	vld [tilespmem:s31+$0xD560]  }
0x11f: {  	v9 =	vadd.f32 v9, v10;
	v10 =	vmul.f32 v22, v7;
	v14 =	vld [tilespmem:s31+$0x1570];
	[tilespmem:s31+$0x160] =	vst v13;
	v13 =	vmul.f32 v21, v8  }
0x120: {  	v3 =	vadd.f32 v3, v4;
	[tilespmem:s31+$0x510] =	vst v16;
	v16 =	vld [tilespmem:s31+$0xD570]  }
0x121: {  	s29 =	simm.s32 $0x0;
	[tilespmem:s31+$0x130] =	vst v9;
	v9 =	vld [tilespmem:s31+$0xC100];
	v11 =	vmul.f32 v17, v7;
	v17 =	vmul.f32 v20, v8;
	v4 =	vadd.f32 v13, v10  }
0x122: {  	s30 =	simm.s32 $0x80;
	s29 =	smul.u32 $0x1800, s29;
	[tilespmem:s31+$0x120] =	vst v5;
	v5 =	vmul.f32 v15, v7;
	v10 =	vmul.f32 v19, v8  }
0x123: {  	s1 =	sand.u32 $0x380, s30;
	v11 =	vadd.f32 v17, v11;
	[tilespmem:s31+$0x150] =	vst v4;
	v4 =	vmul.f32 v12, v7;
	v12 =	vmul.f32 v18, v8  }
0x124: {  	s29 =	sor.u32 s1, s29;
	[tilespmem:s31+$0x110] =	vst v3;
	v5 =	vadd.f32 v10, v5  }
0x125: {  	v3 =	vld [tilespmem:s29+$0x110];
	v10 =	vmul.f32 v14, v7;
	[tilespmem:s31+$0x1540] =	vst v11;
	v11 =	vmul.f32 v16, v8;
	v12 =	vadd.f32 v12, v4  }
0x126: {  	v7 =	vmul.f32 v6, v7;
	v8 =	vmul.f32 v9, v8;
	v4 =	vld [tilespmem:s29+$0xC110];
	[tilespmem:s31+$0x1550] =	vst v5  }
0x127: {  	v9 =	vadd.f32 v11, v10;
	v6 =	vld [tilespmem:s29+$0x120];
	[tilespmem:s31+$0x1560] =	vst v12  }
0x128: {  	v7 =	vadd.f32 v8, v7;
	v5 =	vld [tilespmem:s29+$0xC120]  }
0x129: {  	v8 =	vld [tilespmem:s29+$0x130];
	[tilespmem:s31+$0x1570] =	vst v9  }
0x12a: {  	v18 =	vld [tilespmem:s29+$0x530];
	[tilespmem:s31+$0x100] =	vst v7  }
0x12b: {  	v7 =	vld [tilespmem:s29+$0xC130]  }
0x12c: {  	v10 =	vld [tilespmem:s29+$0x140]  }
0x12d: {  	v9 =	vld [tilespmem:s29+$0xC140]  }
0x12e: {  	v12 =	vld [tilespmem:s29+$0x150]  }
0x12f: {  	v11 =	vld [tilespmem:s29+$0xC150]  }
0x130: {  	v13 =	vld [tilespmem:s29+$0x160]  }
0x131: {  	v14 =	vld [tilespmem:s29+$0x170]  }
0x132: {  	v15 =	vld [tilespmem:s29+$0x500]  }
0x133: {  	v16 =	vld [tilespmem:s29+$0x510]  }
0x134: {  	v17 =	vld [tilespmem:s29+$0x520]  }
0x135: {  	v19 =	vld [tilespmem:s29+$0x540]  }
0x136: {  	v20 =	vld [tilespmem:s29+$0x550]  }
0x137: {  	v21 =	vld [tilespmem:s29+$0x560]  }
0x138: {  	v22 =	vld [tilespmem:s29+$0x570]  }
0x139: {  	v23 =	vld [tilespmem:s29+$0x900]  }
0x13a: {  	v24 =	vld [tilespmem:s29+$0x910]  }
0x13b: {  	v25 =	vld [tilespmem:s29+$0x920]  }
0x13c: {  	v26 =	vld [tilespmem:s29+$0x930]  }
0x13d: {  	v27 =	vld [tilespmem:s29+$0x940]  }
0x13e: {  	v28 =	vld [tilespmem:s29+$0x950]  }
0x13f: {  	v29 =	vld [tilespmem:s29+$0x960]  }
0x140: {  	v30 =	vld [tilespmem:s29+$0x970]  }
0x141: {  	v31 =	vld [tilespmem:s29+$0xD00]  }
0x142: {  	v34 =	vld [tilespmem:s29+$0xD10]  }
0x143: {  	v35 =	vld [tilespmem:s29+$0xD20]  }
0x144: {  	v36 =	vld [tilespmem:s29+$0xD30]  }
0x145: {  	v37 =	vld [tilespmem:s29+$0xD40]  }
0x146: {  	v38 =	vld [tilespmem:s29+$0xD50]  }
0x147: {  	v39 =	vld [tilespmem:s29+$0xD60]  }
0x148: {  	v40 =	vld [tilespmem:s29+$0xD70]  }
0x149: {  	v41 =	vld [tilespmem:s29+$0x1100]  }
0x14a: {  	v42 =	vld [tilespmem:s29+$0x1110]  }
0x14b: {  	v43 =	vld [tilespmem:s29+$0x1120]  }
0x14c: {  	v44 =	vld [tilespmem:s29+$0x1130]  }
0x14d: {  	v45 =	vld [tilespmem:s29+$0x1140]  }
0x14e: {  	v46 =	vld [tilespmem:s29+$0x1150]  }
0x14f: {  	v47 =	vld [tilespmem:s29+$0x1160]  }
0x150: {  	v48 =	vld [tilespmem:s29+$0x1500]  }
0x151: {  	v50 =	vld [tilespmem:s29+$0x1510]  }
0x152: {  	v49 =	vld [tilespmem:s29+$0xD510]  }
0x153: {  	s31 =	simm.s32 $0x2;
	v51 =	vld [tilespmem:s29+$0xD530]  }
.LBB2_2:
0x154: {  	p0 =	sne.s32 s31, $0x3F;
	v52 =	vld [tilespmem:s29+$0x1530]  }
0x155: {  	s26 =	sadd.s32 $0x80, s26;
	v53 =	vld [tilespmem:s29+$0x1520]  }
0x156: {  	s28 =	sadd.s32 $0x80, s28;
	v33 =	vld [tilespmem:s26+$0x0]  }
0x157: {  	v32 =	vld [tilespmem:s28+$0x0]  }
0x158: {  	v54 =	vld [tilespmem:s29+$0xD520]  }
0x159: {  	v55 =	vld [tilespmem:s29+$0xD500]  }
0x15a: {  	v56 =	vld [tilespmem:s29+$0x1170]  }
0x15b: {  	v57 =	vld [tilespmem:s29+$0xD170];
	v50 =	vmul.f32 v50, v33;
	v53 =	vmul.f32 v53, v33  }
0x15c: {  	v52 =	vmul.f32 v52, v33;
	v58 =	vld [tilespmem:s29+$0xD160];
	v51 =	vmul.f32 v51, v32  }
0x15d: {  	v49 =	vmul.f32 v49, v32;
	v59 =	vld [tilespmem:s29+$0xD150];
	v54 =	vmul.f32 v54, v32  }
0x15e: {  	v48 =	vmul.f32 v48, v33;
	v60 =	vld [tilespmem:s29+$0xD140];
	v55 =	vmul.f32 v55, v32;
	v51 =	vadd.f32 v51, v52  }
0x15f: {  	v49 =	vadd.f32 v49, v50;
	v52 =	vld [tilespmem:s29+$0xD130];
	v56 =	vmul.f32 v56, v33;
	v50 =	vadd.f32 v54, v53  }
0x160: {  	v47 =	vmul.f32 v47, v33;
	v53 =	vld [tilespmem:s29+$0xD120];
	v54 =	vmul.f32 v57, v32;
	v48 =	vadd.f32 v55, v48;
	[tilespmem:s29+$0x1530] =	vst v51  }
0x161: {  	v46 =	vmul.f32 v46, v33;
	v51 =	vld [tilespmem:s29+$0xD110];
	v55 =	vmul.f32 v58, v32;
	[tilespmem:s29+$0x1520] =	vst v50  }
0x162: {  	v45 =	vmul.f32 v45, v33;
	v50 =	vld [tilespmem:s29+$0xD100];
	v57 =	vmul.f32 v59, v32;
	v54 =	vadd.f32 v54, v56;
	[tilespmem:s29+$0x1510] =	vst v49  }
0x163: {  	v44 =	vmul.f32 v44, v33;
	v49 =	vld [tilespmem:s29+$0xCD70];
	v56 =	vmul.f32 v60, v32;
	v47 =	vadd.f32 v55, v47;
	[tilespmem:s29+$0x1500] =	vst v48  }
0x164: {  	v43 =	vmul.f32 v43, v33;
	v48 =	vld [tilespmem:s29+$0xCD60];
	v52 =	vmul.f32 v52, v32;
	v46 =	vadd.f32 v57, v46;
	[tilespmem:s29+$0x1170] =	vst v54  }
0x165: {  	v42 =	vmul.f32 v42, v33;
	v54 =	vld [tilespmem:s29+$0xCD50];
	v53 =	vmul.f32 v53, v32;
	v45 =	vadd.f32 v56, v45;
	[tilespmem:s29+$0x1160] =	vst v47  }
0x166: {  	v41 =	vmul.f32 v41, v33;
	v47 =	vld [tilespmem:s29+$0xCD40];
	v51 =	vmul.f32 v51, v32;
	v44 =	vadd.f32 v52, v44;
	[tilespmem:s29+$0x1150] =	vst v46  }
0x167: {  	v40 =	vmul.f32 v40, v33;
	v46 =	vld [tilespmem:s29+$0xCD30];
	v50 =	vmul.f32 v50, v32;
	v43 =	vadd.f32 v53, v43;
	[tilespmem:s29+$0x1140] =	vst v45  }
0x168: {  	v39 =	vmul.f32 v39, v33;
	v45 =	vld [tilespmem:s29+$0xCD20];
	v49 =	vmul.f32 v49, v32;
	v42 =	vadd.f32 v51, v42;
	[tilespmem:s29+$0x1130] =	vst v44  }
0x169: {  	v38 =	vmul.f32 v38, v33;
	v44 =	vld [tilespmem:s29+$0xCD10];
	v48 =	vmul.f32 v48, v32;
	v41 =	vadd.f32 v50, v41;
	[tilespmem:s29+$0x1120] =	vst v43  }
0x16a: {  	v37 =	vmul.f32 v37, v33;
	v43 =	vld [tilespmem:s29+$0xCD00];
	v50 =	vmul.f32 v54, v32;
	v40 =	vadd.f32 v49, v40;
	[tilespmem:s29+$0x1110] =	vst v42  }
0x16b: {  	v36 =	vmul.f32 v36, v33;
	v42 =	vld [tilespmem:s29+$0xC970];
	v47 =	vmul.f32 v47, v32;
	v39 =	vadd.f32 v48, v39;
	[tilespmem:s29+$0x1100] =	vst v41  }
0x16c: {  	v35 =	vmul.f32 v35, v33;
	v41 =	vld [tilespmem:s29+$0xC960];
	v46 =	vmul.f32 v46, v32;
	v38 =	vadd.f32 v50, v38;
	[tilespmem:s29+$0xD70] =	vst v40  }
0x16d: {  	v34 =	vmul.f32 v34, v33;
	v40 =	vld [tilespmem:s29+$0xC950];
	v45 =	vmul.f32 v45, v32;
	v37 =	vadd.f32 v47, v37;
	[tilespmem:s29+$0xD60] =	vst v39  }
0x16e: {  	v31 =	vmul.f32 v31, v33;
	v39 =	vld [tilespmem:s29+$0xC940];
	v44 =	vmul.f32 v44, v32;
	v36 =	vadd.f32 v46, v36;
	[tilespmem:s29+$0xD50] =	vst v38  }
0x16f: {  	v30 =	vmul.f32 v30, v33;
	v38 =	vld [tilespmem:s29+$0xC930];
	v43 =	vmul.f32 v43, v32;
	v35 =	vadd.f32 v45, v35;
	[tilespmem:s29+$0xD40] =	vst v37  }
0x170: {  	v29 =	vmul.f32 v29, v33;
	v37 =	vld [tilespmem:s29+$0xC920];
	v42 =	vmul.f32 v42, v32;
	v34 =	vadd.f32 v44, v34;
	[tilespmem:s29+$0xD30] =	vst v36  }
0x171: {  	v28 =	vmul.f32 v28, v33;
	v36 =	vld [tilespmem:s29+$0xC910];
	v41 =	vmul.f32 v41, v32;
	v31 =	vadd.f32 v43, v31;
	[tilespmem:s29+$0xD20] =	vst v35  }
0x172: {  	v27 =	vmul.f32 v27, v33;
	v35 =	vld [tilespmem:s29+$0xC900];
	v40 =	vmul.f32 v40, v32;
	v30 =	vadd.f32 v42, v30;
	[tilespmem:s29+$0xD10] =	vst v34  }
0x173: {  	v26 =	vmul.f32 v26, v33;
	v34 =	vld [tilespmem:s29+$0xC570];
	v39 =	vmul.f32 v39, v32;
	v29 =	vadd.f32 v41, v29;
	[tilespmem:s29+$0xD00] =	vst v31  }
0x174: {  	v25 =	vmul.f32 v25, v33;
	v31 =	vld [tilespmem:s29+$0xC560];
	v38 =	vmul.f32 v38, v32;
	v28 =	vadd.f32 v40, v28;
	[tilespmem:s29+$0x970] =	vst v30  }
0x175: {  	v24 =	vmul.f32 v24, v33;
	v30 =	vld [tilespmem:s29+$0xC550];
	v37 =	vmul.f32 v37, v32;
	v27 =	vadd.f32 v39, v27;
	[tilespmem:s29+$0x960] =	vst v29  }
0x176: {  	v23 =	vmul.f32 v23, v33;
	v29 =	vld [tilespmem:s29+$0xC540];
	v36 =	vmul.f32 v36, v32;
	v26 =	vadd.f32 v38, v26;
	[tilespmem:s29+$0x950] =	vst v28  }
0x177: {  	v22 =	vmul.f32 v22, v33;
	v28 =	vld [tilespmem:s29+$0xC530];
	v35 =	vmul.f32 v35, v32;
	v25 =	vadd.f32 v37, v25;
	[tilespmem:s29+$0x940] =	vst v27  }
0x178: {  	v21 =	vmul.f32 v21, v33;
	v27 =	vld [tilespmem:s29+$0xC520];
	v34 =	vmul.f32 v34, v32;
	v24 =	vadd.f32 v36, v24;
	[tilespmem:s29+$0x930] =	vst v26  }
0x179: {  	v20 =	vmul.f32 v20, v33;
	v26 =	vld [tilespmem:s29+$0xC510];
	v31 =	vmul.f32 v31, v32;
	v23 =	vadd.f32 v35, v23;
	[tilespmem:s29+$0x920] =	vst v25  }
0x17a: {  	v19 =	vmul.f32 v19, v33;
	v25 =	vld [tilespmem:s29+$0xC500];
	v30 =	vmul.f32 v30, v32;
	v22 =	vadd.f32 v34, v22;
	[tilespmem:s29+$0x910] =	vst v24  }
0x17b: {  	v18 =	vmul.f32 v18, v33;
	v24 =	vld [tilespmem:s29+$0xC170];
	v29 =	vmul.f32 v29, v32;
	v21 =	vadd.f32 v31, v21;
	[tilespmem:s29+$0x900] =	vst v23  }
0x17c: {  	v17 =	vmul.f32 v17, v33;
	v23 =	vld [tilespmem:s29+$0xC160];
	v28 =	vmul.f32 v28, v32;
	v20 =	vadd.f32 v30, v20;
	[tilespmem:s29+$0x570] =	vst v22  }
0x17d: {  	v16 =	vmul.f32 v16, v33;
	v22 =	vmul.f32 v27, v32;
	v19 =	vadd.f32 v29, v19;
	[tilespmem:s29+$0x560] =	vst v21;
	v21 =	vld [tilespmem:s29+$0xD540]  }
0x17e: {  	v15 =	vmul.f32 v15, v33;
	v26 =	vmul.f32 v26, v32;
	v18 =	vadd.f32 v28, v18;
	[tilespmem:s29+$0x550] =	vst v20;
	v20 =	vld [tilespmem:s29+$0xD550]  }
0x17f: {  	v14 =	vmul.f32 v14, v33;
	v25 =	vmul.f32 v25, v32;
	v17 =	vadd.f32 v22, v17;
	[tilespmem:s29+$0x540] =	vst v19;
	v19 =	vld [tilespmem:s29+$0xD560]  }
0x180: {  	v13 =	vmul.f32 v13, v33;
	v22 =	vmul.f32 v24, v32;
	v16 =	vadd.f32 v26, v16;
	[tilespmem:s29+$0x530] =	vst v18;
	v18 =	vld [tilespmem:s29+$0xD570]  }
0x181: {  	v12 =	vmul.f32 v12, v33;
	v23 =	vmul.f32 v23, v32;
	v15 =	vadd.f32 v25, v15;
	[tilespmem:s29+$0x520] =	vst v17;
	v17 =	vld [tilespmem:s29+$0x1540]  }
0x182: {  	v10 =	vmul.f32 v10, v33;
	v11 =	vmul.f32 v11, v32;
	v14 =	vadd.f32 v22, v14;
	[tilespmem:s29+$0x510] =	vst v16;
	v16 =	vld [tilespmem:s29+$0x1550]  }
0x183: {  	v8 =	vmul.f32 v8, v33;
	v9 =	vmul.f32 v9, v32;
	v13 =	vadd.f32 v23, v13;
	[tilespmem:s29+$0x500] =	vst v15;
	v15 =	vld [tilespmem:s29+$0x1560]  }
0x184: {  	v6 =	vmul.f32 v6, v33;
	v7 =	vmul.f32 v7, v32;
	v11 =	vadd.f32 v11, v12;
	[tilespmem:s29+$0x170] =	vst v14;
	v12 =	vld [tilespmem:s29+$0x1570]  }
0x185: {  	v3 =	vmul.f32 v3, v33;
	v5 =	vmul.f32 v5, v32;
	v9 =	vadd.f32 v9, v10;
	v14 =	vld [tilespmem:s29+$0x100];
	[tilespmem:s29+$0x160] =	vst v13  }
0x186: {  	v4 =	vmul.f32 v4, v32;
	v7 =	vadd.f32 v7, v8;
	v10 =	vld [tilespmem:s29+$0xC100];
	[tilespmem:s29+$0x150] =	vst v11;
	v8 =	vmul.f32 v17, v33  }
0x187: {  	s0 =	sshrl.u32 s31, $0x3;
	v5 =	vadd.f32 v5, v6;
	v6 =	vmul.f32 v21, v32;
	[tilespmem:s29+$0x140] =	vst v9;
	v9 =	vmul.f32 v16, v33  }
0x188: {  	s30 =	sadd.s32 $0x80, s30;
	s0 =	smul.u32 $0x1800, s0;
	v3 =	vadd.f32 v4, v3;
	v4 =	vmul.f32 v20, v32;
	[tilespmem:s29+$0x130] =	vst v7;
	v7 =	vmul.f32 v15, v33  }
0x189: {  	s1 =	sand.u32 $0x380, s30;
	[tilespmem:s29+$0x120] =	vst v5;
	v5 =	vadd.f32 v6, v8;
	v6 =	vmul.f32 v19, v32;
	v8 =	vmul.f32 v12, v33  }
0x18a: {  	s0 =	sor.u32 s1, s0;
	v9 =	vadd.f32 v4, v9;
	v12 =	vmul.f32 v18, v32;
	v11 =	vmul.f32 v14, v33;
	[tilespmem:s29+$0x110] =	vst v3  }
0x18b: {  	v3 =	vld [tilespmem:s0+$0x110];
	v10 =	vmul.f32 v10, v32;
	[tilespmem:s29+$0x1540] =	vst v5;
	v5 =	vadd.f32 v6, v7  }
0x18c: {  	v7 =	vadd.f32 v12, v8;
	v4 =	vld [tilespmem:s0+$0xC110];
	[tilespmem:s29+$0x1550] =	vst v9  }
0x18d: {  	v6 =	vld [tilespmem:s0+$0x120];
	v9 =	vadd.f32 v10, v11;
	[tilespmem:s29+$0x1560] =	vst v5  }
0x18e: {  	v5 =	vld [tilespmem:s0+$0xC120];
	[tilespmem:s29+$0x1570] =	vst v7  }
0x18f: {  	v8 =	vld [tilespmem:s0+$0x130];
	[tilespmem:s29+$0x100] =	vst v9;
	s29 =	smov.u32 s0  }
0x190: {  	v7 =	vld [tilespmem:s29+$0xC130]  }
0x191: {  	v10 =	vld [tilespmem:s29+$0x140]  }
0x192: {  	v9 =	vld [tilespmem:s29+$0xC140]  }
0x193: {  	v12 =	vld [tilespmem:s29+$0x150]  }
0x194: {  	v11 =	vld [tilespmem:s29+$0xC150]  }
0x195: {  	v13 =	vld [tilespmem:s29+$0x160]  }
0x196: {  	v14 =	vld [tilespmem:s29+$0x170]  }
0x197: {  	v15 =	vld [tilespmem:s29+$0x500]  }
0x198: {  	v16 =	vld [tilespmem:s29+$0x510]  }
0x199: {  	v17 =	vld [tilespmem:s29+$0x520]  }
0x19a: {  	v18 =	vld [tilespmem:s29+$0x530]  }
0x19b: {  	v19 =	vld [tilespmem:s29+$0x540]  }
0x19c: {  	v20 =	vld [tilespmem:s29+$0x550]  }
0x19d: {  	v21 =	vld [tilespmem:s29+$0x560]  }
0x19e: {  	v22 =	vld [tilespmem:s29+$0x570]  }
0x19f: {  	v23 =	vld [tilespmem:s29+$0x900]  }
0x1a0: {  	v24 =	vld [tilespmem:s29+$0x910]  }
0x1a1: {  	v25 =	vld [tilespmem:s29+$0x920]  }
0x1a2: {  	v26 =	vld [tilespmem:s29+$0x930]  }
0x1a3: {  	v27 =	vld [tilespmem:s29+$0x940]  }
0x1a4: {  	v28 =	vld [tilespmem:s29+$0x950]  }
0x1a5: {  	v29 =	vld [tilespmem:s29+$0x960]  }
0x1a6: {  	v30 =	vld [tilespmem:s29+$0x970]  }
0x1a7: {  	v31 =	vld [tilespmem:s29+$0xD00]  }
0x1a8: {  	v34 =	vld [tilespmem:s29+$0xD10]  }
0x1a9: {  	v35 =	vld [tilespmem:s29+$0xD20]  }
0x1aa: {  	v36 =	vld [tilespmem:s29+$0xD30]  }
0x1ab: {  	v37 =	vld [tilespmem:s29+$0xD40]  }
0x1ac: {  	v38 =	vld [tilespmem:s29+$0xD50]  }
0x1ad: {  	v39 =	vld [tilespmem:s29+$0xD60]  }
0x1ae: {  	v40 =	vld [tilespmem:s29+$0xD70]  }
0x1af: {  	v41 =	vld [tilespmem:s29+$0x1100]  }
0x1b0: {  	v42 =	vld [tilespmem:s29+$0x1110]  }
0x1b1: {  	v43 =	vld [tilespmem:s29+$0x1120]  }
0x1b2: {  	v44 =	vld [tilespmem:s29+$0x1130]  }
0x1b3: {  	v45 =	vld [tilespmem:s29+$0x1140]  }
0x1b4: {  	v46 =	vld [tilespmem:s29+$0x1150]  }
.Ltmp0:
0x1b5: {  	v47 =	vld [tilespmem:s29+$0x1160];
	(pc) =	sbr.rel @p0 .LBB2_2-.Ltmp0, $4  }
0x1b6: {  	v48 =	vld [tilespmem:s29+$0x1500]  }
0x1b7: {  	v50 =	vld [tilespmem:s29+$0x1510]  }
0x1b8: {  	v49 =	vld [tilespmem:s29+$0xD510]  }
0x1b9: {  	s31 =	sadd.s32 $0x1, s31;
	v51 =	vld [tilespmem:s29+$0xD530]  }
0x1ba: {  	v52 =	vld [tilespmem:s29+$0x1530]  }
0x1bb: {  	v53 =	vld [tilespmem:s29+$0x1520];
	s0 =	sadd.s32 $0x80, s26  }
0x1bc: {  	s31 =	sadd.s32 $0x80, s28;
	v32 =	vld [tilespmem:s0+$0x0]  }
0x1bd: {  	v33 =	vld [tilespmem:s31+$0x0]  }
0x1be: {  	v54 =	vld [tilespmem:s29+$0xD520];
	_ =	sdelay $0x1  }
0x1bf: {  	v55 =	vld [tilespmem:s29+$0xD500]  }
0x1c0: {  	v56 =	vld [tilespmem:s29+$0x1170]  }
0x1c1: {  	v58 =	vld [tilespmem:s29+$0xD160];
	v52 =	vmul.f32 v52, v32;
	v51 =	vmul.f32 v51, v33  }
0x1c2: {  	v57 =	vld [tilespmem:s29+$0xD170];
	v53 =	vmul.f32 v53, v32;
	v54 =	vmul.f32 v54, v33  }
0x1c3: {  	v59 =	vld [tilespmem:s29+$0xD150];
	v50 =	vmul.f32 v50, v32;
	v49 =	vmul.f32 v49, v33  }
0x1c4: {  	v60 =	vld [tilespmem:s29+$0xD140];
	v48 =	vmul.f32 v48, v32;
	v62 =	vmul.f32 v55, v33;
	v51 =	vadd.f32 v51, v52  }
0x1c5: {  	v61 =	vld [tilespmem:s29+$0xD120];
	v63 =	vmul.f32 v56, v32;
	v47 =	vmul.f32 v47, v32;
	v53 =	vadd.f32 v54, v53  }
0x1c6: {  	v58 =	vmul.f32 v58, v33;
	v55 =	vld [tilespmem:s29+$0xC560];
	v12 =	vmul.f32 v12, v32;
	v49 =	vadd.f32 v49, v50;
	[tilespmem:s29+$0x1530] =	vst v51  }
0x1c7: {  	v56 =	vld [tilespmem:s29+$0xC550];
	v11 =	vmul.f32 v11, v33;
	v10 =	vmul.f32 v10, v32;
	v48 =	vadd.f32 v62, v48;
	[tilespmem:s29+$0x1520] =	vst v53  }
0x1c8: {  	v9 =	vmul.f32 v9, v33;
	v8 =	vmul.f32 v8, v32;
	v52 =	vld [tilespmem:s29+$0xD130];
	v47 =	vadd.f32 v58, v47;
	[tilespmem:s29+$0x1510] =	vst v49  }
0x1c9: {  	v7 =	vmul.f32 v7, v33;
	v6 =	vmul.f32 v6, v32;
	v50 =	vld [tilespmem:s29+$0xD100];
	v11 =	vadd.f32 v11, v12;
	[tilespmem:s29+$0x1500] =	vst v48  }
0x1ca: {  	v5 =	vmul.f32 v5, v33;
	v3 =	vmul.f32 v3, v32;
	v58 =	vld [tilespmem:s29+$0xCD20];
	v9 =	vadd.f32 v9, v10;
	[tilespmem:s29+$0x1160] =	vst v47  }
0x1cb: {  	v4 =	vmul.f32 v4, v33;
	v62 =	vmul.f32 v59, v33;
	v59 =	vld [tilespmem:s29+$0xCD10];
	v7 =	vadd.f32 v7, v8;
	[tilespmem:s29+$0x150] =	vst v11  }
0x1cc: {  	v57 =	vmul.f32 v57, v33;
	v54 =	vld [tilespmem:s29+$0xC570];
	v5 =	vadd.f32 v5, v6;
	[tilespmem:s29+$0x140] =	vst v9  }
0x1cd: {  	v46 =	vmul.f32 v46, v32;
	v3 =	vadd.f32 v4, v3;
	v51 =	vld [tilespmem:s29+$0xD110];
	[tilespmem:s29+$0x130] =	vst v7  }
0x1ce: {  	v45 =	vmul.f32 v45, v32;
	v49 =	vld [tilespmem:s29+$0xCD70];
	v53 =	vadd.f32 v57, v63;
	v63 =	vmul.f32 v60, v33;
	[tilespmem:s29+$0x120] =	vst v5  }
0x1cf: {  	v43 =	vmul.f32 v43, v32;
	v48 =	vld [tilespmem:s29+$0xCD60];
	v46 =	vadd.f32 v62, v46;
	v57 =	vmul.f32 v61, v33;
	[tilespmem:s29+$0x110] =	vst v3  }
0x1d0: {  	v44 =	vmul.f32 v44, v32;
	v47 =	vld [tilespmem:s29+$0xCD40];
	[tilespmem:s29+$0x1170] =	vst v53;
	v45 =	vadd.f32 v63, v45;
	v52 =	vmul.f32 v52, v33  }
0x1d1: {  	v41 =	vmul.f32 v41, v32;
	v60 =	vld [tilespmem:s29+$0xCD00];
	[tilespmem:s29+$0x1150] =	vst v46;
	v43 =	vadd.f32 v57, v43;
	v50 =	vmul.f32 v50, v33  }
0x1d2: {  	v35 =	vmul.f32 v35, v32;
	v61 =	vld [tilespmem:s29+$0xC970];
	[tilespmem:s29+$0x1140] =	vst v45;
	v45 =	vmul.f32 v58, v33;
	v44 =	vadd.f32 v52, v44  }
0x1d3: {  	v42 =	vmul.f32 v42, v32;
	v53 =	vld [tilespmem:s29+$0xCD50];
	[tilespmem:s29+$0x1120] =	vst v43;
	v51 =	vmul.f32 v51, v33;
	v41 =	vadd.f32 v50, v41  }
0x1d4: {  	v40 =	vmul.f32 v40, v32;
	v46 =	vld [tilespmem:s29+$0xCD30];
	v49 =	vmul.f32 v49, v33;
	v35 =	vadd.f32 v45, v35;
	[tilespmem:s29+$0x1130] =	vst v44  }
0x1d5: {  	v39 =	vmul.f32 v39, v32;
	v62 =	vld [tilespmem:s29+$0xC960];
	v48 =	vmul.f32 v48, v33;
	v42 =	vadd.f32 v51, v42;
	[tilespmem:s29+$0x1100] =	vst v41  }
0x1d6: {  	v37 =	vmul.f32 v37, v32;
	v57 =	vld [tilespmem:s29+$0xC540];
	v47 =	vmul.f32 v47, v33;
	v40 =	vadd.f32 v49, v40;
	[tilespmem:s29+$0xD20] =	vst v35  }
0x1d7: {  	v31 =	vmul.f32 v31, v32;
	v58 =	vld [tilespmem:s29+$0xC530];
	v43 =	vmul.f32 v60, v33;
	v39 =	vadd.f32 v48, v39;
	[tilespmem:s29+$0x1110] =	vst v42  }
0x1d8: {  	v38 =	vmul.f32 v38, v32;
	v50 =	vld [tilespmem:s29+$0xC930];
	v63 =	vmul.f32 v53, v33;
	v37 =	vadd.f32 v47, v37;
	[tilespmem:s29+$0xD70] =	vst v40  }
0x1d9: {  	v36 =	vmul.f32 v36, v32;
	v60 =	vld [tilespmem:s29+$0xC510];
	v46 =	vmul.f32 v46, v33;
	v31 =	vadd.f32 v43, v31;
	[tilespmem:s29+$0xD60] =	vst v39  }
0x1da: {  	v34 =	vmul.f32 v34, v32;
	v52 =	vld [tilespmem:s29+$0xC910];
	v44 =	vmul.f32 v59, v33;
	v38 =	vadd.f32 v63, v38;
	[tilespmem:s29+$0xD40] =	vst v37  }
0x1db: {  	v29 =	vmul.f32 v29, v32;
	v45 =	vld [tilespmem:s29+$0x1540];
	v41 =	vmul.f32 v62, v33;
	v36 =	vadd.f32 v46, v36;
	[tilespmem:s29+$0xD00] =	vst v31  }
0x1dc: {  	v21 =	vmul.f32 v21, v32;
	v48 =	vld [tilespmem:s29+$0xC950];
	v62 =	vmul.f32 v55, v33;
	v34 =	vadd.f32 v44, v34;
	[tilespmem:s29+$0xD50] =	vst v38  }
0x1dd: {  	v30 =	vmul.f32 v30, v32;
	v49 =	vld [tilespmem:s29+$0xC940];
	v42 =	vmul.f32 v61, v33;
	v29 =	vadd.f32 v41, v29;
	[tilespmem:s29+$0xD30] =	vst v36  }
0x1de: {  	v16 =	vmul.f32 v16, v32;
	v51 =	vld [tilespmem:s29+$0xC920];
	v21 =	vadd.f32 v62, v21;
	v41 =	vmul.f32 v60, v33;
	[tilespmem:s29+$0xD10] =	vst v34  }
0x1df: {  	v26 =	vmul.f32 v26, v32;
	v53 =	vld [tilespmem:s29+$0xC900];
	v30 =	vadd.f32 v42, v30;
	[tilespmem:s29+$0x960] =	vst v29;
	v38 =	vmul.f32 v50, v33  }
0x1e0: {  	v24 =	vmul.f32 v24, v32;
	v59 =	vld [tilespmem:s29+$0xC520];
	v36 =	vmul.f32 v52, v33;
	[tilespmem:s29+$0x560] =	vst v21;
	v16 =	vadd.f32 v41, v16  }
0x1e1: {  	v22 =	vmul.f32 v22, v32;
	v43 =	vld [tilespmem:s29+$0xD570];
	v34 =	vmul.f32 v54, v33;
	[tilespmem:s29+$0x970] =	vst v30;
	v26 =	vadd.f32 v38, v26  }
0x1e2: {  	v28 =	vmul.f32 v28, v32;
	v61 =	vld [tilespmem:s29+$0xC500];
	v40 =	vmul.f32 v48, v33;
	v24 =	vadd.f32 v36, v24;
	[tilespmem:s29+$0x510] =	vst v16  }
0x1e3: {  	v27 =	vmul.f32 v27, v32;
	v63 =	vld [tilespmem:s29+$0xC170];
	v39 =	vmul.f32 v49, v33;
	v22 =	vadd.f32 v34, v22;
	[tilespmem:s29+$0x930] =	vst v26  }
0x1e4: {  	v25 =	vmul.f32 v25, v32;
	v46 =	vld [tilespmem:s29+$0x1550];
	v37 =	vmul.f32 v51, v33;
	v28 =	vadd.f32 v40, v28;
	[tilespmem:s29+$0x910] =	vst v24  }
0x1e5: {  	v23 =	vmul.f32 v23, v32;
	v50 =	vld [tilespmem:s29+$0xC100];
	v35 =	vmul.f32 v53, v33;
	v27 =	vadd.f32 v39, v27;
	[tilespmem:s29+$0x570] =	vst v22  }
0x1e6: {  	v20 =	vmul.f32 v20, v32;
	v48 =	vld [tilespmem:s29+$0x1560];
	v30 =	vmul.f32 v56, v33;
	v25 =	vadd.f32 v37, v25;
	[tilespmem:s29+$0x950] =	vst v28  }
0x1e7: {  	v19 =	vmul.f32 v19, v32;
	v51 =	vld [tilespmem:s29+$0x100];
	v23 =	vadd.f32 v35, v23;
	v35 =	vmul.f32 v57, v33;
	[tilespmem:s29+$0x940] =	vst v27  }
0x1e8: {  	v18 =	vmul.f32 v18, v32;
	v34 =	vld [tilespmem:s29+$0xC160];
	v37 =	vmul.f32 v58, v33;
	v20 =	vadd.f32 v30, v20;
	[tilespmem:s29+$0x920] =	vst v25  }
0x1e9: {  	v17 =	vmul.f32 v17, v32;
	v36 =	vld [tilespmem:s29+$0xD540];
	v39 =	vmul.f32 v59, v33;
	[tilespmem:s29+$0x900] =	vst v23;
	v19 =	vadd.f32 v35, v19  }
0x1ea: {  	v15 =	vmul.f32 v15, v32;
	v38 =	vld [tilespmem:s29+$0xD550];
	v42 =	vmul.f32 v61, v33;
	v18 =	vadd.f32 v37, v18;
	[tilespmem:s29+$0x550] =	vst v20  }
0x1eb: {  	v14 =	vmul.f32 v14, v32;
	v40 =	vld [tilespmem:s29+$0xD560];
	v44 =	vmul.f32 v63, v33;
	v17 =	vadd.f32 v39, v17;
	[tilespmem:s29+$0x540] =	vst v19  }
0x1ec: {  	v49 =	vld [tilespmem:s29+$0x1570];
	v15 =	vadd.f32 v42, v15;
	v10 =	vmul.f32 v50, v33;
	v61 =	vmul.f32 v51, v32;
	[tilespmem:s29+$0x530] =	vst v18  }
0x1ed: {  	v13 =	vmul.f32 v13, v32;
	v14 =	vadd.f32 v44, v14;
	[tilespmem:s29+$0x520] =	vst v17;
	v47 =	vmul.f32 v34, v33  }
0x1ee: {  	v52 =	vmul.f32 v45, v32;
	[tilespmem:s29+$0x500] =	vst v15;
	v53 =	vmul.f32 v36, v33;
	v63 =	vadd.f32 v10, v61  }
0x1ef: {  	v54 =	vmul.f32 v46, v32;
	[tilespmem:s29+$0x170] =	vst v14;
	v55 =	vmul.f32 v38, v33;
	v13 =	vadd.f32 v47, v13  }
0x1f0: {  	v56 =	vmul.f32 v48, v32;
	v58 =	vmul.f32 v40, v33;
	v57 =	vadd.f32 v53, v52;
	[tilespmem:s29+$0x100] =	vst v63  }
0x1f1: {  	v60 =	vmul.f32 v43, v33;
	v59 =	vmul.f32 v49, v32;
	v3 =	vadd.f32 v55, v54;
	[tilespmem:s29+$0x160] =	vst v13  }
0x1f2: {  	v62 =	vadd.f32 v58, v56;
	[tilespmem:s29+$0x1540] =	vst v57  }
0x1f3: {  	s25 =	sadd.s32 $0x1, s25;
	[tilespmem:s29+$0x1550] =	vst v3;
	v3 =	vadd.f32 v60, v59  }
0x1f4: {  	p0 =	sne.s32 s25, s11;
	[tilespmem:s29+$0x1560] =	vst v62  }
.Ltmp1:
0x1f5: {  	[tilespmem:s29+$0x1570] =	vst v3;
	(pc) =	sbr.rel @p0 .LBB2_1-.Ltmp1, $4  }
0x1f6: {  	[hbm4b:s10+s2] =	stream.linear.scatter [tilespmem:s13], [sflag:$0x2], $0xC000, $0x38;
	[tilespmem:$0x1C100] =	vst v63  }
0x1f7: {  	_ =	swait.ge [sflag:s12], $0xC000  }
0x1f8: {  	[sflag:s12] =	ssyncset.done $0x0  }
0x1f9: {  	[sflag:s12] =	ssyncadd.s32 $0xFFFF4000  }
0x1fa: {  	_ =	sfence.sel $0x180000  }
0x1fb: {  	[bflag:$0x0] =	sbarrier.arrive $0xFFFF  }
0x1fc: {  	_ =	strace $0x9000004A  }
0x1fd: {  	s0 =	stileid.u32;
	[bflag:$0x2] =	sbarrier.arrive $0xFFFF  }
0x1fe: {  	p0 =	sne.s32 s0, $0x0;
	s0 =	rddreg [dreg:$0x2]  }
0x1ff: {  	s0 =	sadd.s32 @!p0 $0x100000, s0  }
0x200: {  	[sflag:s0] =	ssyncadd.tile.s32 @!p0 $0x1;
	_ =	shalt  }
.Lfunc_end2:
_tile_overlayer_lowered:
.L_overlay_start_2:
0x201: {  	(tag) =	ssettag $0x2  }
0x202: {  	s0 =	rddreg [dreg:$0x0];
	s2 =	stileid.u32  }
0x203: {  	s1 =	rddreg [dreg:$0x1];
	p0 =	sne.s32 s2, $0x0  }
0x204: {  	s3 =	rddreg [dreg:$0x2];
	[bflag:$0x3] =	sbarrier.arrive $0xFFFF;
	s2 =	simm.s32 @!p0 $0x1C02  }
0x205: {  	[timem:s3], [sflag:s2] =	dma.local @!p0 [hbm:s0], s1  }
0x206: {  	s0 =	simm.s32 @!p0 $0x2  }
0x207: {  	_ =	swait.ge @!p0 [sflag:s0], s1  }
0x208: {  	s1 =	ssub.s32 @!p0 $0x0, s1;
	[sflag:s0] =	ssyncset.done @!p0 $0x0  }
0x209: {  	[sflag:s0] =	ssyncadd.s32 @!p0 s1  }
0x20a: {  	[bflag:$0x3] =	sbarrier.arrive $0xFFFF  }
0x20b: {  	_ =	shalt  }

</sc_bundles>
